<compile_context>
chip_gen: v7x
topology: tpu7x:2x2x1
jax: 0.10.2.dev20260603
libtpu: 0.0.44.dev20260713+nightly
codegen_flags: <defaults>
</compile_context>

<pallas_src>
import functools

import jax
import jax.numpy as jnp
from jax import lax
from jax.experimental import pallas as pl
from jax.experimental.pallas import tpu as pltpu
from jax.experimental.pallas import tpu_sc as plsc

BATCH = 16384
EMBED = 128
NC, NS = 2, 16
NW = NC * NS
CHUNK = 128
NSPLIT = 2


def _sc_gather4(users, items, t_ug, t_ig, t_um, t_im, si, n):
    b_per_w = n // NW
    assert b_per_w == 2 * CHUNK
    mesh = plsc.VectorSubcoreMesh(core_axis_name="c", subcore_axis_name="s")
    row_t = jax.ShapeDtypeStruct((n, EMBED), jnp.float32)

    @functools.partial(
        pl.kernel,
        mesh=mesh,
        out_type=(row_t, row_t, row_t),
        scratch_types=[
            pltpu.VMEM((b_per_w,), jnp.int32),
            pltpu.VMEM((b_per_w,), jnp.int32),
            pltpu.VMEM((2, CHUNK, EMBED), jnp.float32),
            pltpu.VMEM((2, CHUNK, EMBED), jnp.float32),
            pltpu.VMEM((3, CHUNK, EMBED), jnp.float32),
        ] + [pltpu.SemaphoreType.DMA] * 14,
    )
    def k(u_ref, i_ref, ug_ref, ig_ref, um_ref, im_ref,
          o_gp, o_um, o_im, uidx, iidx, ga, gb, rg, *sems):
        wid = lax.axis_index("s") * NC + lax.axis_index("c")
        base = wid * b_per_w
        pltpu.sync_copy(u_ref.at[pl.ds(si * n + base, b_per_w)], uidx)
        pltpu.sync_copy(i_ref.at[pl.ds(si * n + base, b_per_w)], iidx)
        u0 = uidx.at[pl.ds(0, CHUNK)]
        u1 = uidx.at[pl.ds(CHUNK, CHUNK)]
        i0 = iidx.at[pl.ds(0, CHUNK)]
        i1 = iidx.at[pl.ds(CHUNK, CHUNK)]
        gh = [pltpu.async_copy(ug_ref.at[u0], ga.at[0], sems[0]),
              pltpu.async_copy(ig_ref.at[i0], gb.at[0], sems[1]),
              pltpu.async_copy(ug_ref.at[u1], ga.at[1], sems[2]),
              pltpu.async_copy(ig_ref.at[i1], gb.at[1], sems[3])]
        mh = [pltpu.async_copy(um_ref.at[u0], rg.at[0], sems[4]),
              pltpu.async_copy(im_ref.at[i0], rg.at[1], sems[5]),
              pltpu.async_copy(um_ref.at[u1], rg.at[2], sems[6])]

        def product(c):
            def body(r, _):
                for kk in range(EMBED // 16):
                    sl = pl.ds(kk * 16, 16)
                    ga[c, r, sl] = ga[c, r, sl] * gb[c, r, sl]
                return 0
            lax.fori_loop(0, CHUNK, body, 0)

        sh = []
        gh[0].wait()
        gh[1].wait()
        product(0)
        sh.append(pltpu.async_copy(
            ga.at[0], o_gp.at[pl.ds(base, CHUNK)], sems[7]))
        mh.append(pltpu.async_copy(im_ref.at[i1], gb.at[0], sems[8]))
        mh[0].wait()
        sh.append(pltpu.async_copy(
            rg.at[0], o_um.at[pl.ds(base, CHUNK)], sems[9]))
        gh[2].wait()
        gh[3].wait()
        product(1)
        sh.append(pltpu.async_copy(
            ga.at[1], o_gp.at[pl.ds(base + CHUNK, CHUNK)], sems[10]))
        mh[1].wait()
        sh.append(pltpu.async_copy(
            rg.at[1], o_im.at[pl.ds(base, CHUNK)], sems[11]))
        mh[2].wait()
        sh.append(pltpu.async_copy(
            rg.at[2], o_um.at[pl.ds(base + CHUNK, CHUNK)], sems[12]))
        mh[3].wait()
        sh.append(pltpu.async_copy(
            gb.at[0], o_im.at[pl.ds(base + CHUNK, CHUNK)], sems[13]))
        for h in sh:
            h.wait()

    return k(users, items, t_ug, t_ig, t_um, t_im)


BLK = 4096


def _dense_body(gp, um, im, w1, b1, w2, b2, pwg, pwm, out):
    h = jnp.maximum(
        um[:] @ w1[0:EMBED, :] + im[:] @ w1[EMBED:2 * EMBED, :] + b1[:], 0.0)
    m = jnp.maximum(h @ w2[:] + b2[:], 0.0)
    out[:] = (jnp.sum(gp[:] * pwg[:], axis=1)
              + jnp.sum(m * pwm[:], axis=1))


def _tc_dense(gp, um, im, W1, b1, W2, b2, pwg, pwm):
    n = gp.shape[0]
    grid = (n // BLK,)
    row_spec = pl.BlockSpec((BLK, EMBED), lambda i: (i, 0))
    full = lambda shape: pl.BlockSpec(shape, lambda i: (0,) * len(shape))
    return pl.pallas_call(
        _dense_body,
        grid=grid,
        in_specs=[
            row_spec, row_spec, row_spec,
            full((2 * EMBED, EMBED)), full((1, EMBED)),
            full((EMBED, 64)), full((1, 64)),
            full((1, EMBED)), full((1, 64)),
        ],
        out_specs=pl.BlockSpec((BLK,), lambda i: (i,)),
        out_shape=jax.ShapeDtypeStruct((n,), jnp.float32),
    )(gp, um, im, W1, b1, W2, b2, pwg, pwm)


def kernel(users, items, user_emb_gmf, item_emb_gmf, user_emb_mlp,
           item_emb_mlp, W1, b1, W2, b2, proj_w):
    users = users.astype(jnp.int32)
    items = items.astype(jnp.int32)
    b1r = b1.reshape(1, EMBED)
    b2r = b2.reshape(1, 64)
    pwg = proj_w[:EMBED].reshape(1, EMBED)
    pwm = proj_w[EMBED:].reshape(1, 64)
    n = BATCH // NSPLIT
    scores = []
    for si in range(NSPLIT):
        gp, um, im = _sc_gather4(users, items, user_emb_gmf, item_emb_gmf,
                                 user_emb_mlp, item_emb_mlp, si, n)
        scores.append(_tc_dense(gp, um, im, W1, b1r, W2, b2r, pwg, pwm))
    return jnp.concatenate(scores)

# --- scband reference (transcript-rebuilt; emitter-appended) ---
"""Pipeline reference for scband-ncf-48722109006458 (READ-ONLY COPY).

The authoritative reference and input builder live on the scoring server;
editing this copy changes nothing except your own understanding.
"""

import jax, jax.numpy as jnp
import numpy as np

NUM_USERS = 100000
NUM_ITEMS = 100000
EMBED_DIM = 128
BATCH = 16384


def setup_inputs(seed: int = 0) -> dict:
    key = jax.random.key(seed)
    ks = jax.random.split(key, 12)
    users = jax.random.randint(ks[0], (BATCH,), 0, NUM_USERS, dtype=jnp.int64 if jax.config.jax_enable_x64 else jnp.int32)
    items = jax.random.randint(ks[1], (BATCH,), 0, NUM_ITEMS, dtype=jnp.int64 if jax.config.jax_enable_x64 else jnp.int32)
    scale = 0.02
    user_emb_gmf = jax.random.normal(ks[2], (NUM_USERS, EMBED_DIM), dtype=jnp.float32) * scale
    item_emb_gmf = jax.random.normal(ks[3], (NUM_ITEMS, EMBED_DIM), dtype=jnp.float32) * scale
    user_emb_mlp = jax.random.normal(ks[4], (NUM_USERS, EMBED_DIM), dtype=jnp.float32) * scale
    item_emb_mlp = jax.random.normal(ks[5], (NUM_ITEMS, EMBED_DIM), dtype=jnp.float32) * scale
    # MLP tower: input 2*EMBED_DIM=256 -> 128 -> 64
    W1 = jax.random.normal(ks[6], (2 * EMBED_DIM, 128), dtype=jnp.float32) * (1.0 / np.sqrt(2 * EMBED_DIM))
    b1 = jnp.zeros((128,), dtype=jnp.float32)
    W2 = jax.random.normal(ks[7], (128, 64), dtype=jnp.float32) * (1.0 / np.sqrt(128))
    b2 = jnp.zeros((64,), dtype=jnp.float32)
    # NCF fusion projector: in_features = EMBED_DIM (gmf) + 64 (mlp) = 192, no bias.
    # Mirrors _get_projector: concat of halved gmf/mlp projector weights.
    gmf_proj_w = jax.random.normal(ks[8], (EMBED_DIM, 1), dtype=jnp.float32) * (1.0 / np.sqrt(EMBED_DIM))
    mlp_proj_w = jax.random.normal(ks[9], (64, 1), dtype=jnp.float32) * (1.0 / np.sqrt(64))
    proj_w = jnp.concatenate([gmf_proj_w / 2.0, mlp_proj_w / 2.0], axis=0)
    return {
        "users": users,
        "items": items,
        "user_emb_gmf": user_emb_gmf,
        "item_emb_gmf": item_emb_gmf,
        "user_emb_mlp": user_emb_mlp,
        "item_emb_mlp": item_emb_mlp,
        "W1": W1,
        "b1": b1,
        "W2": W2,
        "b2": b2,
        "proj_w": proj_w,
    }


def reference(users, items, user_emb_gmf, item_emb_gmf, user_emb_mlp, item_emb_mlp, W1, b1, W2, b2, proj_w):
    # GMF branch: elementwise product of user/item embeddings
    gmf_feat = jnp.take(user_emb_gmf, users, axis=0) * jnp.take(item_emb_gmf, items, axis=0)
    # MLP branch: concat embeddings -> 2-layer ReLU MLP
    mlp_in = jnp.concatenate([jnp.take(user_emb_mlp, users, axis=0), jnp.take(item_emb_mlp, items, axis=0)], axis=1)
    h = jax.nn.relu(mlp_in @ W1 + b1)
    mlp_feat = jax.nn.relu(h @ W2 + b2)
    # Fusion: concat features, linear projector (no bias), squeeze
    features = jnp.concatenate([gmf_feat, mlp_feat], axis=1)
    score = (features @ proj_w)[:, 0]
    return score

if __name__ == "__main__":
    import jax
    _d = setup_inputs()
    print(jax.jit(kernel)(*tuple(_d.values())))

</pallas_src>

<mosaic_0001>
#map = affine_map<(d0, d1) -> (0)>
#map1 = affine_map<(d0, d1) -> (0, 0)>
module attributes {stable_mosaic.version = 14 : i64} {
  func.func @k(%arg0: i32, %arg1: i32, %arg2: memref<16384xi32, #tpu.memory_space<hbm>>, %arg3: memref<16384xi32, #tpu.memory_space<hbm>>, %arg4: memref<100000x128xf32, #tpu.memory_space<hbm>>, %arg5: memref<100000x128xf32, #tpu.memory_space<hbm>>, %arg6: memref<100000x128xf32, #tpu.memory_space<hbm>>, %arg7: memref<100000x128xf32, #tpu.memory_space<hbm>>, %arg8: memref<8192x128xf32, #tpu.memory_space<hbm>>, %arg9: memref<8192x128xf32, #tpu.memory_space<hbm>>, %arg10: memref<8192x128xf32, #tpu.memory_space<hbm>>, %arg11: memref<256xi32, #tpu.memory_space<vmem>>, %arg12: memref<256xi32, #tpu.memory_space<vmem>>, %arg13: memref<2x128x128xf32, #tpu.memory_space<vmem>>, %arg14: memref<2x128x128xf32, #tpu.memory_space<vmem>>, %arg15: memref<3x128x128xf32, #tpu.memory_space<vmem>>, %arg16: memref<!tpu.dma_semaphore, #tpu.memory_space<semaphore_mem>>, %arg17: memref<!tpu.dma_semaphore, #tpu.memory_space<semaphore_mem>>, %arg18: memref<!tpu.dma_semaphore, #tpu.memory_space<semaphore_mem>>, %arg19: memref<!tpu.dma_semaphore, #tpu.memory_space<semaphore_mem>>, %arg20: memref<!tpu.dma_semaphore, #tpu.memory_space<semaphore_mem>>, %arg21: memref<!tpu.dma_semaphore, #tpu.memory_space<semaphore_mem>>, %arg22: memref<!tpu.dma_semaphore, #tpu.memory_space<semaphore_mem>>, %arg23: memref<!tpu.dma_semaphore, #tpu.memory_space<semaphore_mem>>, %arg24: memref<!tpu.dma_semaphore, #tpu.memory_space<semaphore_mem>>, %arg25: memref<!tpu.dma_semaphore, #tpu.memory_space<semaphore_mem>>, %arg26: memref<!tpu.dma_semaphore, #tpu.memory_space<semaphore_mem>>, %arg27: memref<!tpu.dma_semaphore, #tpu.memory_space<semaphore_mem>>, %arg28: memref<!tpu.dma_semaphore, #tpu.memory_space<semaphore_mem>>, %arg29: memref<!tpu.dma_semaphore, #tpu.memory_space<semaphore_mem>>) attributes {dimension_semantics = [#tpu.dimension_semantics<core_parallel>, #tpu.dimension_semantics<subcore_parallel>], iteration_bounds = array<i64: 2, 16>, scalar_prefetch = 0 : i64, scratch_operands = 19 : i64, tpu.core_type = #tpu.core_type<sc_vector_subcore>, window_params = [{transform_indices = #map}, {transform_indices = #map}, {transform_indices = #map1}, {transform_indices = #map1}, {transform_indices = #map1}, {transform_indices = #map1}, {transform_indices = #map1}, {transform_indices = #map1}, {transform_indices = #map1}]} {
    %mul3A = arith.constant 2 : i32
    %mul3A_0 = arith.muli %arg1, %mul3A : i32
    %add3A = arith.addi %mul3A_0, %arg0 : i32
    %mul3A_1 = arith.constant 256 : i32
    %mul3A_2 = arith.muli %add3A, %mul3A_1 : i32
    %add3A_3 = arith.constant 0 : i32
    %add3A_4 = arith.addi %add3A_3, %mul3A_2 : i32
    "tpu.region"() ({
      %run_scoped3A = tpu.sem_alloc : memref<!tpu.dma_semaphore, #tpu.memory_space<semaphore_mem>>
      %dma_start3A_340 = tpu.memref_slice %arg2[%add3A_4] : memref<16384xi32, #tpu.memory_space<hbm>> -> memref<256xi32, #tpu.memory_space<hbm>>
      %dma_start3A_341 = tpu.memref_slice %arg2[%add3A_4] : memref<16384xi32, #tpu.memory_space<hbm>> -> memref<256xi32, #tpu.memory_space<hbm>>
      tpu.enqueue_dma source(%dma_start3A_341 : memref<256xi32, #tpu.memory_space<hbm>>) target(%arg11 : memref<256xi32, #tpu.memory_space<vmem>>) target_semaphore(%run_scoped3A : memref<!tpu.dma_semaphore, #tpu.memory_space<semaphore_mem>>)
      %dma_wait3A_342 = tpu.memref_slice %arg2[%add3A_4] : memref<16384xi32, #tpu.memory_space<hbm>> -> memref<256xi32, #tpu.memory_space<hbm>>
      %dma_wait3A_343 = tpu.memref_slice %arg2[%add3A_4] : memref<16384xi32, #tpu.memory_space<hbm>> -> memref<256xi32, #tpu.memory_space<hbm>>
      tpu.wait_dma2 semaphore(%run_scoped3A : memref<!tpu.dma_semaphore, #tpu.memory_space<semaphore_mem>>) src(%dma_wait3A_343 : memref<256xi32, #tpu.memory_space<hbm>>) dst(%arg11 : memref<256xi32, #tpu.memory_space<vmem>>)
      tpu.yield
    }) : () -> ()
    %add3A_5 = arith.constant 0 : i32
    %add3A_6 = arith.addi %add3A_5, %mul3A_2 : i32
    "tpu.region"() ({
      %run_scoped3A = tpu.sem_alloc : memref<!tpu.dma_semaphore, #tpu.memory_space<semaphore_mem>>
      %dma_start3A_340 = tpu.memref_slice %arg3[%add3A_6] : memref<16384xi32, #tpu.memory_space<hbm>> -> memref<256xi32, #tpu.memory_space<hbm>>
      %dma_start3A_341 = tpu.memref_slice %arg3[%add3A_6] : memref<16384xi32, #tpu.memory_space<hbm>> -> memref<256xi32, #tpu.memory_space<hbm>>
      tpu.enqueue_dma source(%dma_start3A_341 : memref<256xi32, #tpu.memory_space<hbm>>) target(%arg12 : memref<256xi32, #tpu.memory_space<vmem>>) target_semaphore(%run_scoped3A : memref<!tpu.dma_semaphore, #tpu.memory_space<semaphore_mem>>)
      %dma_wait3A_342 = tpu.memref_slice %arg3[%add3A_6] : memref<16384xi32, #tpu.memory_space<hbm>> -> memref<256xi32, #tpu.memory_space<hbm>>
      %dma_wait3A_343 = tpu.memref_slice %arg3[%add3A_6] : memref<16384xi32, #tpu.memory_space<hbm>> -> memref<256xi32, #tpu.memory_space<hbm>>
      tpu.wait_dma2 semaphore(%run_scoped3A : memref<!tpu.dma_semaphore, #tpu.memory_space<semaphore_mem>>) src(%dma_wait3A_343 : memref<256xi32, #tpu.memory_space<hbm>>) dst(%arg12 : memref<256xi32, #tpu.memory_space<vmem>>)
      tpu.yield
    }) : () -> ()
    %dma_start3A = arith.constant 0 : i32
    %dma_start3A_7 = arith.constant 0 : i32
    %dma_start3A_8 = arith.constant 0 : i32
    %dma_start3A_9 = tpu.memref_slice %arg13[%dma_start3A, %dma_start3A_7, %dma_start3A_8] : memref<2x128x128xf32, #tpu.memory_space<vmem>> -> memref<1x128x128xf32, #tpu.memory_space<vmem>>
    %dma_start3A_10 = tpu.memref_squeeze %dma_start3A_9 : memref<1x128x128xf32, #tpu.memory_space<vmem>> -> memref<128x128xf32, #tpu.memory_space<vmem>>
    %dma_start3A_11 = arith.constant 0 : i32
    %dma_start3A_12 = tpu.memref_slice %arg11[%dma_start3A_11] : memref<256xi32, #tpu.memory_space<vmem>> -> memref<128xi32, #tpu.memory_space<vmem>>
    %dma_start3A_13 = arith.constant 0 : i32
    %dma_start3A_14 = arith.constant 0 : i32
    %dma_start3A_15 = tpu.memref_slice %arg4[%dma_start3A_13, %dma_start3A_14] : memref<100000x128xf32, #tpu.memory_space<hbm>> -> memref<100000x128xf32, #tpu.memory_space<hbm>>
    tpu.enqueue_indirect_dma source(%dma_start3A_15 : memref<100000x128xf32, #tpu.memory_space<hbm>>) target(%dma_start3A_10 : memref<128x128xf32, #tpu.memory_space<vmem>>) offsets(%dma_start3A_12 : memref<128xi32, #tpu.memory_space<vmem>>) semaphore(%arg16 : memref<!tpu.dma_semaphore, #tpu.memory_space<semaphore_mem>>)
    %dma_start3A_16 = arith.constant 0 : i32
    %dma_start3A_17 = arith.constant 0 : i32
    %dma_start3A_18 = arith.constant 0 : i32
    %dma_start3A_19 = tpu.memref_slice %arg14[%dma_start3A_16, %dma_start3A_17, %dma_start3A_18] : memref<2x128x128xf32, #tpu.memory_space<vmem>> -> memref<1x128x128xf32, #tpu.memory_space<vmem>>
    %dma_start3A_20 = tpu.memref_squeeze %dma_start3A_19 : memref<1x128x128xf32, #tpu.memory_space<vmem>> -> memref<128x128xf32, #tpu.memory_space<vmem>>
    %dma_start3A_21 = arith.constant 0 : i32
    %dma_start3A_22 = tpu.memref_slice %arg12[%dma_start3A_21] : memref<256xi32, #tpu.memory_space<vmem>> -> memref<128xi32, #tpu.memory_space<vmem>>
    %dma_start3A_23 = arith.constant 0 : i32
    %dma_start3A_24 = arith.constant 0 : i32
    %dma_start3A_25 = tpu.memref_slice %arg5[%dma_start3A_23, %dma_start3A_24] : memref<100000x128xf32, #tpu.memory_space<hbm>> -> memref<100000x128xf32, #tpu.memory_space<hbm>>
    tpu.enqueue_indirect_dma source(%dma_start3A_25 : memref<100000x128xf32, #tpu.memory_space<hbm>>) target(%dma_start3A_20 : memref<128x128xf32, #tpu.memory_space<vmem>>) offsets(%dma_start3A_22 : memref<128xi32, #tpu.memory_space<vmem>>) semaphore(%arg17 : memref<!tpu.dma_semaphore, #tpu.memory_space<semaphore_mem>>)
    %dma_start3A_26 = arith.constant 1 : i32
    %dma_start3A_27 = arith.constant 0 : i32
    %dma_start3A_28 = arith.constant 0 : i32
    %dma_start3A_29 = tpu.memref_slice %arg13[%dma_start3A_26, %dma_start3A_27, %dma_start3A_28] : memref<2x128x128xf32, #tpu.memory_space<vmem>> -> memref<1x128x128xf32, #tpu.memory_space<vmem>>
    %dma_start3A_30 = tpu.memref_squeeze %dma_start3A_29 : memref<1x128x128xf32, #tpu.memory_space<vmem>> -> memref<128x128xf32, #tpu.memory_space<vmem>>
    %dma_start3A_31 = arith.constant 128 : i32
    %dma_start3A_32 = tpu.memref_slice %arg11[%dma_start3A_31] : memref<256xi32, #tpu.memory_space<vmem>> -> memref<128xi32, #tpu.memory_space<vmem>>
    %dma_start3A_33 = arith.constant 0 : i32
    %dma_start3A_34 = arith.constant 0 : i32
    %dma_start3A_35 = tpu.memref_slice %arg4[%dma_start3A_33, %dma_start3A_34] : memref<100000x128xf32, #tpu.memory_space<hbm>> -> memref<100000x128xf32, #tpu.memory_space<hbm>>
    tpu.enqueue_indirect_dma source(%dma_start3A_35 : memref<100000x128xf32, #tpu.memory_space<hbm>>) target(%dma_start3A_30 : memref<128x128xf32, #tpu.memory_space<vmem>>) offsets(%dma_start3A_32 : memref<128xi32, #tpu.memory_space<vmem>>) semaphore(%arg18 : memref<!tpu.dma_semaphore, #tpu.memory_space<semaphore_mem>>)
    %dma_start3A_36 = arith.constant 1 : i32
    %dma_start3A_37 = arith.constant 0 : i32
    %dma_start3A_38 = arith.constant 0 : i32
    %dma_start3A_39 = tpu.memref_slice %arg14[%dma_start3A_36, %dma_start3A_37, %dma_start3A_38] : memref<2x128x128xf32, #tpu.memory_space<vmem>> -> memref<1x128x128xf32, #tpu.memory_space<vmem>>
    %dma_start3A_40 = tpu.memref_squeeze %dma_start3A_39 : memref<1x128x128xf32, #tpu.memory_space<vmem>> -> memref<128x128xf32, #tpu.memory_space<vmem>>
    %dma_start3A_41 = arith.constant 128 : i32
    %dma_start3A_42 = tpu.memref_slice %arg12[%dma_start3A_41] : memref<256xi32, #tpu.memory_space<vmem>> -> memref<128xi32, #tpu.memory_space<vmem>>
    %dma_start3A_43 = arith.constant 0 : i32
    %dma_start3A_44 = arith.constant 0 : i32
    %dma_start3A_45 = tpu.memref_slice %arg5[%dma_start3A_43, %dma_start3A_44] : memref<100000x128xf32, #tpu.memory_space<hbm>> -> memref<100000x128xf32, #tpu.memory_space<hbm>>
    tpu.enqueue_indirect_dma source(%dma_start3A_45 : memref<100000x128xf32, #tpu.memory_space<hbm>>) target(%dma_start3A_40 : memref<128x128xf32, #tpu.memory_space<vmem>>) offsets(%dma_start3A_42 : memref<128xi32, #tpu.memory_space<vmem>>) semaphore(%arg19 : memref<!tpu.dma_semaphore, #tpu.memory_space<semaphore_mem>>)
    %dma_start3A_46 = arith.constant 0 : i32
    %dma_start3A_47 = arith.constant 0 : i32
    %dma_start3A_48 = arith.constant 0 : i32
    %dma_start3A_49 = tpu.memref_slice %arg15[%dma_start3A_46, %dma_start3A_47, %dma_start3A_48] : memref<3x128x128xf32, #tpu.memory_space<vmem>> -> memref<1x128x128xf32, #tpu.memory_space<vmem>>
    %dma_start3A_50 = tpu.memref_squeeze %dma_start3A_49 : memref<1x128x128xf32, #tpu.memory_space<vmem>> -> memref<128x128xf32, #tpu.memory_space<vmem>>
    %dma_start3A_51 = arith.constant 0 : i32
    %dma_start3A_52 = tpu.memref_slice %arg11[%dma_start3A_51] : memref<256xi32, #tpu.memory_space<vmem>> -> memref<128xi32, #tpu.memory_space<vmem>>
    %dma_start3A_53 = arith.constant 0 : i32
    %dma_start3A_54 = arith.constant 0 : i32
    %dma_start3A_55 = tpu.memref_slice %arg6[%dma_start3A_53, %dma_start3A_54] : memref<100000x128xf32, #tpu.memory_space<hbm>> -> memref<100000x128xf32, #tpu.memory_space<hbm>>
    tpu.enqueue_indirect_dma source(%dma_start3A_55 : memref<100000x128xf32, #tpu.memory_space<hbm>>) target(%dma_start3A_50 : memref<128x128xf32, #tpu.memory_space<vmem>>) offsets(%dma_start3A_52 : memref<128xi32, #tpu.memory_space<vmem>>) semaphore(%arg20 : memref<!tpu.dma_semaphore, #tpu.memory_space<semaphore_mem>>)
    %dma_start3A_56 = arith.constant 1 : i32
    %dma_start3A_57 = arith.constant 0 : i32
    %dma_start3A_58 = arith.constant 0 : i32
    %dma_start3A_59 = tpu.memref_slice %arg15[%dma_start3A_56, %dma_start3A_57, %dma_start3A_58] : memref<3x128x128xf32, #tpu.memory_space<vmem>> -> memref<1x128x128xf32, #tpu.memory_space<vmem>>
    %dma_start3A_60 = tpu.memref_squeeze %dma_start3A_59 : memref<1x128x128xf32, #tpu.memory_space<vmem>> -> memref<128x128xf32, #tpu.memory_space<vmem>>
    %dma_start3A_61 = arith.constant 0 : i32
    %dma_start3A_62 = tpu.memref_slice %arg12[%dma_start3A_61] : memref<256xi32, #tpu.memory_space<vmem>> -> memref<128xi32, #tpu.memory_space<vmem>>
    %dma_start3A_63 = arith.constant 0 : i32
    %dma_start3A_64 = arith.constant 0 : i32
    %dma_start3A_65 = tpu.memref_slice %arg7[%dma_start3A_63, %dma_start3A_64] : memref<100000x128xf32, #tpu.memory_space<hbm>> -> memref<100000x128xf32, #tpu.memory_space<hbm>>
    tpu.enqueue_indirect_dma source(%dma_start3A_65 : memref<100000x128xf32, #tpu.memory_space<hbm>>) target(%dma_start3A_60 : memref<128x128xf32, #tpu.memory_space<vmem>>) offsets(%dma_start3A_62 : memref<128xi32, #tpu.memory_space<vmem>>) semaphore(%arg21 : memref<!tpu.dma_semaphore, #tpu.memory_space<semaphore_mem>>)
    %dma_start3A_66 = arith.constant 2 : i32
    %dma_start3A_67 = arith.constant 0 : i32
    %dma_start3A_68 = arith.constant 0 : i32
    %dma_start3A_69 = tpu.memref_slice %arg15[%dma_start3A_66, %dma_start3A_67, %dma_start3A_68] : memref<3x128x128xf32, #tpu.memory_space<vmem>> -> memref<1x128x128xf32, #tpu.memory_space<vmem>>
    %dma_start3A_70 = tpu.memref_squeeze %dma_start3A_69 : memref<1x128x128xf32, #tpu.memory_space<vmem>> -> memref<128x128xf32, #tpu.memory_space<vmem>>
    %dma_start3A_71 = arith.constant 128 : i32
    %dma_start3A_72 = tpu.memref_slice %arg11[%dma_start3A_71] : memref<256xi32, #tpu.memory_space<vmem>> -> memref<128xi32, #tpu.memory_space<vmem>>
    %dma_start3A_73 = arith.constant 0 : i32
    %dma_start3A_74 = arith.constant 0 : i32
    %dma_start3A_75 = tpu.memref_slice %arg6[%dma_start3A_73, %dma_start3A_74] : memref<100000x128xf32, #tpu.memory_space<hbm>> -> memref<100000x128xf32, #tpu.memory_space<hbm>>
    tpu.enqueue_indirect_dma source(%dma_start3A_75 : memref<100000x128xf32, #tpu.memory_space<hbm>>) target(%dma_start3A_70 : memref<128x128xf32, #tpu.memory_space<vmem>>) offsets(%dma_start3A_72 : memref<128xi32, #tpu.memory_space<vmem>>) semaphore(%arg22 : memref<!tpu.dma_semaphore, #tpu.memory_space<semaphore_mem>>)
    %dma_wait3A = arith.constant 0 : i32
    %dma_wait3A_76 = arith.constant 0 : i32
    %dma_wait3A_77 = arith.constant 0 : i32
    %dma_wait3A_78 = tpu.memref_slice %arg13[%dma_wait3A, %dma_wait3A_76, %dma_wait3A_77] : memref<2x128x128xf32, #tpu.memory_space<vmem>> -> memref<1x128x128xf32, #tpu.memory_space<vmem>>
    %dma_wait3A_79 = tpu.memref_squeeze %dma_wait3A_78 : memref<1x128x128xf32, #tpu.memory_space<vmem>> -> memref<128x128xf32, #tpu.memory_space<vmem>>
    %dma_wait3A_80 = arith.constant 0 : i32
    %dma_wait3A_81 = tpu.memref_slice %arg11[%dma_wait3A_80] : memref<256xi32, #tpu.memory_space<vmem>> -> memref<128xi32, #tpu.memory_space<vmem>>
    %dma_wait3A_82 = arith.constant 0 : i32
    %dma_wait3A_83 = arith.constant 0 : i32
    %dma_wait3A_84 = tpu.memref_slice %arg4[%dma_wait3A_82, %dma_wait3A_83] : memref<100000x128xf32, #tpu.memory_space<hbm>> -> memref<100000x128xf32, #tpu.memory_space<hbm>>
    tpu.wait_indirect_dma semaphore(%arg16 : memref<!tpu.dma_semaphore, #tpu.memory_space<semaphore_mem>>) src(%dma_wait3A_84 : memref<100000x128xf32, #tpu.memory_space<hbm>>) dst(%dma_wait3A_79 : memref<128x128xf32, #tpu.memory_space<vmem>>)
    %dma_wait3A_85 = arith.constant 0 : i32
    %dma_wait3A_86 = arith.constant 0 : i32
    %dma_wait3A_87 = arith.constant 0 : i32
    %dma_wait3A_88 = tpu.memref_slice %arg14[%dma_wait3A_85, %dma_wait3A_86, %dma_wait3A_87] : memref<2x128x128xf32, #tpu.memory_space<vmem>> -> memref<1x128x128xf32, #tpu.memory_space<vmem>>
    %dma_wait3A_89 = tpu.memref_squeeze %dma_wait3A_88 : memref<1x128x128xf32, #tpu.memory_space<vmem>> -> memref<128x128xf32, #tpu.memory_space<vmem>>
    %dma_wait3A_90 = arith.constant 0 : i32
    %dma_wait3A_91 = tpu.memref_slice %arg12[%dma_wait3A_90] : memref<256xi32, #tpu.memory_space<vmem>> -> memref<128xi32, #tpu.memory_space<vmem>>
    %dma_wait3A_92 = arith.constant 0 : i32
    %dma_wait3A_93 = arith.constant 0 : i32
    %dma_wait3A_94 = tpu.memref_slice %arg5[%dma_wait3A_92, %dma_wait3A_93] : memref<100000x128xf32, #tpu.memory_space<hbm>> -> memref<100000x128xf32, #tpu.memory_space<hbm>>
    tpu.wait_indirect_dma semaphore(%arg17 : memref<!tpu.dma_semaphore, #tpu.memory_space<semaphore_mem>>) src(%dma_wait3A_94 : memref<100000x128xf32, #tpu.memory_space<hbm>>) dst(%dma_wait3A_89 : memref<128x128xf32, #tpu.memory_space<vmem>>)
    %scan3A = arith.constant 0 : i32
    %scan3A_95 = arith.constant 0 : i32
    %scan3A_96 = arith.constant 128 : i32
    %scan3A_97 = arith.addi %scan3A_95, %scan3A_96 : i32
    %scan3A_98 = arith.constant 1 : i32
    %scan3A_99 = scf.for %scan3A_340 = %scan3A_95 to %scan3A_97 step %scan3A_98 iter_args(%scan3A_341 = %scan3A) -> (i32)  : i32 {
      %get3A = arith.constant 0 : i32
      %get3A_342 = arith.index_cast %get3A : i32 to index
      %get3A_343 = arith.index_cast %scan3A_340 : i32 to index
      %get3A_344 = arith.constant 0 : index
      %get3A_345 = tpu.vector_load %arg13[%get3A_342, %get3A_343, %get3A_344] {strides = array<i32>} : memref<2x128x128xf32, #tpu.memory_space<vmem>>, vector<1x1x16xf32>,
      %get3A_346 = vector.shape_cast %get3A_345 : vector<1x1x16xf32> to vector<16xf32>
      %get3A_347 = arith.constant 0 : i32
      %get3A_348 = arith.index_cast %get3A_347 : i32 to index
      %get3A_349 = arith.index_cast %scan3A_340 : i32 to index
      %get3A_350 = arith.constant 0 : index
      %get3A_351 = tpu.vector_load %arg14[%get3A_348, %get3A_349, %get3A_350] {strides = array<i32>} : memref<2x128x128xf32, #tpu.memory_space<vmem>>, vector<1x1x16xf32>,
      %get3A_352 = vector.shape_cast %get3A_351 : vector<1x1x16xf32> to vector<16xf32>
      %mul3A_353 = arith.mulf %get3A_346, %get3A_352 : vector<16xf32>
      %swap3A = arith.constant 0 : i32
      %swap3A_354 = arith.index_cast %swap3A : i32 to index
      %swap3A_355 = arith.index_cast %scan3A_340 : i32 to index
      %swap3A_356 = arith.constant 0 : index
      %swap3A_357 = tpu.vector_load %arg13[%swap3A_354, %swap3A_355, %swap3A_356] {strides = array<i32>} : memref<2x128x128xf32, #tpu.memory_space<vmem>>, vector<1x1x16xf32>,
      %swap3A_358 = vector.shape_cast %swap3A_357 : vector<1x1x16xf32> to vector<16xf32>
      %swap3A_359 = vector.shape_cast %mul3A_353 : vector<16xf32> to vector<1x1x16xf32>
      tpu.vector_store %arg13[%swap3A_354, %swap3A_355, %swap3A_356], %swap3A_359 {strides = array<i32>} : memref<2x128x128xf32, #tpu.memory_space<vmem>>, vector<1x1x16xf32>,
      %get3A_360 = arith.constant 0 : i32
      %get3A_361 = arith.index_cast %get3A_360 : i32 to index
      %get3A_362 = arith.index_cast %scan3A_340 : i32 to index
      %get3A_363 = arith.constant 16 : index
      %get3A_364 = tpu.vector_load %arg13[%get3A_361, %get3A_362, %get3A_363] {strides = array<i32>} : memref<2x128x128xf32, #tpu.memory_space<vmem>>, vector<1x1x16xf32>,
      %get3A_365 = vector.shape_cast %get3A_364 : vector<1x1x16xf32> to vector<16xf32>
      %get3A_366 = arith.constant 0 : i32
      %get3A_367 = arith.index_cast %get3A_366 : i32 to index
      %get3A_368 = arith.index_cast %scan3A_340 : i32 to index
      %get3A_369 = arith.constant 16 : index
      %get3A_370 = tpu.vector_load %arg14[%get3A_367, %get3A_368, %get3A_369] {strides = array<i32>} : memref<2x128x128xf32, #tpu.memory_space<vmem>>, vector<1x1x16xf32>,
      %get3A_371 = vector.shape_cast %get3A_370 : vector<1x1x16xf32> to vector<16xf32>
      %mul3A_372 = arith.mulf %get3A_365, %get3A_371 : vector<16xf32>
      %swap3A_373 = arith.constant 0 : i32
      %swap3A_374 = arith.index_cast %swap3A_373 : i32 to index
      %swap3A_375 = arith.index_cast %scan3A_340 : i32 to index
      %swap3A_376 = arith.constant 16 : index
      %swap3A_377 = tpu.vector_load %arg13[%swap3A_374, %swap3A_375, %swap3A_376] {strides = array<i32>} : memref<2x128x128xf32, #tpu.memory_space<vmem>>, vector<1x1x16xf32>,
      %swap3A_378 = vector.shape_cast %swap3A_377 : vector<1x1x16xf32> to vector<16xf32>
      %swap3A_379 = vector.shape_cast %mul3A_372 : vector<16xf32> to vector<1x1x16xf32>
      tpu.vector_store %arg13[%swap3A_374, %swap3A_375, %swap3A_376], %swap3A_379 {strides = array<i32>} : memref<2x128x128xf32, #tpu.memory_space<vmem>>, vector<1x1x16xf32>,
      %get3A_380 = arith.constant 0 : i32
      %get3A_381 = arith.index_cast %get3A_380 : i32 to index
      %get3A_382 = arith.index_cast %scan3A_340 : i32 to index
      %get3A_383 = arith.constant 32 : index
      %get3A_384 = tpu.vector_load %arg13[%get3A_381, %get3A_382, %get3A_383] {strides = array<i32>} : memref<2x128x128xf32, #tpu.memory_space<vmem>>, vector<1x1x16xf32>,
      %get3A_385 = vector.shape_cast %get3A_384 : vector<1x1x16xf32> to vector<16xf32>
      %get3A_386 = arith.constant 0 : i32
      %get3A_387 = arith.index_cast %get3A_386 : i32 to index
      %get3A_388 = arith.index_cast %scan3A_340 : i32 to index
      %get3A_389 = arith.constant 32 : index
      %get3A_390 = tpu.vector_load %arg14[%get3A_387, %get3A_388, %get3A_389] {strides = array<i32>} : memref<2x128x128xf32, #tpu.memory_space<vmem>>, vector<1x1x16xf32>,
      %get3A_391 = vector.shape_cast %get3A_390 : vector<1x1x16xf32> to vector<16xf32>
      %mul3A_392 = arith.mulf %get3A_385, %get3A_391 : vector<16xf32>
      %swap3A_393 = arith.constant 0 : i32
      %swap3A_394 = arith.index_cast %swap3A_393 : i32 to index
      %swap3A_395 = arith.index_cast %scan3A_340 : i32 to index
      %swap3A_396 = arith.constant 32 : index
      %swap3A_397 = tpu.vector_load %arg13[%swap3A_394, %swap3A_395, %swap3A_396] {strides = array<i32>} : memref<2x128x128xf32, #tpu.memory_space<vmem>>, vector<1x1x16xf32>,
      %swap3A_398 = vector.shape_cast %swap3A_397 : vector<1x1x16xf32> to vector<16xf32>
      %swap3A_399 = vector.shape_cast %mul3A_392 : vector<16xf32> to vector<1x1x16xf32>
      tpu.vector_store %arg13[%swap3A_394, %swap3A_395, %swap3A_396], %swap3A_399 {strides = array<i32>} : memref<2x128x128xf32, #tpu.memory_space<vmem>>, vector<1x1x16xf32>,
      %get3A_400 = arith.constant 0 : i32
      %get3A_401 = arith.index_cast %get3A_400 : i32 to index
      %get3A_402 = arith.index_cast %scan3A_340 : i32 to index
      %get3A_403 = arith.constant 48 : index
      %get3A_404 = tpu.vector_load %arg13[%get3A_401, %get3A_402, %get3A_403] {strides = array<i32>} : memref<2x128x128xf32, #tpu.memory_space<vmem>>, vector<1x1x16xf32>,
      %get3A_405 = vector.shape_cast %get3A_404 : vector<1x1x16xf32> to vector<16xf32>
      %get3A_406 = arith.constant 0 : i32
      %get3A_407 = arith.index_cast %get3A_406 : i32 to index
      %get3A_408 = arith.index_cast %scan3A_340 : i32 to index
      %get3A_409 = arith.constant 48 : index
      %get3A_410 = tpu.vector_load %arg14[%get3A_407, %get3A_408, %get3A_409] {strides = array<i32>} : memref<2x128x128xf32, #tpu.memory_space<vmem>>, vector<1x1x16xf32>,
      %get3A_411 = vector.shape_cast %get3A_410 : vector<1x1x16xf32> to vector<16xf32>
      %mul3A_412 = arith.mulf %get3A_405, %get3A_411 : vector<16xf32>
      %swap3A_413 = arith.constant 0 : i32
      %swap3A_414 = arith.index_cast %swap3A_413 : i32 to index
      %swap3A_415 = arith.index_cast %scan3A_340 : i32 to index
      %swap3A_416 = arith.constant 48 : index
      %swap3A_417 = tpu.vector_load %arg13[%swap3A_414, %swap3A_415, %swap3A_416] {strides = array<i32>} : memref<2x128x128xf32, #tpu.memory_space<vmem>>, vector<1x1x16xf32>,
      %swap3A_418 = vector.shape_cast %swap3A_417 : vector<1x1x16xf32> to vector<16xf32>
      %swap3A_419 = vector.shape_cast %mul3A_412 : vector<16xf32> to vector<1x1x16xf32>
      tpu.vector_store %arg13[%swap3A_414, %swap3A_415, %swap3A_416], %swap3A_419 {strides = array<i32>} : memref<2x128x128xf32, #tpu.memory_space<vmem>>, vector<1x1x16xf32>,
      %get3A_420 = arith.constant 0 : i32
      %get3A_421 = arith.index_cast %get3A_420 : i32 to index
      %get3A_422 = arith.index_cast %scan3A_340 : i32 to index
      %get3A_423 = arith.constant 64 : index
      %get3A_424 = tpu.vector_load %arg13[%get3A_421, %get3A_422, %get3A_423] {strides = array<i32>} : memref<2x128x128xf32, #tpu.memory_space<vmem>>, vector<1x1x16xf32>,
      %get3A_425 = vector.shape_cast %get3A_424 : vector<1x1x16xf32> to vector<16xf32>
      %get3A_426 = arith.constant 0 : i32
      %get3A_427 = arith.index_cast %get3A_426 : i32 to index
      %get3A_428 = arith.index_cast %scan3A_340 : i32 to index
      %get3A_429 = arith.constant 64 : index
      %get3A_430 = tpu.vector_load %arg14[%get3A_427, %get3A_428, %get3A_429] {strides = array<i32>} : memref<2x128x128xf32, #tpu.memory_space<vmem>>, vector<1x1x16xf32>,
      %get3A_431 = vector.shape_cast %get3A_430 : vector<1x1x16xf32> to vector<16xf32>
      %mul3A_432 = arith.mulf %get3A_425, %get3A_431 : vector<16xf32>
      %swap3A_433 = arith.constant 0 : i32
      %swap3A_434 = arith.index_cast %swap3A_433 : i32 to index
      %swap3A_435 = arith.index_cast %scan3A_340 : i32 to index
      %swap3A_436 = arith.constant 64 : index
      %swap3A_437 = tpu.vector_load %arg13[%swap3A_434, %swap3A_435, %swap3A_436] {strides = array<i32>} : memref<2x128x128xf32, #tpu.memory_space<vmem>>, vector<1x1x16xf32>,
      %swap3A_438 = vector.shape_cast %swap3A_437 : vector<1x1x16xf32> to vector<16xf32>
      %swap3A_439 = vector.shape_cast %mul3A_432 : vector<16xf32> to vector<1x1x16xf32>
      tpu.vector_store %arg13[%swap3A_434, %swap3A_435, %swap3A_436], %swap3A_439 {strides = array<i32>} : memref<2x128x128xf32, #tpu.memory_space<vmem>>, vector<1x1x16xf32>,
      %get3A_440 = arith.constant 0 : i32
      %get3A_441 = arith.index_cast %get3A_440 : i32 to index
      %get3A_442 = arith.index_cast %scan3A_340 : i32 to index
      %get3A_443 = arith.constant 80 : index
      %get3A_444 = tpu.vector_load %arg13[%get3A_441, %get3A_442, %get3A_443] {strides = array<i32>} : memref<2x128x128xf32, #tpu.memory_space<vmem>>, vector<1x1x16xf32>,
      %get3A_445 = vector.shape_cast %get3A_444 : vector<1x1x16xf32> to vector<16xf32>
      %get3A_446 = arith.constant 0 : i32
      %get3A_447 = arith.index_cast %get3A_446 : i32 to index
      %get3A_448 = arith.index_cast %scan3A_340 : i32 to index
      %get3A_449 = arith.constant 80 : index
      %get3A_450 = tpu.vector_load %arg14[%get3A_447, %get3A_448, %get3A_449] {strides = array<i32>} : memref<2x128x128xf32, #tpu.memory_space<vmem>>, vector<1x1x16xf32>,
      %get3A_451 = vector.shape_cast %get3A_450 : vector<1x1x16xf32> to vector<16xf32>
      %mul3A_452 = arith.mulf %get3A_445, %get3A_451 : vector<16xf32>
      %swap3A_453 = arith.constant 0 : i32
      %swap3A_454 = arith.index_cast %swap3A_453 : i32 to index
      %swap3A_455 = arith.index_cast %scan3A_340 : i32 to index
      %swap3A_456 = arith.constant 80 : index
      %swap3A_457 = tpu.vector_load %arg13[%swap3A_454, %swap3A_455, %swap3A_456] {strides = array<i32>} : memref<2x128x128xf32, #tpu.memory_space<vmem>>, vector<1x1x16xf32>,
      %swap3A_458 = vector.shape_cast %swap3A_457 : vector<1x1x16xf32> to vector<16xf32>
      %swap3A_459 = vector.shape_cast %mul3A_452 : vector<16xf32> to vector<1x1x16xf32>
      tpu.vector_store %arg13[%swap3A_454, %swap3A_455, %swap3A_456], %swap3A_459 {strides = array<i32>} : memref<2x128x128xf32, #tpu.memory_space<vmem>>, vector<1x1x16xf32>,
      %get3A_460 = arith.constant 0 : i32
      %get3A_461 = arith.index_cast %get3A_460 : i32 to index
      %get3A_462 = arith.index_cast %scan3A_340 : i32 to index
      %get3A_463 = arith.constant 96 : index
      %get3A_464 = tpu.vector_load %arg13[%get3A_461, %get3A_462, %get3A_463] {strides = array<i32>} : memref<2x128x128xf32, #tpu.memory_space<vmem>>, vector<1x1x16xf32>,
      %get3A_465 = vector.shape_cast %get3A_464 : vector<1x1x16xf32> to vector<16xf32>
      %get3A_466 = arith.constant 0 : i32
      %get3A_467 = arith.index_cast %get3A_466 : i32 to index
      %get3A_468 = arith.index_cast %scan3A_340 : i32 to index
      %get3A_469 = arith.constant 96 : index
      %get3A_470 = tpu.vector_load %arg14[%get3A_467, %get3A_468, %get3A_469] {strides = array<i32>} : memref<2x128x128xf32, #tpu.memory_space<vmem>>, vector<1x1x16xf32>,
      %get3A_471 = vector.shape_cast %get3A_470 : vector<1x1x16xf32> to vector<16xf32>
      %mul3A_472 = arith.mulf %get3A_465, %get3A_471 : vector<16xf32>
      %swap3A_473 = arith.constant 0 : i32
      %swap3A_474 = arith.index_cast %swap3A_473 : i32 to index
      %swap3A_475 = arith.index_cast %scan3A_340 : i32 to index
      %swap3A_476 = arith.constant 96 : index
      %swap3A_477 = tpu.vector_load %arg13[%swap3A_474, %swap3A_475, %swap3A_476] {strides = array<i32>} : memref<2x128x128xf32, #tpu.memory_space<vmem>>, vector<1x1x16xf32>,
      %swap3A_478 = vector.shape_cast %swap3A_477 : vector<1x1x16xf32> to vector<16xf32>
      %swap3A_479 = vector.shape_cast %mul3A_472 : vector<16xf32> to vector<1x1x16xf32>
      tpu.vector_store %arg13[%swap3A_474, %swap3A_475, %swap3A_476], %swap3A_479 {strides = array<i32>} : memref<2x128x128xf32, #tpu.memory_space<vmem>>, vector<1x1x16xf32>,
      %get3A_480 = arith.constant 0 : i32
      %get3A_481 = arith.index_cast %get3A_480 : i32 to index
      %get3A_482 = arith.index_cast %scan3A_340 : i32 to index
      %get3A_483 = arith.constant 112 : index
      %get3A_484 = tpu.vector_load %arg13[%get3A_481, %get3A_482, %get3A_483] {strides = array<i32>} : memref<2x128x128xf32, #tpu.memory_space<vmem>>, vector<1x1x16xf32>,
      %get3A_485 = vector.shape_cast %get3A_484 : vector<1x1x16xf32> to vector<16xf32>
      %get3A_486 = arith.constant 0 : i32
      %get3A_487 = arith.index_cast %get3A_486 : i32 to index
      %get3A_488 = arith.index_cast %scan3A_340 : i32 to index
      %get3A_489 = arith.constant 112 : index
      %get3A_490 = tpu.vector_load %arg14[%get3A_487, %get3A_488, %get3A_489] {strides = array<i32>} : memref<2x128x128xf32, #tpu.memory_space<vmem>>, vector<1x1x16xf32>,
      %get3A_491 = vector.shape_cast %get3A_490 : vector<1x1x16xf32> to vector<16xf32>
      %mul3A_492 = arith.mulf %get3A_485, %get3A_491 : vector<16xf32>
      %swap3A_493 = arith.constant 0 : i32
      %swap3A_494 = arith.index_cast %swap3A_493 : i32 to index
      %swap3A_495 = arith.index_cast %scan3A_340 : i32 to index
      %swap3A_496 = arith.constant 112 : index
      %swap3A_497 = tpu.vector_load %arg13[%swap3A_494, %swap3A_495, %swap3A_496] {strides = array<i32>} : memref<2x128x128xf32, #tpu.memory_space<vmem>>, vector<1x1x16xf32>,
      %swap3A_498 = vector.shape_cast %swap3A_497 : vector<1x1x16xf32> to vector<16xf32>
      %swap3A_499 = vector.shape_cast %mul3A_492 : vector<16xf32> to vector<1x1x16xf32>
      tpu.vector_store %arg13[%swap3A_494, %swap3A_495, %swap3A_496], %swap3A_499 {strides = array<i32>} : memref<2x128x128xf32, #tpu.memory_space<vmem>>, vector<1x1x16xf32>,
      %scan3A_500 = arith.constant 0 : i32
      scf.yield %scan3A_500 : i32
    }
    %scan3A_100 = arith.constant 128 : i32
    %dma_start3A_101 = arith.constant 0 : i32
    %dma_start3A_102 = arith.constant 0 : i32
    %dma_start3A_103 = arith.constant 0 : i32
    %dma_start3A_104 = tpu.memref_slice %arg13[%dma_start3A_101, %dma_start3A_102, %dma_start3A_103] : memref<2x128x128xf32, #tpu.memory_space<vmem>> -> memref<1x128x128xf32, #tpu.memory_space<vmem>>
    %dma_start3A_105 = tpu.memref_squeeze %dma_start3A_104 : memref<1x128x128xf32, #tpu.memory_space<vmem>> -> memref<128x128xf32, #tpu.memory_space<vmem>>
    %dma_start3A_106 = arith.constant 0 : i32
    %dma_start3A_107 = tpu.memref_slice %arg8[%mul3A_2, %dma_start3A_106] : memref<8192x128xf32, #tpu.memory_space<hbm>> -> memref<128x128xf32, #tpu.memory_space<hbm>>
    %dma_start3A_108 = arith.constant 0 : i32
    %dma_start3A_109 = tpu.memref_slice %arg8[%mul3A_2, %dma_start3A_108] : memref<8192x128xf32, #tpu.memory_space<hbm>> -> memref<128x128xf32, #tpu.memory_space<hbm>>
    %dma_start3A_110 = arith.constant 0 : i32
    %dma_start3A_111 = arith.constant 0 : i32
    %dma_start3A_112 = tpu.memref_slice %arg13[%dma_start3A_101, %dma_start3A_110, %dma_start3A_111] : memref<2x128x128xf32, #tpu.memory_space<vmem>> -> memref<1x128x128xf32, #tpu.memory_space<vmem>>
    %dma_start3A_113 = tpu.memref_squeeze %dma_start3A_112 : memref<1x128x128xf32, #tpu.memory_space<vmem>> -> memref<128x128xf32, #tpu.memory_space<vmem>>
    tpu.enqueue_dma source(%dma_start3A_113 : memref<128x128xf32, #tpu.memory_space<vmem>>) target(%dma_start3A_109 : memref<128x128xf32, #tpu.memory_space<hbm>>) target_semaphore(%arg23 : memref<!tpu.dma_semaphore, #tpu.memory_space<semaphore_mem>>)
    %dma_start3A_114 = arith.constant 0 : i32
    %dma_start3A_115 = arith.constant 0 : i32
    %dma_start3A_116 = arith.constant 0 : i32
    %dma_start3A_117 = tpu.memref_slice %arg14[%dma_start3A_114, %dma_start3A_115, %dma_start3A_116] : memref<2x128x128xf32, #tpu.memory_space<vmem>> -> memref<1x128x128xf32, #tpu.memory_space<vmem>>
    %dma_start3A_118 = tpu.memref_squeeze %dma_start3A_117 : memref<1x128x128xf32, #tpu.memory_space<vmem>> -> memref<128x128xf32, #tpu.memory_space<vmem>>
    %dma_start3A_119 = arith.constant 128 : i32
    %dma_start3A_120 = tpu.memref_slice %arg12[%dma_start3A_119] : memref<256xi32, #tpu.memory_space<vmem>> -> memref<128xi32, #tpu.memory_space<vmem>>
    %dma_start3A_121 = arith.constant 0 : i32
    %dma_start3A_122 = arith.constant 0 : i32
    %dma_start3A_123 = tpu.memref_slice %arg7[%dma_start3A_121, %dma_start3A_122] : memref<100000x128xf32, #tpu.memory_space<hbm>> -> memref<100000x128xf32, #tpu.memory_space<hbm>>
    tpu.enqueue_indirect_dma source(%dma_start3A_123 : memref<100000x128xf32, #tpu.memory_space<hbm>>) target(%dma_start3A_118 : memref<128x128xf32, #tpu.memory_space<vmem>>) offsets(%dma_start3A_120 : memref<128xi32, #tpu.memory_space<vmem>>) semaphore(%arg24 : memref<!tpu.dma_semaphore, #tpu.memory_space<semaphore_mem>>)
    %dma_wait3A_124 = arith.constant 0 : i32
    %dma_wait3A_125 = arith.constant 0 : i32
    %dma_wait3A_126 = arith.constant 0 : i32
    %dma_wait3A_127 = tpu.memref_slice %arg15[%dma_wait3A_124, %dma_wait3A_125, %dma_wait3A_126] : memref<3x128x128xf32, #tpu.memory_space<vmem>> -> memref<1x128x128xf32, #tpu.memory_space<vmem>>
    %dma_wait3A_128 = tpu.memref_squeeze %dma_wait3A_127 : memref<1x128x128xf32, #tpu.memory_space<vmem>> -> memref<128x128xf32, #tpu.memory_space<vmem>>
    %dma_wait3A_129 = arith.constant 0 : i32
    %dma_wait3A_130 = tpu.memref_slice %arg11[%dma_wait3A_129] : memref<256xi32, #tpu.memory_space<vmem>> -> memref<128xi32, #tpu.memory_space<vmem>>
    %dma_wait3A_131 = arith.constant 0 : i32
    %dma_wait3A_132 = arith.constant 0 : i32
    %dma_wait3A_133 = tpu.memref_slice %arg6[%dma_wait3A_131, %dma_wait3A_132] : memref<100000x128xf32, #tpu.memory_space<hbm>> -> memref<100000x128xf32, #tpu.memory_space<hbm>>
    tpu.wait_indirect_dma semaphore(%arg20 : memref<!tpu.dma_semaphore, #tpu.memory_space<semaphore_mem>>) src(%dma_wait3A_133 : memref<100000x128xf32, #tpu.memory_space<hbm>>) dst(%dma_wait3A_128 : memref<128x128xf32, #tpu.memory_space<vmem>>)
    %dma_start3A_134 = arith.constant 0 : i32
    %dma_start3A_135 = arith.constant 0 : i32
    %dma_start3A_136 = arith.constant 0 : i32
    %dma_start3A_137 = tpu.memref_slice %arg15[%dma_start3A_134, %dma_start3A_135, %dma_start3A_136] : memref<3x128x128xf32, #tpu.memory_space<vmem>> -> memref<1x128x128xf32, #tpu.memory_space<vmem>>
    %dma_start3A_138 = tpu.memref_squeeze %dma_start3A_137 : memref<1x128x128xf32, #tpu.memory_space<vmem>> -> memref<128x128xf32, #tpu.memory_space<vmem>>
    %dma_start3A_139 = arith.constant 0 : i32
    %dma_start3A_140 = tpu.memref_slice %arg9[%mul3A_2, %dma_start3A_139] : memref<8192x128xf32, #tpu.memory_space<hbm>> -> memref<128x128xf32, #tpu.memory_space<hbm>>
    %dma_start3A_141 = arith.constant 0 : i32
    %dma_start3A_142 = tpu.memref_slice %arg9[%mul3A_2, %dma_start3A_141] : memref<8192x128xf32, #tpu.memory_space<hbm>> -> memref<128x128xf32, #tpu.memory_space<hbm>>
    %dma_start3A_143 = arith.constant 0 : i32
    %dma_start3A_144 = arith.constant 0 : i32
    %dma_start3A_145 = tpu.memref_slice %arg15[%dma_start3A_134, %dma_start3A_143, %dma_start3A_144] : memref<3x128x128xf32, #tpu.memory_space<vmem>> -> memref<1x128x128xf32, #tpu.memory_space<vmem>>
    %dma_start3A_146 = tpu.memref_squeeze %dma_start3A_145 : memref<1x128x128xf32, #tpu.memory_space<vmem>> -> memref<128x128xf32, #tpu.memory_space<vmem>>
    tpu.enqueue_dma source(%dma_start3A_146 : memref<128x128xf32, #tpu.memory_space<vmem>>) target(%dma_start3A_142 : memref<128x128xf32, #tpu.memory_space<hbm>>) target_semaphore(%arg25 : memref<!tpu.dma_semaphore, #tpu.memory_space<semaphore_mem>>)
    %dma_wait3A_147 = arith.constant 1 : i32
    %dma_wait3A_148 = arith.constant 0 : i32
    %dma_wait3A_149 = arith.constant 0 : i32
    %dma_wait3A_150 = tpu.memref_slice %arg13[%dma_wait3A_147, %dma_wait3A_148, %dma_wait3A_149] : memref<2x128x128xf32, #tpu.memory_space<vmem>> -> memref<1x128x128xf32, #tpu.memory_space<vmem>>
    %dma_wait3A_151 = tpu.memref_squeeze %dma_wait3A_150 : memref<1x128x128xf32, #tpu.memory_space<vmem>> -> memref<128x128xf32, #tpu.memory_space<vmem>>
    %dma_wait3A_152 = arith.constant 128 : i32
    %dma_wait3A_153 = tpu.memref_slice %arg11[%dma_wait3A_152] : memref<256xi32, #tpu.memory_space<vmem>> -> memref<128xi32, #tpu.memory_space<vmem>>
    %dma_wait3A_154 = arith.constant 0 : i32
    %dma_wait3A_155 = arith.constant 0 : i32
    %dma_wait3A_156 = tpu.memref_slice %arg4[%dma_wait3A_154, %dma_wait3A_155] : memref<100000x128xf32, #tpu.memory_space<hbm>> -> memref<100000x128xf32, #tpu.memory_space<hbm>>
    tpu.wait_indirect_dma semaphore(%arg18 : memref<!tpu.dma_semaphore, #tpu.memory_space<semaphore_mem>>) src(%dma_wait3A_156 : memref<100000x128xf32, #tpu.memory_space<hbm>>) dst(%dma_wait3A_151 : memref<128x128xf32, #tpu.memory_space<vmem>>)
    %dma_wait3A_157 = arith.constant 1 : i32
    %dma_wait3A_158 = arith.constant 0 : i32
    %dma_wait3A_159 = arith.constant 0 : i32
    %dma_wait3A_160 = tpu.memref_slice %arg14[%dma_wait3A_157, %dma_wait3A_158, %dma_wait3A_159] : memref<2x128x128xf32, #tpu.memory_space<vmem>> -> memref<1x128x128xf32, #tpu.memory_space<vmem>>
    %dma_wait3A_161 = tpu.memref_squeeze %dma_wait3A_160 : memref<1x128x128xf32, #tpu.memory_space<vmem>> -> memref<128x128xf32, #tpu.memory_space<vmem>>
    %dma_wait3A_162 = arith.constant 128 : i32
    %dma_wait3A_163 = tpu.memref_slice %arg12[%dma_wait3A_162] : memref<256xi32, #tpu.memory_space<vmem>> -> memref<128xi32, #tpu.memory_space<vmem>>
    %dma_wait3A_164 = arith.constant 0 : i32
    %dma_wait3A_165 = arith.constant 0 : i32
    %dma_wait3A_166 = tpu.memref_slice %arg5[%dma_wait3A_164, %dma_wait3A_165] : memref<100000x128xf32, #tpu.memory_space<hbm>> -> memref<100000x128xf32, #tpu.memory_space<hbm>>
    tpu.wait_indirect_dma semaphore(%arg19 : memref<!tpu.dma_semaphore, #tpu.memory_space<semaphore_mem>>) src(%dma_wait3A_166 : memref<100000x128xf32, #tpu.memory_space<hbm>>) dst(%dma_wait3A_161 : memref<128x128xf32, #tpu.memory_space<vmem>>)
    %scan3A_167 = arith.constant 0 : i32
    %scan3A_168 = arith.constant 0 : i32
    %scan3A_169 = arith.constant 128 : i32
    %scan3A_170 = arith.addi %scan3A_168, %scan3A_169 : i32
    %scan3A_171 = arith.constant 1 : i32
    %scan3A_172 = scf.for %scan3A_340 = %scan3A_168 to %scan3A_170 step %scan3A_171 iter_args(%scan3A_341 = %scan3A_167) -> (i32)  : i32 {
      %get3A = arith.constant 1 : i32
      %get3A_342 = arith.index_cast %get3A : i32 to index
      %get3A_343 = arith.index_cast %scan3A_340 : i32 to index
      %get3A_344 = arith.constant 0 : index
      %get3A_345 = tpu.vector_load %arg13[%get3A_342, %get3A_343, %get3A_344] {strides = array<i32>} : memref<2x128x128xf32, #tpu.memory_space<vmem>>, vector<1x1x16xf32>,
      %get3A_346 = vector.shape_cast %get3A_345 : vector<1x1x16xf32> to vector<16xf32>
      %get3A_347 = arith.constant 1 : i32
      %get3A_348 = arith.index_cast %get3A_347 : i32 to index
      %get3A_349 = arith.index_cast %scan3A_340 : i32 to index
      %get3A_350 = arith.constant 0 : index
      %get3A_351 = tpu.vector_load %arg14[%get3A_348, %get3A_349, %get3A_350] {strides = array<i32>} : memref<2x128x128xf32, #tpu.memory_space<vmem>>, vector<1x1x16xf32>,
      %get3A_352 = vector.shape_cast %get3A_351 : vector<1x1x16xf32> to vector<16xf32>
      %mul3A_353 = arith.mulf %get3A_346, %get3A_352 : vector<16xf32>
      %swap3A = arith.constant 1 : i32
      %swap3A_354 = arith.index_cast %swap3A : i32 to index
      %swap3A_355 = arith.index_cast %scan3A_340 : i32 to index
      %swap3A_356 = arith.constant 0 : index
      %swap3A_357 = tpu.vector_load %arg13[%swap3A_354, %swap3A_355, %swap3A_356] {strides = array<i32>} : memref<2x128x128xf32, #tpu.memory_space<vmem>>, vector<1x1x16xf32>,
      %swap3A_358 = vector.shape_cast %swap3A_357 : vector<1x1x16xf32> to vector<16xf32>
      %swap3A_359 = vector.shape_cast %mul3A_353 : vector<16xf32> to vector<1x1x16xf32>
      tpu.vector_store %arg13[%swap3A_354, %swap3A_355, %swap3A_356], %swap3A_359 {strides = array<i32>} : memref<2x128x128xf32, #tpu.memory_space<vmem>>, vector<1x1x16xf32>,
      %get3A_360 = arith.constant 1 : i32
      %get3A_361 = arith.index_cast %get3A_360 : i32 to index
      %get3A_362 = arith.index_cast %scan3A_340 : i32 to index
      %get3A_363 = arith.constant 16 : index
      %get3A_364 = tpu.vector_load %arg13[%get3A_361, %get3A_362, %get3A_363] {strides = array<i32>} : memref<2x128x128xf32, #tpu.memory_space<vmem>>, vector<1x1x16xf32>,
      %get3A_365 = vector.shape_cast %get3A_364 : vector<1x1x16xf32> to vector<16xf32>
      %get3A_366 = arith.constant 1 : i32
      %get3A_367 = arith.index_cast %get3A_366 : i32 to index
      %get3A_368 = arith.index_cast %scan3A_340 : i32 to index
      %get3A_369 = arith.constant 16 : index
      %get3A_370 = tpu.vector_load %arg14[%get3A_367, %get3A_368, %get3A_369] {strides = array<i32>} : memref<2x128x128xf32, #tpu.memory_space<vmem>>, vector<1x1x16xf32>,
      %get3A_371 = vector.shape_cast %get3A_370 : vector<1x1x16xf32> to vector<16xf32>
      %mul3A_372 = arith.mulf %get3A_365, %get3A_371 : vector<16xf32>
      %swap3A_373 = arith.constant 1 : i32
      %swap3A_374 = arith.index_cast %swap3A_373 : i32 to index
      %swap3A_375 = arith.index_cast %scan3A_340 : i32 to index
      %swap3A_376 = arith.constant 16 : index
      %swap3A_377 = tpu.vector_load %arg13[%swap3A_374, %swap3A_375, %swap3A_376] {strides = array<i32>} : memref<2x128x128xf32, #tpu.memory_space<vmem>>, vector<1x1x16xf32>,
      %swap3A_378 = vector.shape_cast %swap3A_377 : vector<1x1x16xf32> to vector<16xf32>
      %swap3A_379 = vector.shape_cast %mul3A_372 : vector<16xf32> to vector<1x1x16xf32>
      tpu.vector_store %arg13[%swap3A_374, %swap3A_375, %swap3A_376], %swap3A_379 {strides = array<i32>} : memref<2x128x128xf32, #tpu.memory_space<vmem>>, vector<1x1x16xf32>,
      %get3A_380 = arith.constant 1 : i32
      %get3A_381 = arith.index_cast %get3A_380 : i32 to index
      %get3A_382 = arith.index_cast %scan3A_340 : i32 to index
      %get3A_383 = arith.constant 32 : index
      %get3A_384 = tpu.vector_load %arg13[%get3A_381, %get3A_382, %get3A_383] {strides = array<i32>} : memref<2x128x128xf32, #tpu.memory_space<vmem>>, vector<1x1x16xf32>,
      %get3A_385 = vector.shape_cast %get3A_384 : vector<1x1x16xf32> to vector<16xf32>
      %get3A_386 = arith.constant 1 : i32
      %get3A_387 = arith.index_cast %get3A_386 : i32 to index
      %get3A_388 = arith.index_cast %scan3A_340 : i32 to index
      %get3A_389 = arith.constant 32 : index
      %get3A_390 = tpu.vector_load %arg14[%get3A_387, %get3A_388, %get3A_389] {strides = array<i32>} : memref<2x128x128xf32, #tpu.memory_space<vmem>>, vector<1x1x16xf32>,
      %get3A_391 = vector.shape_cast %get3A_390 : vector<1x1x16xf32> to vector<16xf32>
      %mul3A_392 = arith.mulf %get3A_385, %get3A_391 : vector<16xf32>
      %swap3A_393 = arith.constant 1 : i32
      %swap3A_394 = arith.index_cast %swap3A_393 : i32 to index
      %swap3A_395 = arith.index_cast %scan3A_340 : i32 to index
      %swap3A_396 = arith.constant 32 : index
      %swap3A_397 = tpu.vector_load %arg13[%swap3A_394, %swap3A_395, %swap3A_396] {strides = array<i32>} : memref<2x128x128xf32, #tpu.memory_space<vmem>>, vector<1x1x16xf32>,
      %swap3A_398 = vector.shape_cast %swap3A_397 : vector<1x1x16xf32> to vector<16xf32>
      %swap3A_399 = vector.shape_cast %mul3A_392 : vector<16xf32> to vector<1x1x16xf32>
      tpu.vector_store %arg13[%swap3A_394, %swap3A_395, %swap3A_396], %swap3A_399 {strides = array<i32>} : memref<2x128x128xf32, #tpu.memory_space<vmem>>, vector<1x1x16xf32>,
      %get3A_400 = arith.constant 1 : i32
      %get3A_401 = arith.index_cast %get3A_400 : i32 to index
      %get3A_402 = arith.index_cast %scan3A_340 : i32 to index
      %get3A_403 = arith.constant 48 : index
      %get3A_404 = tpu.vector_load %arg13[%get3A_401, %get3A_402, %get3A_403] {strides = array<i32>} : memref<2x128x128xf32, #tpu.memory_space<vmem>>, vector<1x1x16xf32>,
      %get3A_405 = vector.shape_cast %get3A_404 : vector<1x1x16xf32> to vector<16xf32>
      %get3A_406 = arith.constant 1 : i32
      %get3A_407 = arith.index_cast %get3A_406 : i32 to index
      %get3A_408 = arith.index_cast %scan3A_340 : i32 to index
      %get3A_409 = arith.constant 48 : index
      %get3A_410 = tpu.vector_load %arg14[%get3A_407, %get3A_408, %get3A_409] {strides = array<i32>} : memref<2x128x128xf32, #tpu.memory_space<vmem>>, vector<1x1x16xf32>,
      %get3A_411 = vector.shape_cast %get3A_410 : vector<1x1x16xf32> to vector<16xf32>
      %mul3A_412 = arith.mulf %get3A_405, %get3A_411 : vector<16xf32>
      %swap3A_413 = arith.constant 1 : i32
      %swap3A_414 = arith.index_cast %swap3A_413 : i32 to index
      %swap3A_415 = arith.index_cast %scan3A_340 : i32 to index
      %swap3A_416 = arith.constant 48 : index
      %swap3A_417 = tpu.vector_load %arg13[%swap3A_414, %swap3A_415, %swap3A_416] {strides = array<i32>} : memref<2x128x128xf32, #tpu.memory_space<vmem>>, vector<1x1x16xf32>,
      %swap3A_418 = vector.shape_cast %swap3A_417 : vector<1x1x16xf32> to vector<16xf32>
      %swap3A_419 = vector.shape_cast %mul3A_412 : vector<16xf32> to vector<1x1x16xf32>
      tpu.vector_store %arg13[%swap3A_414, %swap3A_415, %swap3A_416], %swap3A_419 {strides = array<i32>} : memref<2x128x128xf32, #tpu.memory_space<vmem>>, vector<1x1x16xf32>,
      %get3A_420 = arith.constant 1 : i32
      %get3A_421 = arith.index_cast %get3A_420 : i32 to index
      %get3A_422 = arith.index_cast %scan3A_340 : i32 to index
      %get3A_423 = arith.constant 64 : index
      %get3A_424 = tpu.vector_load %arg13[%get3A_421, %get3A_422, %get3A_423] {strides = array<i32>} : memref<2x128x128xf32, #tpu.memory_space<vmem>>, vector<1x1x16xf32>,
      %get3A_425 = vector.shape_cast %get3A_424 : vector<1x1x16xf32> to vector<16xf32>
      %get3A_426 = arith.constant 1 : i32
      %get3A_427 = arith.index_cast %get3A_426 : i32 to index
      %get3A_428 = arith.index_cast %scan3A_340 : i32 to index
      %get3A_429 = arith.constant 64 : index
      %get3A_430 = tpu.vector_load %arg14[%get3A_427, %get3A_428, %get3A_429] {strides = array<i32>} : memref<2x128x128xf32, #tpu.memory_space<vmem>>, vector<1x1x16xf32>,
      %get3A_431 = vector.shape_cast %get3A_430 : vector<1x1x16xf32> to vector<16xf32>
      %mul3A_432 = arith.mulf %get3A_425, %get3A_431 : vector<16xf32>
      %swap3A_433 = arith.constant 1 : i32
      %swap3A_434 = arith.index_cast %swap3A_433 : i32 to index
      %swap3A_435 = arith.index_cast %scan3A_340 : i32 to index
      %swap3A_436 = arith.constant 64 : index
      %swap3A_437 = tpu.vector_load %arg13[%swap3A_434, %swap3A_435, %swap3A_436] {strides = array<i32>} : memref<2x128x128xf32, #tpu.memory_space<vmem>>, vector<1x1x16xf32>,
      %swap3A_438 = vector.shape_cast %swap3A_437 : vector<1x1x16xf32> to vector<16xf32>
      %swap3A_439 = vector.shape_cast %mul3A_432 : vector<16xf32> to vector<1x1x16xf32>
      tpu.vector_store %arg13[%swap3A_434, %swap3A_435, %swap3A_436], %swap3A_439 {strides = array<i32>} : memref<2x128x128xf32, #tpu.memory_space<vmem>>, vector<1x1x16xf32>,
      %get3A_440 = arith.constant 1 : i32
      %get3A_441 = arith.index_cast %get3A_440 : i32 to index
      %get3A_442 = arith.index_cast %scan3A_340 : i32 to index
      %get3A_443 = arith.constant 80 : index
      %get3A_444 = tpu.vector_load %arg13[%get3A_441, %get3A_442, %get3A_443] {strides = array<i32>} : memref<2x128x128xf32, #tpu.memory_space<vmem>>, vector<1x1x16xf32>,
      %get3A_445 = vector.shape_cast %get3A_444 : vector<1x1x16xf32> to vector<16xf32>
      %get3A_446 = arith.constant 1 : i32
      %get3A_447 = arith.index_cast %get3A_446 : i32 to index
      %get3A_448 = arith.index_cast %scan3A_340 : i32 to index
      %get3A_449 = arith.constant 80 : index
      %get3A_450 = tpu.vector_load %arg14[%get3A_447, %get3A_448, %get3A_449] {strides = array<i32>} : memref<2x128x128xf32, #tpu.memory_space<vmem>>, vector<1x1x16xf32>,
      %get3A_451 = vector.shape_cast %get3A_450 : vector<1x1x16xf32> to vector<16xf32>
      %mul3A_452 = arith.mulf %get3A_445, %get3A_451 : vector<16xf32>
      %swap3A_453 = arith.constant 1 : i32
      %swap3A_454 = arith.index_cast %swap3A_453 : i32 to index
      %swap3A_455 = arith.index_cast %scan3A_340 : i32 to index
      %swap3A_456 = arith.constant 80 : index
      %swap3A_457 = tpu.vector_load %arg13[%swap3A_454, %swap3A_455, %swap3A_456] {strides = array<i32>} : memref<2x128x128xf32, #tpu.memory_space<vmem>>, vector<1x1x16xf32>,
      %swap3A_458 = vector.shape_cast %swap3A_457 : vector<1x1x16xf32> to vector<16xf32>
      %swap3A_459 = vector.shape_cast %mul3A_452 : vector<16xf32> to vector<1x1x16xf32>
      tpu.vector_store %arg13[%swap3A_454, %swap3A_455, %swap3A_456], %swap3A_459 {strides = array<i32>} : memref<2x128x128xf32, #tpu.memory_space<vmem>>, vector<1x1x16xf32>,
      %get3A_460 = arith.constant 1 : i32
      %get3A_461 = arith.index_cast %get3A_460 : i32 to index
      %get3A_462 = arith.index_cast %scan3A_340 : i32 to index
      %get3A_463 = arith.constant 96 : index
      %get3A_464 = tpu.vector_load %arg13[%get3A_461, %get3A_462, %get3A_463] {strides = array<i32>} : memref<2x128x128xf32, #tpu.memory_space<vmem>>, vector<1x1x16xf32>,
      %get3A_465 = vector.shape_cast %get3A_464 : vector<1x1x16xf32> to vector<16xf32>
      %get3A_466 = arith.constant 1 : i32
      %get3A_467 = arith.index_cast %get3A_466 : i32 to index
      %get3A_468 = arith.index_cast %scan3A_340 : i32 to index
      %get3A_469 = arith.constant 96 : index
      %get3A_470 = tpu.vector_load %arg14[%get3A_467, %get3A_468, %get3A_469] {strides = array<i32>} : memref<2x128x128xf32, #tpu.memory_space<vmem>>, vector<1x1x16xf32>,
      %get3A_471 = vector.shape_cast %get3A_470 : vector<1x1x16xf32> to vector<16xf32>
      %mul3A_472 = arith.mulf %get3A_465, %get3A_471 : vector<16xf32>
      %swap3A_473 = arith.constant 1 : i32
      %swap3A_474 = arith.index_cast %swap3A_473 : i32 to index
      %swap3A_475 = arith.index_cast %scan3A_340 : i32 to index
      %swap3A_476 = arith.constant 96 : index
      %swap3A_477 = tpu.vector_load %arg13[%swap3A_474, %swap3A_475, %swap3A_476] {strides = array<i32>} : memref<2x128x128xf32, #tpu.memory_space<vmem>>, vector<1x1x16xf32>,
      %swap3A_478 = vector.shape_cast %swap3A_477 : vector<1x1x16xf32> to vector<16xf32>
      %swap3A_479 = vector.shape_cast %mul3A_472 : vector<16xf32> to vector<1x1x16xf32>
      tpu.vector_store %arg13[%swap3A_474, %swap3A_475, %swap3A_476], %swap3A_479 {strides = array<i32>} : memref<2x128x128xf32, #tpu.memory_space<vmem>>, vector<1x1x16xf32>,
      %get3A_480 = arith.constant 1 : i32
      %get3A_481 = arith.index_cast %get3A_480 : i32 to index
      %get3A_482 = arith.index_cast %scan3A_340 : i32 to index
      %get3A_483 = arith.constant 112 : index
      %get3A_484 = tpu.vector_load %arg13[%get3A_481, %get3A_482, %get3A_483] {strides = array<i32>} : memref<2x128x128xf32, #tpu.memory_space<vmem>>, vector<1x1x16xf32>,
      %get3A_485 = vector.shape_cast %get3A_484 : vector<1x1x16xf32> to vector<16xf32>
      %get3A_486 = arith.constant 1 : i32
      %get3A_487 = arith.index_cast %get3A_486 : i32 to index
      %get3A_488 = arith.index_cast %scan3A_340 : i32 to index
      %get3A_489 = arith.constant 112 : index
      %get3A_490 = tpu.vector_load %arg14[%get3A_487, %get3A_488, %get3A_489] {strides = array<i32>} : memref<2x128x128xf32, #tpu.memory_space<vmem>>, vector<1x1x16xf32>,
      %get3A_491 = vector.shape_cast %get3A_490 : vector<1x1x16xf32> to vector<16xf32>
      %mul3A_492 = arith.mulf %get3A_485, %get3A_491 : vector<16xf32>
      %swap3A_493 = arith.constant 1 : i32
      %swap3A_494 = arith.index_cast %swap3A_493 : i32 to index
      %swap3A_495 = arith.index_cast %scan3A_340 : i32 to index
      %swap3A_496 = arith.constant 112 : index
      %swap3A_497 = tpu.vector_load %arg13[%swap3A_494, %swap3A_495, %swap3A_496] {strides = array<i32>} : memref<2x128x128xf32, #tpu.memory_space<vmem>>, vector<1x1x16xf32>,
      %swap3A_498 = vector.shape_cast %swap3A_497 : vector<1x1x16xf32> to vector<16xf32>
      %swap3A_499 = vector.shape_cast %mul3A_492 : vector<16xf32> to vector<1x1x16xf32>
      tpu.vector_store %arg13[%swap3A_494, %swap3A_495, %swap3A_496], %swap3A_499 {strides = array<i32>} : memref<2x128x128xf32, #tpu.memory_space<vmem>>, vector<1x1x16xf32>,
      %scan3A_500 = arith.constant 0 : i32
      scf.yield %scan3A_500 : i32
    }
    %scan3A_173 = arith.constant 128 : i32
    %add3A_174 = arith.constant 128 : i32
    %add3A_175 = arith.addi %mul3A_2, %add3A_174 : i32
    %dma_start3A_176 = arith.constant 1 : i32
    %dma_start3A_177 = arith.constant 0 : i32
    %dma_start3A_178 = arith.constant 0 : i32
    %dma_start3A_179 = tpu.memref_slice %arg13[%dma_start3A_176, %dma_start3A_177, %dma_start3A_178] : memref<2x128x128xf32, #tpu.memory_space<vmem>> -> memref<1x128x128xf32, #tpu.memory_space<vmem>>
    %dma_start3A_180 = tpu.memref_squeeze %dma_start3A_179 : memref<1x128x128xf32, #tpu.memory_space<vmem>> -> memref<128x128xf32, #tpu.memory_space<vmem>>
    %dma_start3A_181 = arith.constant 0 : i32
    %dma_start3A_182 = tpu.memref_slice %arg8[%add3A_175, %dma_start3A_181] : memref<8192x128xf32, #tpu.memory_space<hbm>> -> memref<128x128xf32, #tpu.memory_space<hbm>>
    %dma_start3A_183 = arith.constant 0 : i32
    %dma_start3A_184 = tpu.memref_slice %arg8[%add3A_175, %dma_start3A_183] : memref<8192x128xf32, #tpu.memory_space<hbm>> -> memref<128x128xf32, #tpu.memory_space<hbm>>
    %dma_start3A_185 = arith.constant 0 : i32
    %dma_start3A_186 = arith.constant 0 : i32
    %dma_start3A_187 = tpu.memref_slice %arg13[%dma_start3A_176, %dma_start3A_185, %dma_start3A_186] : memref<2x128x128xf32, #tpu.memory_space<vmem>> -> memref<1x128x128xf32, #tpu.memory_space<vmem>>
    %dma_start3A_188 = tpu.memref_squeeze %dma_start3A_187 : memref<1x128x128xf32, #tpu.memory_space<vmem>> -> memref<128x128xf32, #tpu.memory_space<vmem>>
    tpu.enqueue_dma source(%dma_start3A_188 : memref<128x128xf32, #tpu.memory_space<vmem>>) target(%dma_start3A_184 : memref<128x128xf32, #tpu.memory_space<hbm>>) target_semaphore(%arg26 : memref<!tpu.dma_semaphore, #tpu.memory_space<semaphore_mem>>)
    %dma_wait3A_189 = arith.constant 1 : i32
    %dma_wait3A_190 = arith.constant 0 : i32
    %dma_wait3A_191 = arith.constant 0 : i32
    %dma_wait3A_192 = tpu.memref_slice %arg15[%dma_wait3A_189, %dma_wait3A_190, %dma_wait3A_191] : memref<3x128x128xf32, #tpu.memory_space<vmem>> -> memref<1x128x128xf32, #tpu.memory_space<vmem>>
    %dma_wait3A_193 = tpu.memref_squeeze %dma_wait3A_192 : memref<1x128x128xf32, #tpu.memory_space<vmem>> -> memref<128x128xf32, #tpu.memory_space<vmem>>
    %dma_wait3A_194 = arith.constant 0 : i32
    %dma_wait3A_195 = tpu.memref_slice %arg12[%dma_wait3A_194] : memref<256xi32, #tpu.memory_space<vmem>> -> memref<128xi32, #tpu.memory_space<vmem>>
    %dma_wait3A_196 = arith.constant 0 : i32
    %dma_wait3A_197 = arith.constant 0 : i32
    %dma_wait3A_198 = tpu.memref_slice %arg7[%dma_wait3A_196, %dma_wait3A_197] : memref<100000x128xf32, #tpu.memory_space<hbm>> -> memref<100000x128xf32, #tpu.memory_space<hbm>>
    tpu.wait_indirect_dma semaphore(%arg21 : memref<!tpu.dma_semaphore, #tpu.memory_space<semaphore_mem>>) src(%dma_wait3A_198 : memref<100000x128xf32, #tpu.memory_space<hbm>>) dst(%dma_wait3A_193 : memref<128x128xf32, #tpu.memory_space<vmem>>)
    %dma_start3A_199 = arith.constant 1 : i32
    %dma_start3A_200 = arith.constant 0 : i32
    %dma_start3A_201 = arith.constant 0 : i32
    %dma_start3A_202 = tpu.memref_slice %arg15[%dma_start3A_199, %dma_start3A_200, %dma_start3A_201] : memref<3x128x128xf32, #tpu.memory_space<vmem>> -> memref<1x128x128xf32, #tpu.memory_space<vmem>>
    %dma_start3A_203 = tpu.memref_squeeze %dma_start3A_202 : memref<1x128x128xf32, #tpu.memory_space<vmem>> -> memref<128x128xf32, #tpu.memory_space<vmem>>
    %dma_start3A_204 = arith.constant 0 : i32
    %dma_start3A_205 = tpu.memref_slice %arg10[%mul3A_2, %dma_start3A_204] : memref<8192x128xf32, #tpu.memory_space<hbm>> -> memref<128x128xf32, #tpu.memory_space<hbm>>
    %dma_start3A_206 = arith.constant 0 : i32
    %dma_start3A_207 = tpu.memref_slice %arg10[%mul3A_2, %dma_start3A_206] : memref<8192x128xf32, #tpu.memory_space<hbm>> -> memref<128x128xf32, #tpu.memory_space<hbm>>
    %dma_start3A_208 = arith.constant 0 : i32
    %dma_start3A_209 = arith.constant 0 : i32
    %dma_start3A_210 = tpu.memref_slice %arg15[%dma_start3A_199, %dma_start3A_208, %dma_start3A_209] : memref<3x128x128xf32, #tpu.memory_space<vmem>> -> memref<1x128x128xf32, #tpu.memory_space<vmem>>
    %dma_start3A_211 = tpu.memref_squeeze %dma_start3A_210 : memref<1x128x128xf32, #tpu.memory_space<vmem>> -> memref<128x128xf32, #tpu.memory_space<vmem>>
    tpu.enqueue_dma source(%dma_start3A_211 : memref<128x128xf32, #tpu.memory_space<vmem>>) target(%dma_start3A_207 : memref<128x128xf32, #tpu.memory_space<hbm>>) target_semaphore(%arg27 : memref<!tpu.dma_semaphore, #tpu.memory_space<semaphore_mem>>)
    %dma_wait3A_212 = arith.constant 2 : i32
    %dma_wait3A_213 = arith.constant 0 : i32
    %dma_wait3A_214 = arith.constant 0 : i32
    %dma_wait3A_215 = tpu.memref_slice %arg15[%dma_wait3A_212, %dma_wait3A_213, %dma_wait3A_214] : memref<3x128x128xf32, #tpu.memory_space<vmem>> -> memref<1x128x128xf32, #tpu.memory_space<vmem>>
    %dma_wait3A_216 = tpu.memref_squeeze %dma_wait3A_215 : memref<1x128x128xf32, #tpu.memory_space<vmem>> -> memref<128x128xf32, #tpu.memory_space<vmem>>
    %dma_wait3A_217 = arith.constant 128 : i32
    %dma_wait3A_218 = tpu.memref_slice %arg11[%dma_wait3A_217] : memref<256xi32, #tpu.memory_space<vmem>> -> memref<128xi32, #tpu.memory_space<vmem>>
    %dma_wait3A_219 = arith.constant 0 : i32
    %dma_wait3A_220 = arith.constant 0 : i32
    %dma_wait3A_221 = tpu.memref_slice %arg6[%dma_wait3A_219, %dma_wait3A_220] : memref<100000x128xf32, #tpu.memory_space<hbm>> -> memref<100000x128xf32, #tpu.memory_space<hbm>>
    tpu.wait_indirect_dma semaphore(%arg22 : memref<!tpu.dma_semaphore, #tpu.memory_space<semaphore_mem>>) src(%dma_wait3A_221 : memref<100000x128xf32, #tpu.memory_space<hbm>>) dst(%dma_wait3A_216 : memref<128x128xf32, #tpu.memory_space<vmem>>)
    %add3A_222 = arith.constant 128 : i32
    %add3A_223 = arith.addi %mul3A_2, %add3A_222 : i32
    %dma_start3A_224 = arith.constant 2 : i32
    %dma_start3A_225 = arith.constant 0 : i32
    %dma_start3A_226 = arith.constant 0 : i32
    %dma_start3A_227 = tpu.memref_slice %arg15[%dma_start3A_224, %dma_start3A_225, %dma_start3A_226] : memref<3x128x128xf32, #tpu.memory_space<vmem>> -> memref<1x128x128xf32, #tpu.memory_space<vmem>>
    %dma_start3A_228 = tpu.memref_squeeze %dma_start3A_227 : memref<1x128x128xf32, #tpu.memory_space<vmem>> -> memref<128x128xf32, #tpu.memory_space<vmem>>
    %dma_start3A_229 = arith.constant 0 : i32
    %dma_start3A_230 = tpu.memref_slice %arg9[%add3A_223, %dma_start3A_229] : memref<8192x128xf32, #tpu.memory_space<hbm>> -> memref<128x128xf32, #tpu.memory_space<hbm>>
    %dma_start3A_231 = arith.constant 0 : i32
    %dma_start3A_232 = tpu.memref_slice %arg9[%add3A_223, %dma_start3A_231] : memref<8192x128xf32, #tpu.memory_space<hbm>> -> memref<128x128xf32, #tpu.memory_space<hbm>>
    %dma_start3A_233 = arith.constant 0 : i32
    %dma_start3A_234 = arith.constant 0 : i32
    %dma_start3A_235 = tpu.memref_slice %arg15[%dma_start3A_224, %dma_start3A_233, %dma_start3A_234] : memref<3x128x128xf32, #tpu.memory_space<vmem>> -> memref<1x128x128xf32, #tpu.memory_space<vmem>>
    %dma_start3A_236 = tpu.memref_squeeze %dma_start3A_235 : memref<1x128x128xf32, #tpu.memory_space<vmem>> -> memref<128x128xf32, #tpu.memory_space<vmem>>
    tpu.enqueue_dma source(%dma_start3A_236 : memref<128x128xf32, #tpu.memory_space<vmem>>) target(%dma_start3A_232 : memref<128x128xf32, #tpu.memory_space<hbm>>) target_semaphore(%arg28 : memref<!tpu.dma_semaphore, #tpu.memory_space<semaphore_mem>>)
    %dma_wait3A_237 = arith.constant 0 : i32
    %dma_wait3A_238 = arith.constant 0 : i32
    %dma_wait3A_239 = arith.constant 0 : i32
    %dma_wait3A_240 = tpu.memref_slice %arg14[%dma_wait3A_237, %dma_wait3A_238, %dma_wait3A_239] : memref<2x128x128xf32, #tpu.memory_space<vmem>> -> memref<1x128x128xf32, #tpu.memory_space<vmem>>
    %dma_wait3A_241 = tpu.memref_squeeze %dma_wait3A_240 : memref<1x128x128xf32, #tpu.memory_space<vmem>> -> memref<128x128xf32, #tpu.memory_space<vmem>>
    %dma_wait3A_242 = arith.constant 128 : i32
    %dma_wait3A_243 = tpu.memref_slice %arg12[%dma_wait3A_242] : memref<256xi32, #tpu.memory_space<vmem>> -> memref<128xi32, #tpu.memory_space<vmem>>
    %dma_wait3A_244 = arith.constant 0 : i32
    %dma_wait3A_245 = arith.constant 0 : i32
    %dma_wait3A_246 = tpu.memref_slice %arg7[%dma_wait3A_244, %dma_wait3A_245] : memref<100000x128xf32, #tpu.memory_space<hbm>> -> memref<100000x128xf32, #tpu.memory_space<hbm>>
    tpu.wait_indirect_dma semaphore(%arg24 : memref<!tpu.dma_semaphore, #tpu.memory_space<semaphore_mem>>) src(%dma_wait3A_246 : memref<100000x128xf32, #tpu.memory_space<hbm>>) dst(%dma_wait3A_241 : memref<128x128xf32, #tpu.memory_space<vmem>>)
    %add3A_247 = arith.constant 128 : i32
    %add3A_248 = arith.addi %mul3A_2, %add3A_247 : i32
    %dma_start3A_249 = arith.constant 0 : i32
    %dma_start3A_250 = arith.constant 0 : i32
    %dma_start3A_251 = arith.constant 0 : i32
    %dma_start3A_252 = tpu.memref_slice %arg14[%dma_start3A_249, %dma_start3A_250, %dma_start3A_251] : memref<2x128x128xf32, #tpu.memory_space<vmem>> -> memref<1x128x128xf32, #tpu.memory_space<vmem>>
    %dma_start3A_253 = tpu.memref_squeeze %dma_start3A_252 : memref<1x128x128xf32, #tpu.memory_space<vmem>> -> memref<128x128xf32, #tpu.memory_space<vmem>>
    %dma_start3A_254 = arith.constant 0 : i32
    %dma_start3A_255 = tpu.memref_slice %arg10[%add3A_248, %dma_start3A_254] : memref<8192x128xf32, #tpu.memory_space<hbm>> -> memref<128x128xf32, #tpu.memory_space<hbm>>
    %dma_start3A_256 = arith.constant 0 : i32
    %dma_start3A_257 = tpu.memref_slice %arg10[%add3A_248, %dma_start3A_256] : memref<8192x128xf32, #tpu.memory_space<hbm>> -> memref<128x128xf32, #tpu.memory_space<hbm>>
    %dma_start3A_258 = arith.constant 0 : i32
    %dma_start3A_259 = arith.constant 0 : i32
    %dma_start3A_260 = tpu.memref_slice %arg14[%dma_start3A_249, %dma_start3A_258, %dma_start3A_259] : memref<2x128x128xf32, #tpu.memory_space<vmem>> -> memref<1x128x128xf32, #tpu.memory_space<vmem>>
    %dma_start3A_261 = tpu.memref_squeeze %dma_start3A_260 : memref<1x128x128xf32, #tpu.memory_space<vmem>> -> memref<128x128xf32, #tpu.memory_space<vmem>>
    tpu.enqueue_dma source(%dma_start3A_261 : memref<128x128xf32, #tpu.memory_space<vmem>>) target(%dma_start3A_257 : memref<128x128xf32, #tpu.memory_space<hbm>>) target_semaphore(%arg29 : memref<!tpu.dma_semaphore, #tpu.memory_space<semaphore_mem>>)
    %dma_wait3A_262 = arith.constant 0 : i32
    %dma_wait3A_263 = arith.constant 0 : i32
    %dma_wait3A_264 = arith.constant 0 : i32
    %dma_wait3A_265 = tpu.memref_slice %arg13[%dma_wait3A_262, %dma_wait3A_263, %dma_wait3A_264] : memref<2x128x128xf32, #tpu.memory_space<vmem>> -> memref<1x128x128xf32, #tpu.memory_space<vmem>>
    %dma_wait3A_266 = tpu.memref_squeeze %dma_wait3A_265 : memref<1x128x128xf32, #tpu.memory_space<vmem>> -> memref<128x128xf32, #tpu.memory_space<vmem>>
    %dma_wait3A_267 = arith.constant 0 : i32
    %dma_wait3A_268 = tpu.memref_slice %arg8[%mul3A_2, %dma_wait3A_267] : memref<8192x128xf32, #tpu.memory_space<hbm>> -> memref<128x128xf32, #tpu.memory_space<hbm>>
    %dma_wait3A_269 = arith.constant 0 : i32
    %dma_wait3A_270 = tpu.memref_slice %arg8[%mul3A_2, %dma_wait3A_269] : memref<8192x128xf32, #tpu.memory_space<hbm>> -> memref<128x128xf32, #tpu.memory_space<hbm>>
    %dma_wait3A_271 = arith.constant 0 : i32
    %dma_wait3A_272 = arith.constant 0 : i32
    %dma_wait3A_273 = tpu.memref_slice %arg13[%dma_wait3A_262, %dma_wait3A_271, %dma_wait3A_272] : memref<2x128x128xf32, #tpu.memory_space<vmem>> -> memref<1x128x128xf32, #tpu.memory_space<vmem>>
    %dma_wait3A_274 = tpu.memref_squeeze %dma_wait3A_273 : memref<1x128x128xf32, #tpu.memory_space<vmem>> -> memref<128x128xf32, #tpu.memory_space<vmem>>
    tpu.wait_dma2 semaphore(%arg23 : memref<!tpu.dma_semaphore, #tpu.memory_space<semaphore_mem>>) src(%dma_wait3A_274 : memref<128x128xf32, #tpu.memory_space<vmem>>) dst(%dma_wait3A_270 : memref<128x128xf32, #tpu.memory_space<hbm>>)
    %dma_wait3A_275 = arith.constant 0 : i32
    %dma_wait3A_276 = arith.constant 0 : i32
    %dma_wait3A_277 = arith.constant 0 : i32
    %dma_wait3A_278 = tpu.memref_slice %arg15[%dma_wait3A_275, %dma_wait3A_276, %dma_wait3A_277] : memref<3x128x128xf32, #tpu.memory_space<vmem>> -> memref<1x128x128xf32, #tpu.memory_space<vmem>>
    %dma_wait3A_279 = tpu.memref_squeeze %dma_wait3A_278 : memref<1x128x128xf32, #tpu.memory_space<vmem>> -> memref<128x128xf32, #tpu.memory_space<vmem>>
    %dma_wait3A_280 = arith.constant 0 : i32
    %dma_wait3A_281 = tpu.memref_slice %arg9[%mul3A_2, %dma_wait3A_280] : memref<8192x128xf32, #tpu.memory_space<hbm>> -> memref<128x128xf32, #tpu.memory_space<hbm>>
    %dma_wait3A_282 = arith.constant 0 : i32
    %dma_wait3A_283 = tpu.memref_slice %arg9[%mul3A_2, %dma_wait3A_282] : memref<8192x128xf32, #tpu.memory_space<hbm>> -> memref<128x128xf32, #tpu.memory_space<hbm>>
    %dma_wait3A_284 = arith.constant 0 : i32
    %dma_wait3A_285 = arith.constant 0 : i32
    %dma_wait3A_286 = tpu.memref_slice %arg15[%dma_wait3A_275, %dma_wait3A_284, %dma_wait3A_285] : memref<3x128x128xf32, #tpu.memory_space<vmem>> -> memref<1x128x128xf32, #tpu.memory_space<vmem>>
    %dma_wait3A_287 = tpu.memref_squeeze %dma_wait3A_286 : memref<1x128x128xf32, #tpu.memory_space<vmem>> -> memref<128x128xf32, #tpu.memory_space<vmem>>
    tpu.wait_dma2 semaphore(%arg25 : memref<!tpu.dma_semaphore, #tpu.memory_space<semaphore_mem>>) src(%dma_wait3A_287 : memref<128x128xf32, #tpu.memory_space<vmem>>) dst(%dma_wait3A_283 : memref<128x128xf32, #tpu.memory_space<hbm>>)
    %dma_wait3A_288 = arith.constant 1 : i32
    %dma_wait3A_289 = arith.constant 0 : i32
    %dma_wait3A_290 = arith.constant 0 : i32
    %dma_wait3A_291 = tpu.memref_slice %arg13[%dma_wait3A_288, %dma_wait3A_289, %dma_wait3A_290] : memref<2x128x128xf32, #tpu.memory_space<vmem>> -> memref<1x128x128xf32, #tpu.memory_space<vmem>>
    %dma_wait3A_292 = tpu.memref_squeeze %dma_wait3A_291 : memref<1x128x128xf32, #tpu.memory_space<vmem>> -> memref<128x128xf32, #tpu.memory_space<vmem>>
    %dma_wait3A_293 = arith.constant 0 : i32
    %dma_wait3A_294 = tpu.memref_slice %arg8[%add3A_175, %dma_wait3A_293] : memref<8192x128xf32, #tpu.memory_space<hbm>> -> memref<128x128xf32, #tpu.memory_space<hbm>>
    %dma_wait3A_295 = arith.constant 0 : i32
    %dma_wait3A_296 = tpu.memref_slice %arg8[%add3A_175, %dma_wait3A_295] : memref<8192x128xf32, #tpu.memory_space<hbm>> -> memref<128x128xf32, #tpu.memory_space<hbm>>
    %dma_wait3A_297 = arith.constant 0 : i32
    %dma_wait3A_298 = arith.constant 0 : i32
    %dma_wait3A_299 = tpu.memref_slice %arg13[%dma_wait3A_288, %dma_wait3A_297, %dma_wait3A_298] : memref<2x128x128xf32, #tpu.memory_space<vmem>> -> memref<1x128x128xf32, #tpu.memory_space<vmem>>
    %dma_wait3A_300 = tpu.memref_squeeze %dma_wait3A_299 : memref<1x128x128xf32, #tpu.memory_space<vmem>> -> memref<128x128xf32, #tpu.memory_space<vmem>>
    tpu.wait_dma2 semaphore(%arg26 : memref<!tpu.dma_semaphore, #tpu.memory_space<semaphore_mem>>) src(%dma_wait3A_300 : memref<128x128xf32, #tpu.memory_space<vmem>>) dst(%dma_wait3A_296 : memref<128x128xf32, #tpu.memory_space<hbm>>)
    %dma_wait3A_301 = arith.constant 1 : i32
    %dma_wait3A_302 = arith.constant 0 : i32
    %dma_wait3A_303 = arith.constant 0 : i32
    %dma_wait3A_304 = tpu.memref_slice %arg15[%dma_wait3A_301, %dma_wait3A_302, %dma_wait3A_303] : memref<3x128x128xf32, #tpu.memory_space<vmem>> -> memref<1x128x128xf32, #tpu.memory_space<vmem>>
    %dma_wait3A_305 = tpu.memref_squeeze %dma_wait3A_304 : memref<1x128x128xf32, #tpu.memory_space<vmem>> -> memref<128x128xf32, #tpu.memory_space<vmem>>
    %dma_wait3A_306 = arith.constant 0 : i32
    %dma_wait3A_307 = tpu.memref_slice %arg10[%mul3A_2, %dma_wait3A_306] : memref<8192x128xf32, #tpu.memory_space<hbm>> -> memref<128x128xf32, #tpu.memory_space<hbm>>
    %dma_wait3A_308 = arith.constant 0 : i32
    %dma_wait3A_309 = tpu.memref_slice %arg10[%mul3A_2, %dma_wait3A_308] : memref<8192x128xf32, #tpu.memory_space<hbm>> -> memref<128x128xf32, #tpu.memory_space<hbm>>
    %dma_wait3A_310 = arith.constant 0 : i32
    %dma_wait3A_311 = arith.constant 0 : i32
    %dma_wait3A_312 = tpu.memref_slice %arg15[%dma_wait3A_301, %dma_wait3A_310, %dma_wait3A_311] : memref<3x128x128xf32, #tpu.memory_space<vmem>> -> memref<1x128x128xf32, #tpu.memory_space<vmem>>
    %dma_wait3A_313 = tpu.memref_squeeze %dma_wait3A_312 : memref<1x128x128xf32, #tpu.memory_space<vmem>> -> memref<128x128xf32, #tpu.memory_space<vmem>>
    tpu.wait_dma2 semaphore(%arg27 : memref<!tpu.dma_semaphore, #tpu.memory_space<semaphore_mem>>) src(%dma_wait3A_313 : memref<128x128xf32, #tpu.memory_space<vmem>>) dst(%dma_wait3A_309 : memref<128x128xf32, #tpu.memory_space<hbm>>)
    %dma_wait3A_314 = arith.constant 2 : i32
    %dma_wait3A_315 = arith.constant 0 : i32
    %dma_wait3A_316 = arith.constant 0 : i32
    %dma_wait3A_317 = tpu.memref_slice %arg15[%dma_wait3A_314, %dma_wait3A_315, %dma_wait3A_316] : memref<3x128x128xf32, #tpu.memory_space<vmem>> -> memref<1x128x128xf32, #tpu.memory_space<vmem>>
    %dma_wait3A_318 = tpu.memref_squeeze %dma_wait3A_317 : memref<1x128x128xf32, #tpu.memory_space<vmem>> -> memref<128x128xf32, #tpu.memory_space<vmem>>
    %dma_wait3A_319 = arith.constant 0 : i32
    %dma_wait3A_320 = tpu.memref_slice %arg9[%add3A_223, %dma_wait3A_319] : memref<8192x128xf32, #tpu.memory_space<hbm>> -> memref<128x128xf32, #tpu.memory_space<hbm>>
    %dma_wait3A_321 = arith.constant 0 : i32
    %dma_wait3A_322 = tpu.memref_slice %arg9[%add3A_223, %dma_wait3A_321] : memref<8192x128xf32, #tpu.memory_space<hbm>> -> memref<128x128xf32, #tpu.memory_space<hbm>>
    %dma_wait3A_323 = arith.constant 0 : i32
    %dma_wait3A_324 = arith.constant 0 : i32
    %dma_wait3A_325 = tpu.memref_slice %arg15[%dma_wait3A_314, %dma_wait3A_323, %dma_wait3A_324] : memref<3x128x128xf32, #tpu.memory_space<vmem>> -> memref<1x128x128xf32, #tpu.memory_space<vmem>>
    %dma_wait3A_326 = tpu.memref_squeeze %dma_wait3A_325 : memref<1x128x128xf32, #tpu.memory_space<vmem>> -> memref<128x128xf32, #tpu.memory_space<vmem>>
    tpu.wait_dma2 semaphore(%arg28 : memref<!tpu.dma_semaphore, #tpu.memory_space<semaphore_mem>>) src(%dma_wait3A_326 : memref<128x128xf32, #tpu.memory_space<vmem>>) dst(%dma_wait3A_322 : memref<128x128xf32, #tpu.memory_space<hbm>>)
    %dma_wait3A_327 = arith.constant 0 : i32
    %dma_wait3A_328 = arith.constant 0 : i32
    %dma_wait3A_329 = arith.constant 0 : i32
    %dma_wait3A_330 = tpu.memref_slice %arg14[%dma_wait3A_327, %dma_wait3A_328, %dma_wait3A_329] : memref<2x128x128xf32, #tpu.memory_space<vmem>> -> memref<1x128x128xf32, #tpu.memory_space<vmem>>
    %dma_wait3A_331 = tpu.memref_squeeze %dma_wait3A_330 : memref<1x128x128xf32, #tpu.memory_space<vmem>> -> memref<128x128xf32, #tpu.memory_space<vmem>>
    %dma_wait3A_332 = arith.constant 0 : i32
    %dma_wait3A_333 = tpu.memref_slice %arg10[%add3A_248, %dma_wait3A_332] : memref<8192x128xf32, #tpu.memory_space<hbm>> -> memref<128x128xf32, #tpu.memory_space<hbm>>
    %dma_wait3A_334 = arith.constant 0 : i32
    %dma_wait3A_335 = tpu.memref_slice %arg10[%add3A_248, %dma_wait3A_334] : memref<8192x128xf32, #tpu.memory_space<hbm>> -> memref<128x128xf32, #tpu.memory_space<hbm>>
    %dma_wait3A_336 = arith.constant 0 : i32
    %dma_wait3A_337 = arith.constant 0 : i32
    %dma_wait3A_338 = tpu.memref_slice %arg14[%dma_wait3A_327, %dma_wait3A_336, %dma_wait3A_337] : memref<2x128x128xf32, #tpu.memory_space<vmem>> -> memref<1x128x128xf32, #tpu.memory_space<vmem>>
    %dma_wait3A_339 = tpu.memref_squeeze %dma_wait3A_338 : memref<1x128x128xf32, #tpu.memory_space<vmem>> -> memref<128x128xf32, #tpu.memory_space<vmem>>
    tpu.wait_dma2 semaphore(%arg29 : memref<!tpu.dma_semaphore, #tpu.memory_space<semaphore_mem>>) src(%dma_wait3A_339 : memref<128x128xf32, #tpu.memory_space<vmem>>) dst(%dma_wait3A_335 : memref<128x128xf32, #tpu.memory_space<hbm>>)
    return
  }
}

#map = affine_map<(d0, d1) -> (0)>
#map1 = affine_map<(d0, d1) -> (0, 0)>
module attributes {stable_mosaic.version = 14 : i64} {
  func.func @k(%arg0: i32, %arg1: i32, %arg2: memref<16384xi32, #tpu.memory_space<hbm>>, %arg3: memref<16384xi32, #tpu.memory_space<hbm>>, %arg4: memref<100000x128xf32, #tpu.memory_space<hbm>>, %arg5: memref<100000x128xf32, #tpu.memory_space<hbm>>, %arg6: memref<100000x128xf32, #tpu.memory_space<hbm>>, %arg7: memref<100000x128xf32, #tpu.memory_space<hbm>>, %arg8: memref<8192x128xf32, #tpu.memory_space<hbm>>, %arg9: memref<8192x128xf32, #tpu.memory_space<hbm>>, %arg10: memref<8192x128xf32, #tpu.memory_space<hbm>>, %arg11: memref<256xi32, #tpu.memory_space<vmem>>, %arg12: memref<256xi32, #tpu.memory_space<vmem>>, %arg13: memref<2x128x128xf32, #tpu.memory_space<vmem>>, %arg14: memref<2x128x128xf32, #tpu.memory_space<vmem>>, %arg15: memref<3x128x128xf32, #tpu.memory_space<vmem>>, %arg16: memref<!tpu.dma_semaphore, #tpu.memory_space<semaphore_mem>>, %arg17: memref<!tpu.dma_semaphore, #tpu.memory_space<semaphore_mem>>, %arg18: memref<!tpu.dma_semaphore, #tpu.memory_space<semaphore_mem>>, %arg19: memref<!tpu.dma_semaphore, #tpu.memory_space<semaphore_mem>>, %arg20: memref<!tpu.dma_semaphore, #tpu.memory_space<semaphore_mem>>, %arg21: memref<!tpu.dma_semaphore, #tpu.memory_space<semaphore_mem>>, %arg22: memref<!tpu.dma_semaphore, #tpu.memory_space<semaphore_mem>>, %arg23: memref<!tpu.dma_semaphore, #tpu.memory_space<semaphore_mem>>, %arg24: memref<!tpu.dma_semaphore, #tpu.memory_space<semaphore_mem>>, %arg25: memref<!tpu.dma_semaphore, #tpu.memory_space<semaphore_mem>>, %arg26: memref<!tpu.dma_semaphore, #tpu.memory_space<semaphore_mem>>, %arg27: memref<!tpu.dma_semaphore, #tpu.memory_space<semaphore_mem>>, %arg28: memref<!tpu.dma_semaphore, #tpu.memory_space<semaphore_mem>>, %arg29: memref<!tpu.dma_semaphore, #tpu.memory_space<semaphore_mem>>) attributes {dimension_semantics = [#tpu.dimension_semantics<core_parallel>, #tpu.dimension_semantics<subcore_parallel>], iteration_bounds = array<i64: 2, 16>, scalar_prefetch = 0 : i64, scratch_operands = 19 : i64, tpu.core_type = #tpu.core_type<sc_vector_subcore>, window_params = [{transform_indices = #map}, {transform_indices = #map}, {transform_indices = #map1}, {transform_indices = #map1}, {transform_indices = #map1}, {transform_indices = #map1}, {transform_indices = #map1}, {transform_indices = #map1}, {transform_indices = #map1}]} {
    %mul3A = arith.constant 2 : i32
    %mul3A_0 = arith.muli %arg1, %mul3A : i32
    %add3A = arith.addi %mul3A_0, %arg0 : i32
    %mul3A_1 = arith.constant 256 : i32
    %mul3A_2 = arith.muli %add3A, %mul3A_1 : i32
    %add3A_3 = arith.constant 8192 : i32
    %add3A_4 = arith.addi %add3A_3, %mul3A_2 : i32
    "tpu.region"() ({
      %run_scoped3A = tpu.sem_alloc : memref<!tpu.dma_semaphore, #tpu.memory_space<semaphore_mem>>
      %dma_start3A_340 = tpu.memref_slice %arg2[%add3A_4] : memref<16384xi32, #tpu.memory_space<hbm>> -> memref<256xi32, #tpu.memory_space<hbm>>
      %dma_start3A_341 = tpu.memref_slice %arg2[%add3A_4] : memref<16384xi32, #tpu.memory_space<hbm>> -> memref<256xi32, #tpu.memory_space<hbm>>
      tpu.enqueue_dma source(%dma_start3A_341 : memref<256xi32, #tpu.memory_space<hbm>>) target(%arg11 : memref<256xi32, #tpu.memory_space<vmem>>) target_semaphore(%run_scoped3A : memref<!tpu.dma_semaphore, #tpu.memory_space<semaphore_mem>>)
      %dma_wait3A_342 = tpu.memref_slice %arg2[%add3A_4] : memref<16384xi32, #tpu.memory_space<hbm>> -> memref<256xi32, #tpu.memory_space<hbm>>
      %dma_wait3A_343 = tpu.memref_slice %arg2[%add3A_4] : memref<16384xi32, #tpu.memory_space<hbm>> -> memref<256xi32, #tpu.memory_space<hbm>>
      tpu.wait_dma2 semaphore(%run_scoped3A : memref<!tpu.dma_semaphore, #tpu.memory_space<semaphore_mem>>) src(%dma_wait3A_343 : memref<256xi32, #tpu.memory_space<hbm>>) dst(%arg11 : memref<256xi32, #tpu.memory_space<vmem>>)
      tpu.yield
    }) : () -> ()
    %add3A_5 = arith.constant 8192 : i32
    %add3A_6 = arith.addi %add3A_5, %mul3A_2 : i32
    "tpu.region"() ({
      %run_scoped3A = tpu.sem_alloc : memref<!tpu.dma_semaphore, #tpu.memory_space<semaphore_mem>>
      %dma_start3A_340 = tpu.memref_slice %arg3[%add3A_6] : memref<16384xi32, #tpu.memory_space<hbm>> -> memref<256xi32, #tpu.memory_space<hbm>>
      %dma_start3A_341 = tpu.memref_slice %arg3[%add3A_6] : memref<16384xi32, #tpu.memory_space<hbm>> -> memref<256xi32, #tpu.memory_space<hbm>>
      tpu.enqueue_dma source(%dma_start3A_341 : memref<256xi32, #tpu.memory_space<hbm>>) target(%arg12 : memref<256xi32, #tpu.memory_space<vmem>>) target_semaphore(%run_scoped3A : memref<!tpu.dma_semaphore, #tpu.memory_space<semaphore_mem>>)
      %dma_wait3A_342 = tpu.memref_slice %arg3[%add3A_6] : memref<16384xi32, #tpu.memory_space<hbm>> -> memref<256xi32, #tpu.memory_space<hbm>>
      %dma_wait3A_343 = tpu.memref_slice %arg3[%add3A_6] : memref<16384xi32, #tpu.memory_space<hbm>> -> memref<256xi32, #tpu.memory_space<hbm>>
      tpu.wait_dma2 semaphore(%run_scoped3A : memref<!tpu.dma_semaphore, #tpu.memory_space<semaphore_mem>>) src(%dma_wait3A_343 : memref<256xi32, #tpu.memory_space<hbm>>) dst(%arg12 : memref<256xi32, #tpu.memory_space<vmem>>)
      tpu.yield
    }) : () -> ()
    %dma_start3A = arith.constant 0 : i32
    %dma_start3A_7 = arith.constant 0 : i32
    %dma_start3A_8 = arith.constant 0 : i32
    %dma_start3A_9 = tpu.memref_slice %arg13[%dma_start3A, %dma_start3A_7, %dma_start3A_8] : memref<2x128x128xf32, #tpu.memory_space<vmem>> -> memref<1x128x128xf32, #tpu.memory_space<vmem>>
    %dma_start3A_10 = tpu.memref_squeeze %dma_start3A_9 : memref<1x128x128xf32, #tpu.memory_space<vmem>> -> memref<128x128xf32, #tpu.memory_space<vmem>>
    %dma_start3A_11 = arith.constant 0 : i32
    %dma_start3A_12 = tpu.memref_slice %arg11[%dma_start3A_11] : memref<256xi32, #tpu.memory_space<vmem>> -> memref<128xi32, #tpu.memory_space<vmem>>
    %dma_start3A_13 = arith.constant 0 : i32
    %dma_start3A_14 = arith.constant 0 : i32
    %dma_start3A_15 = tpu.memref_slice %arg4[%dma_start3A_13, %dma_start3A_14] : memref<100000x128xf32, #tpu.memory_space<hbm>> -> memref<100000x128xf32, #tpu.memory_space<hbm>>
    tpu.enqueue_indirect_dma source(%dma_start3A_15 : memref<100000x128xf32, #tpu.memory_space<hbm>>) target(%dma_start3A_10 : memref<128x128xf32, #tpu.memory_space<vmem>>) offsets(%dma_start3A_12 : memref<128xi32, #tpu.memory_space<vmem>>) semaphore(%arg16 : memref<!tpu.dma_semaphore, #tpu.memory_space<semaphore_mem>>)
    %dma_start3A_16 = arith.constant 0 : i32
    %dma_start3A_17 = arith.constant 0 : i32
    %dma_start3A_18 = arith.constant 0 : i32
    %dma_start3A_19 = tpu.memref_slice %arg14[%dma_start3A_16, %dma_start3A_17, %dma_start3A_18] : memref<2x128x128xf32, #tpu.memory_space<vmem>> -> memref<1x128x128xf32, #tpu.memory_space<vmem>>
    %dma_start3A_20 = tpu.memref_squeeze %dma_start3A_19 : memref<1x128x128xf32, #tpu.memory_space<vmem>> -> memref<128x128xf32, #tpu.memory_space<vmem>>
    %dma_start3A_21 = arith.constant 0 : i32
    %dma_start3A_22 = tpu.memref_slice %arg12[%dma_start3A_21] : memref<256xi32, #tpu.memory_space<vmem>> -> memref<128xi32, #tpu.memory_space<vmem>>
    %dma_start3A_23 = arith.constant 0 : i32
    %dma_start3A_24 = arith.constant 0 : i32
    %dma_start3A_25 = tpu.memref_slice %arg5[%dma_start3A_23, %dma_start3A_24] : memref<100000x128xf32, #tpu.memory_space<hbm>> -> memref<100000x128xf32, #tpu.memory_space<hbm>>
    tpu.enqueue_indirect_dma source(%dma_start3A_25 : memref<100000x128xf32, #tpu.memory_space<hbm>>) target(%dma_start3A_20 : memref<128x128xf32, #tpu.memory_space<vmem>>) offsets(%dma_start3A_22 : memref<128xi32, #tpu.memory_space<vmem>>) semaphore(%arg17 : memref<!tpu.dma_semaphore, #tpu.memory_space<semaphore_mem>>)
    %dma_start3A_26 = arith.constant 1 : i32
    %dma_start3A_27 = arith.constant 0 : i32
    %dma_start3A_28 = arith.constant 0 : i32
    %dma_start3A_29 = tpu.memref_slice %arg13[%dma_start3A_26, %dma_start3A_27, %dma_start3A_28] : memref<2x128x128xf32, #tpu.memory_space<vmem>> -> memref<1x128x128xf32, #tpu.memory_space<vmem>>
    %dma_start3A_30 = tpu.memref_squeeze %dma_start3A_29 : memref<1x128x128xf32, #tpu.memory_space<vmem>> -> memref<128x128xf32, #tpu.memory_space<vmem>>
    %dma_start3A_31 = arith.constant 128 : i32
    %dma_start3A_32 = tpu.memref_slice %arg11[%dma_start3A_31] : memref<256xi32, #tpu.memory_space<vmem>> -> memref<128xi32, #tpu.memory_space<vmem>>
    %dma_start3A_33 = arith.constant 0 : i32
    %dma_start3A_34 = arith.constant 0 : i32
    %dma_start3A_35 = tpu.memref_slice %arg4[%dma_start3A_33, %dma_start3A_34] : memref<100000x128xf32, #tpu.memory_space<hbm>> -> memref<100000x128xf32, #tpu.memory_space<hbm>>
    tpu.enqueue_indirect_dma source(%dma_start3A_35 : memref<100000x128xf32, #tpu.memory_space<hbm>>) target(%dma_start3A_30 : memref<128x128xf32, #tpu.memory_space<vmem>>) offsets(%dma_start3A_32 : memref<128xi32, #tpu.memory_space<vmem>>) semaphore(%arg18 : memref<!tpu.dma_semaphore, #tpu.memory_space<semaphore_mem>>)
    %dma_start3A_36 = arith.constant 1 : i32
    %dma_start3A_37 = arith.constant 0 : i32
    %dma_start3A_38 = arith.constant 0 : i32
    %dma_start3A_39 = tpu.memref_slice %arg14[%dma_start3A_36, %dma_start3A_37, %dma_start3A_38] : memref<2x128x128xf32, #tpu.memory_space<vmem>> -> memref<1x128x128xf32, #tpu.memory_space<vmem>>
    %dma_start3A_40 = tpu.memref_squeeze %dma_start3A_39 : memref<1x128x128xf32, #tpu.memory_space<vmem>> -> memref<128x128xf32, #tpu.memory_space<vmem>>
    %dma_start3A_41 = arith.constant 128 : i32
    %dma_start3A_42 = tpu.memref_slice %arg12[%dma_start3A_41] : memref<256xi32, #tpu.memory_space<vmem>> -> memref<128xi32, #tpu.memory_space<vmem>>
    %dma_start3A_43 = arith.constant 0 : i32
    %dma_start3A_44 = arith.constant 0 : i32
    %dma_start3A_45 = tpu.memref_slice %arg5[%dma_start3A_43, %dma_start3A_44] : memref<100000x128xf32, #tpu.memory_space<hbm>> -> memref<100000x128xf32, #tpu.memory_space<hbm>>
    tpu.enqueue_indirect_dma source(%dma_start3A_45 : memref<100000x128xf32, #tpu.memory_space<hbm>>) target(%dma_start3A_40 : memref<128x128xf32, #tpu.memory_space<vmem>>) offsets(%dma_start3A_42 : memref<128xi32, #tpu.memory_space<vmem>>) semaphore(%arg19 : memref<!tpu.dma_semaphore, #tpu.memory_space<semaphore_mem>>)
    %dma_start3A_46 = arith.constant 0 : i32
    %dma_start3A_47 = arith.constant 0 : i32
    %dma_start3A_48 = arith.constant 0 : i32
    %dma_start3A_49 = tpu.memref_slice %arg15[%dma_start3A_46, %dma_start3A_47, %dma_start3A_48] : memref<3x128x128xf32, #tpu.memory_space<vmem>> -> memref<1x128x128xf32, #tpu.memory_space<vmem>>
    %dma_start3A_50 = tpu.memref_squeeze %dma_start3A_49 : memref<1x128x128xf32, #tpu.memory_space<vmem>> -> memref<128x128xf32, #tpu.memory_space<vmem>>
    %dma_start3A_51 = arith.constant 0 : i32
    %dma_start3A_52 = tpu.memref_slice %arg11[%dma_start3A_51] : memref<256xi32, #tpu.memory_space<vmem>> -> memref<128xi32, #tpu.memory_space<vmem>>
    %dma_start3A_53 = arith.constant 0 : i32
    %dma_start3A_54 = arith.constant 0 : i32
    %dma_start3A_55 = tpu.memref_slice %arg6[%dma_start3A_53, %dma_start3A_54] : memref<100000x128xf32, #tpu.memory_space<hbm>> -> memref<100000x128xf32, #tpu.memory_space<hbm>>
    tpu.enqueue_indirect_dma source(%dma_start3A_55 : memref<100000x128xf32, #tpu.memory_space<hbm>>) target(%dma_start3A_50 : memref<128x128xf32, #tpu.memory_space<vmem>>) offsets(%dma_start3A_52 : memref<128xi32, #tpu.memory_space<vmem>>) semaphore(%arg20 : memref<!tpu.dma_semaphore, #tpu.memory_space<semaphore_mem>>)
    %dma_start3A_56 = arith.constant 1 : i32
    %dma_start3A_57 = arith.constant 0 : i32
    %dma_start3A_58 = arith.constant 0 : i32
    %dma_start3A_59 = tpu.memref_slice %arg15[%dma_start3A_56, %dma_start3A_57, %dma_start3A_58] : memref<3x128x128xf32, #tpu.memory_space<vmem>> -> memref<1x128x128xf32, #tpu.memory_space<vmem>>
    %dma_start3A_60 = tpu.memref_squeeze %dma_start3A_59 : memref<1x128x128xf32, #tpu.memory_space<vmem>> -> memref<128x128xf32, #tpu.memory_space<vmem>>
    %dma_start3A_61 = arith.constant 0 : i32
    %dma_start3A_62 = tpu.memref_slice %arg12[%dma_start3A_61] : memref<256xi32, #tpu.memory_space<vmem>> -> memref<128xi32, #tpu.memory_space<vmem>>
    %dma_start3A_63 = arith.constant 0 : i32
    %dma_start3A_64 = arith.constant 0 : i32
    %dma_start3A_65 = tpu.memref_slice %arg7[%dma_start3A_63, %dma_start3A_64] : memref<100000x128xf32, #tpu.memory_space<hbm>> -> memref<100000x128xf32, #tpu.memory_space<hbm>>
    tpu.enqueue_indirect_dma source(%dma_start3A_65 : memref<100000x128xf32, #tpu.memory_space<hbm>>) target(%dma_start3A_60 : memref<128x128xf32, #tpu.memory_space<vmem>>) offsets(%dma_start3A_62 : memref<128xi32, #tpu.memory_space<vmem>>) semaphore(%arg21 : memref<!tpu.dma_semaphore, #tpu.memory_space<semaphore_mem>>)
    %dma_start3A_66 = arith.constant 2 : i32
    %dma_start3A_67 = arith.constant 0 : i32
    %dma_start3A_68 = arith.constant 0 : i32
    %dma_start3A_69 = tpu.memref_slice %arg15[%dma_start3A_66, %dma_start3A_67, %dma_start3A_68] : memref<3x128x128xf32, #tpu.memory_space<vmem>> -> memref<1x128x128xf32, #tpu.memory_space<vmem>>
    %dma_start3A_70 = tpu.memref_squeeze %dma_start3A_69 : memref<1x128x128xf32, #tpu.memory_space<vmem>> -> memref<128x128xf32, #tpu.memory_space<vmem>>
    %dma_start3A_71 = arith.constant 128 : i32
    %dma_start3A_72 = tpu.memref_slice %arg11[%dma_start3A_71] : memref<256xi32, #tpu.memory_space<vmem>> -> memref<128xi32, #tpu.memory_space<vmem>>
    %dma_start3A_73 = arith.constant 0 : i32
    %dma_start3A_74 = arith.constant 0 : i32
    %dma_start3A_75 = tpu.memref_slice %arg6[%dma_start3A_73, %dma_start3A_74] : memref<100000x128xf32, #tpu.memory_space<hbm>> -> memref<100000x128xf32, #tpu.memory_space<hbm>>
    tpu.enqueue_indirect_dma source(%dma_start3A_75 : memref<100000x128xf32, #tpu.memory_space<hbm>>) target(%dma_start3A_70 : memref<128x128xf32, #tpu.memory_space<vmem>>) offsets(%dma_start3A_72 : memref<128xi32, #tpu.memory_space<vmem>>) semaphore(%arg22 : memref<!tpu.dma_semaphore, #tpu.memory_space<semaphore_mem>>)
    %dma_wait3A = arith.constant 0 : i32
    %dma_wait3A_76 = arith.constant 0 : i32
    %dma_wait3A_77 = arith.constant 0 : i32
    %dma_wait3A_78 = tpu.memref_slice %arg13[%dma_wait3A, %dma_wait3A_76, %dma_wait3A_77] : memref<2x128x128xf32, #tpu.memory_space<vmem>> -> memref<1x128x128xf32, #tpu.memory_space<vmem>>
    %dma_wait3A_79 = tpu.memref_squeeze %dma_wait3A_78 : memref<1x128x128xf32, #tpu.memory_space<vmem>> -> memref<128x128xf32, #tpu.memory_space<vmem>>
    %dma_wait3A_80 = arith.constant 0 : i32
    %dma_wait3A_81 = tpu.memref_slice %arg11[%dma_wait3A_80] : memref<256xi32, #tpu.memory_space<vmem>> -> memref<128xi32, #tpu.memory_space<vmem>>
    %dma_wait3A_82 = arith.constant 0 : i32
    %dma_wait3A_83 = arith.constant 0 : i32
    %dma_wait3A_84 = tpu.memref_slice %arg4[%dma_wait3A_82, %dma_wait3A_83] : memref<100000x128xf32, #tpu.memory_space<hbm>> -> memref<100000x128xf32, #tpu.memory_space<hbm>>
    tpu.wait_indirect_dma semaphore(%arg16 : memref<!tpu.dma_semaphore, #tpu.memory_space<semaphore_mem>>) src(%dma_wait3A_84 : memref<100000x128xf32, #tpu.memory_space<hbm>>) dst(%dma_wait3A_79 : memref<128x128xf32, #tpu.memory_space<vmem>>)
    %dma_wait3A_85 = arith.constant 0 : i32
    %dma_wait3A_86 = arith.constant 0 : i32
    %dma_wait3A_87 = arith.constant 0 : i32
    %dma_wait3A_88 = tpu.memref_slice %arg14[%dma_wait3A_85, %dma_wait3A_86, %dma_wait3A_87] : memref<2x128x128xf32, #tpu.memory_space<vmem>> -> memref<1x128x128xf32, #tpu.memory_space<vmem>>
    %dma_wait3A_89 = tpu.memref_squeeze %dma_wait3A_88 : memref<1x128x128xf32, #tpu.memory_space<vmem>> -> memref<128x128xf32, #tpu.memory_space<vmem>>
    %dma_wait3A_90 = arith.constant 0 : i32
    %dma_wait3A_91 = tpu.memref_slice %arg12[%dma_wait3A_90] : memref<256xi32, #tpu.memory_space<vmem>> -> memref<128xi32, #tpu.memory_space<vmem>>
    %dma_wait3A_92 = arith.constant 0 : i32
    %dma_wait3A_93 = arith.constant 0 : i32
    %dma_wait3A_94 = tpu.memref_slice %arg5[%dma_wait3A_92, %dma_wait3A_93] : memref<100000x128xf32, #tpu.memory_space<hbm>> -> memref<100000x128xf32, #tpu.memory_space<hbm>>
    tpu.wait_indirect_dma semaphore(%arg17 : memref<!tpu.dma_semaphore, #tpu.memory_space<semaphore_mem>>) src(%dma_wait3A_94 : memref<100000x128xf32, #tpu.memory_space<hbm>>) dst(%dma_wait3A_89 : memref<128x128xf32, #tpu.memory_space<vmem>>)
    %scan3A = arith.constant 0 : i32
    %scan3A_95 = arith.constant 0 : i32
    %scan3A_96 = arith.constant 128 : i32
    %scan3A_97 = arith.addi %scan3A_95, %scan3A_96 : i32
    %scan3A_98 = arith.constant 1 : i32
    %scan3A_99 = scf.for %scan3A_340 = %scan3A_95 to %scan3A_97 step %scan3A_98 iter_args(%scan3A_341 = %scan3A) -> (i32)  : i32 {
      %get3A = arith.constant 0 : i32
      %get3A_342 = arith.index_cast %get3A : i32 to index
      %get3A_343 = arith.index_cast %scan3A_340 : i32 to index
      %get3A_344 = arith.constant 0 : index
      %get3A_345 = tpu.vector_load %arg13[%get3A_342, %get3A_343, %get3A_344] {strides = array<i32>} : memref<2x128x128xf32, #tpu.memory_space<vmem>>, vector<1x1x16xf32>,
      %get3A_346 = vector.shape_cast %get3A_345 : vector<1x1x16xf32> to vector<16xf32>
      %get3A_347 = arith.constant 0 : i32
      %get3A_348 = arith.index_cast %get3A_347 : i32 to index
      %get3A_349 = arith.index_cast %scan3A_340 : i32 to index
      %get3A_350 = arith.constant 0 : index
      %get3A_351 = tpu.vector_load %arg14[%get3A_348, %get3A_349, %get3A_350] {strides = array<i32>} : memref<2x128x128xf32, #tpu.memory_space<vmem>>, vector<1x1x16xf32>,
      %get3A_352 = vector.shape_cast %get3A_351 : vector<1x1x16xf32> to vector<16xf32>
      %mul3A_353 = arith.mulf %get3A_346, %get3A_352 : vector<16xf32>
      %swap3A = arith.constant 0 : i32
      %swap3A_354 = arith.index_cast %swap3A : i32 to index
      %swap3A_355 = arith.index_cast %scan3A_340 : i32 to index
      %swap3A_356 = arith.constant 0 : index
      %swap3A_357 = tpu.vector_load %arg13[%swap3A_354, %swap3A_355, %swap3A_356] {strides = array<i32>} : memref<2x128x128xf32, #tpu.memory_space<vmem>>, vector<1x1x16xf32>,
      %swap3A_358 = vector.shape_cast %swap3A_357 : vector<1x1x16xf32> to vector<16xf32>
      %swap3A_359 = vector.shape_cast %mul3A_353 : vector<16xf32> to vector<1x1x16xf32>
      tpu.vector_store %arg13[%swap3A_354, %swap3A_355, %swap3A_356], %swap3A_359 {strides = array<i32>} : memref<2x128x128xf32, #tpu.memory_space<vmem>>, vector<1x1x16xf32>,
      %get3A_360 = arith.constant 0 : i32
      %get3A_361 = arith.index_cast %get3A_360 : i32 to index
      %get3A_362 = arith.index_cast %scan3A_340 : i32 to index
      %get3A_363 = arith.constant 16 : index
      %get3A_364 = tpu.vector_load %arg13[%get3A_361, %get3A_362, %get3A_363] {strides = array<i32>} : memref<2x128x128xf32, #tpu.memory_space<vmem>>, vector<1x1x16xf32>,
      %get3A_365 = vector.shape_cast %get3A_364 : vector<1x1x16xf32> to vector<16xf32>
      %get3A_366 = arith.constant 0 : i32
      %get3A_367 = arith.index_cast %get3A_366 : i32 to index
      %get3A_368 = arith.index_cast %scan3A_340 : i32 to index
      %get3A_369 = arith.constant 16 : index
      %get3A_370 = tpu.vector_load %arg14[%get3A_367, %get3A_368, %get3A_369] {strides = array<i32>} : memref<2x128x128xf32, #tpu.memory_space<vmem>>, vector<1x1x16xf32>,
      %get3A_371 = vector.shape_cast %get3A_370 : vector<1x1x16xf32> to vector<16xf32>
      %mul3A_372 = arith.mulf %get3A_365, %get3A_371 : vector<16xf32>
      %swap3A_373 = arith.constant 0 : i32
      %swap3A_374 = arith.index_cast %swap3A_373 : i32 to index
      %swap3A_375 = arith.index_cast %scan3A_340 : i32 to index
      %swap3A_376 = arith.constant 16 : index
      %swap3A_377 = tpu.vector_load %arg13[%swap3A_374, %swap3A_375, %swap3A_376] {strides = array<i32>} : memref<2x128x128xf32, #tpu.memory_space<vmem>>, vector<1x1x16xf32>,
      %swap3A_378 = vector.shape_cast %swap3A_377 : vector<1x1x16xf32> to vector<16xf32>
      %swap3A_379 = vector.shape_cast %mul3A_372 : vector<16xf32> to vector<1x1x16xf32>
      tpu.vector_store %arg13[%swap3A_374, %swap3A_375, %swap3A_376], %swap3A_379 {strides = array<i32>} : memref<2x128x128xf32, #tpu.memory_space<vmem>>, vector<1x1x16xf32>,
      %get3A_380 = arith.constant 0 : i32
      %get3A_381 = arith.index_cast %get3A_380 : i32 to index
      %get3A_382 = arith.index_cast %scan3A_340 : i32 to index
      %get3A_383 = arith.constant 32 : index
      %get3A_384 = tpu.vector_load %arg13[%get3A_381, %get3A_382, %get3A_383] {strides = array<i32>} : memref<2x128x128xf32, #tpu.memory_space<vmem>>, vector<1x1x16xf32>,
      %get3A_385 = vector.shape_cast %get3A_384 : vector<1x1x16xf32> to vector<16xf32>
      %get3A_386 = arith.constant 0 : i32
      %get3A_387 = arith.index_cast %get3A_386 : i32 to index
      %get3A_388 = arith.index_cast %scan3A_340 : i32 to index
      %get3A_389 = arith.constant 32 : index
      %get3A_390 = tpu.vector_load %arg14[%get3A_387, %get3A_388, %get3A_389] {strides = array<i32>} : memref<2x128x128xf32, #tpu.memory_space<vmem>>, vector<1x1x16xf32>,
      %get3A_391 = vector.shape_cast %get3A_390 : vector<1x1x16xf32> to vector<16xf32>
      %mul3A_392 = arith.mulf %get3A_385, %get3A_391 : vector<16xf32>
      %swap3A_393 = arith.constant 0 : i32
      %swap3A_394 = arith.index_cast %swap3A_393 : i32 to index
      %swap3A_395 = arith.index_cast %scan3A_340 : i32 to index
      %swap3A_396 = arith.constant 32 : index
      %swap3A_397 = tpu.vector_load %arg13[%swap3A_394, %swap3A_395, %swap3A_396] {strides = array<i32>} : memref<2x128x128xf32, #tpu.memory_space<vmem>>, vector<1x1x16xf32>,
      %swap3A_398 = vector.shape_cast %swap3A_397 : vector<1x1x16xf32> to vector<16xf32>
      %swap3A_399 = vector.shape_cast %mul3A_392 : vector<16xf32> to vector<1x1x16xf32>
      tpu.vector_store %arg13[%swap3A_394, %swap3A_395, %swap3A_396], %swap3A_399 {strides = array<i32>} : memref<2x128x128xf32, #tpu.memory_space<vmem>>, vector<1x1x16xf32>,
      %get3A_400 = arith.constant 0 : i32
      %get3A_401 = arith.index_cast %get3A_400 : i32 to index
      %get3A_402 = arith.index_cast %scan3A_340 : i32 to index
      %get3A_403 = arith.constant 48 : index
      %get3A_404 = tpu.vector_load %arg13[%get3A_401, %get3A_402, %get3A_403] {strides = array<i32>} : memref<2x128x128xf32, #tpu.memory_space<vmem>>, vector<1x1x16xf32>,
      %get3A_405 = vector.shape_cast %get3A_404 : vector<1x1x16xf32> to vector<16xf32>
      %get3A_406 = arith.constant 0 : i32
      %get3A_407 = arith.index_cast %get3A_406 : i32 to index
      %get3A_408 = arith.index_cast %scan3A_340 : i32 to index
      %get3A_409 = arith.constant 48 : index
      %get3A_410 = tpu.vector_load %arg14[%get3A_407, %get3A_408, %get3A_409] {strides = array<i32>} : memref<2x128x128xf32, #tpu.memory_space<vmem>>, vector<1x1x16xf32>,
      %get3A_411 = vector.shape_cast %get3A_410 : vector<1x1x16xf32> to vector<16xf32>
      %mul3A_412 = arith.mulf %get3A_405, %get3A_411 : vector<16xf32>
      %swap3A_413 = arith.constant 0 : i32
      %swap3A_414 = arith.index_cast %swap3A_413 : i32 to index
      %swap3A_415 = arith.index_cast %scan3A_340 : i32 to index
      %swap3A_416 = arith.constant 48 : index
      %swap3A_417 = tpu.vector_load %arg13[%swap3A_414, %swap3A_415, %swap3A_416] {strides = array<i32>} : memref<2x128x128xf32, #tpu.memory_space<vmem>>, vector<1x1x16xf32>,
      %swap3A_418 = vector.shape_cast %swap3A_417 : vector<1x1x16xf32> to vector<16xf32>
      %swap3A_419 = vector.shape_cast %mul3A_412 : vector<16xf32> to vector<1x1x16xf32>
      tpu.vector_store %arg13[%swap3A_414, %swap3A_415, %swap3A_416], %swap3A_419 {strides = array<i32>} : memref<2x128x128xf32, #tpu.memory_space<vmem>>, vector<1x1x16xf32>,
      %get3A_420 = arith.constant 0 : i32
      %get3A_421 = arith.index_cast %get3A_420 : i32 to index
      %get3A_422 = arith.index_cast %scan3A_340 : i32 to index
      %get3A_423 = arith.constant 64 : index
      %get3A_424 = tpu.vector_load %arg13[%get3A_421, %get3A_422, %get3A_423] {strides = array<i32>} : memref<2x128x128xf32, #tpu.memory_space<vmem>>, vector<1x1x16xf32>,
      %get3A_425 = vector.shape_cast %get3A_424 : vector<1x1x16xf32> to vector<16xf32>
      %get3A_426 = arith.constant 0 : i32
      %get3A_427 = arith.index_cast %get3A_426 : i32 to index
      %get3A_428 = arith.index_cast %scan3A_340 : i32 to index
      %get3A_429 = arith.constant 64 : index
      %get3A_430 = tpu.vector_load %arg14[%get3A_427, %get3A_428, %get3A_429] {strides = array<i32>} : memref<2x128x128xf32, #tpu.memory_space<vmem>>, vector<1x1x16xf32>,
      %get3A_431 = vector.shape_cast %get3A_430 : vector<1x1x16xf32> to vector<16xf32>
      %mul3A_432 = arith.mulf %get3A_425, %get3A_431 : vector<16xf32>
      %swap3A_433 = arith.constant 0 : i32
      %swap3A_434 = arith.index_cast %swap3A_433 : i32 to index
      %swap3A_435 = arith.index_cast %scan3A_340 : i32 to index
      %swap3A_436 = arith.constant 64 : index
      %swap3A_437 = tpu.vector_load %arg13[%swap3A_434, %swap3A_435, %swap3A_436] {strides = array<i32>} : memref<2x128x128xf32, #tpu.memory_space<vmem>>, vector<1x1x16xf32>,
      %swap3A_438 = vector.shape_cast %swap3A_437 : vector<1x1x16xf32> to vector<16xf32>
      %swap3A_439 = vector.shape_cast %mul3A_432 : vector<16xf32> to vector<1x1x16xf32>
      tpu.vector_store %arg13[%swap3A_434, %swap3A_435, %swap3A_436], %swap3A_439 {strides = array<i32>} : memref<2x128x128xf32, #tpu.memory_space<vmem>>, vector<1x1x16xf32>,
      %get3A_440 = arith.constant 0 : i32
      %get3A_441 = arith.index_cast %get3A_440 : i32 to index
      %get3A_442 = arith.index_cast %scan3A_340 : i32 to index
      %get3A_443 = arith.constant 80 : index
      %get3A_444 = tpu.vector_load %arg13[%get3A_441, %get3A_442, %get3A_443] {strides = array<i32>} : memref<2x128x128xf32, #tpu.memory_space<vmem>>, vector<1x1x16xf32>,
      %get3A_445 = vector.shape_cast %get3A_444 : vector<1x1x16xf32> to vector<16xf32>
      %get3A_446 = arith.constant 0 : i32
      %get3A_447 = arith.index_cast %get3A_446 : i32 to index
      %get3A_448 = arith.index_cast %scan3A_340 : i32 to index
      %get3A_449 = arith.constant 80 : index
      %get3A_450 = tpu.vector_load %arg14[%get3A_447, %get3A_448, %get3A_449] {strides = array<i32>} : memref<2x128x128xf32, #tpu.memory_space<vmem>>, vector<1x1x16xf32>,
      %get3A_451 = vector.shape_cast %get3A_450 : vector<1x1x16xf32> to vector<16xf32>
      %mul3A_452 = arith.mulf %get3A_445, %get3A_451 : vector<16xf32>
      %swap3A_453 = arith.constant 0 : i32
      %swap3A_454 = arith.index_cast %swap3A_453 : i32 to index
      %swap3A_455 = arith.index_cast %scan3A_340 : i32 to index
      %swap3A_456 = arith.constant 80 : index
      %swap3A_457 = tpu.vector_load %arg13[%swap3A_454, %swap3A_455, %swap3A_456] {strides = array<i32>} : memref<2x128x128xf32, #tpu.memory_space<vmem>>, vector<1x1x16xf32>,
      %swap3A_458 = vector.shape_cast %swap3A_457 : vector<1x1x16xf32> to vector<16xf32>
      %swap3A_459 = vector.shape_cast %mul3A_452 : vector<16xf32> to vector<1x1x16xf32>
      tpu.vector_store %arg13[%swap3A_454, %swap3A_455, %swap3A_456], %swap3A_459 {strides = array<i32>} : memref<2x128x128xf32, #tpu.memory_space<vmem>>, vector<1x1x16xf32>,
      %get3A_460 = arith.constant 0 : i32
      %get3A_461 = arith.index_cast %get3A_460 : i32 to index
      %get3A_462 = arith.index_cast %scan3A_340 : i32 to index
      %get3A_463 = arith.constant 96 : index
      %get3A_464 = tpu.vector_load %arg13[%get3A_461, %get3A_462, %get3A_463] {strides = array<i32>} : memref<2x128x128xf32, #tpu.memory_space<vmem>>, vector<1x1x16xf32>,
      %get3A_465 = vector.shape_cast %get3A_464 : vector<1x1x16xf32> to vector<16xf32>
      %get3A_466 = arith.constant 0 : i32
      %get3A_467 = arith.index_cast %get3A_466 : i32 to index
      %get3A_468 = arith.index_cast %scan3A_340 : i32 to index
      %get3A_469 = arith.constant 96 : index
      %get3A_470 = tpu.vector_load %arg14[%get3A_467, %get3A_468, %get3A_469] {strides = array<i32>} : memref<2x128x128xf32, #tpu.memory_space<vmem>>, vector<1x1x16xf32>,
      %get3A_471 = vector.shape_cast %get3A_470 : vector<1x1x16xf32> to vector<16xf32>
      %mul3A_472 = arith.mulf %get3A_465, %get3A_471 : vector<16xf32>
      %swap3A_473 = arith.constant 0 : i32
      %swap3A_474 = arith.index_cast %swap3A_473 : i32 to index
      %swap3A_475 = arith.index_cast %scan3A_340 : i32 to index
      %swap3A_476 = arith.constant 96 : index
      %swap3A_477 = tpu.vector_load %arg13[%swap3A_474, %swap3A_475, %swap3A_476] {strides = array<i32>} : memref<2x128x128xf32, #tpu.memory_space<vmem>>, vector<1x1x16xf32>,
      %swap3A_478 = vector.shape_cast %swap3A_477 : vector<1x1x16xf32> to vector<16xf32>
      %swap3A_479 = vector.shape_cast %mul3A_472 : vector<16xf32> to vector<1x1x16xf32>
      tpu.vector_store %arg13[%swap3A_474, %swap3A_475, %swap3A_476], %swap3A_479 {strides = array<i32>} : memref<2x128x128xf32, #tpu.memory_space<vmem>>, vector<1x1x16xf32>,
      %get3A_480 = arith.constant 0 : i32
      %get3A_481 = arith.index_cast %get3A_480 : i32 to index
      %get3A_482 = arith.index_cast %scan3A_340 : i32 to index
      %get3A_483 = arith.constant 112 : index
      %get3A_484 = tpu.vector_load %arg13[%get3A_481, %get3A_482, %get3A_483] {strides = array<i32>} : memref<2x128x128xf32, #tpu.memory_space<vmem>>, vector<1x1x16xf32>,
      %get3A_485 = vector.shape_cast %get3A_484 : vector<1x1x16xf32> to vector<16xf32>
      %get3A_486 = arith.constant 0 : i32
      %get3A_487 = arith.index_cast %get3A_486 : i32 to index
      %get3A_488 = arith.index_cast %scan3A_340 : i32 to index
      %get3A_489 = arith.constant 112 : index
      %get3A_490 = tpu.vector_load %arg14[%get3A_487, %get3A_488, %get3A_489] {strides = array<i32>} : memref<2x128x128xf32, #tpu.memory_space<vmem>>, vector<1x1x16xf32>,
      %get3A_491 = vector.shape_cast %get3A_490 : vector<1x1x16xf32> to vector<16xf32>
      %mul3A_492 = arith.mulf %get3A_485, %get3A_491 : vector<16xf32>
      %swap3A_493 = arith.constant 0 : i32
      %swap3A_494 = arith.index_cast %swap3A_493 : i32 to index
      %swap3A_495 = arith.index_cast %scan3A_340 : i32 to index
      %swap3A_496 = arith.constant 112 : index
      %swap3A_497 = tpu.vector_load %arg13[%swap3A_494, %swap3A_495, %swap3A_496] {strides = array<i32>} : memref<2x128x128xf32, #tpu.memory_space<vmem>>, vector<1x1x16xf32>,
      %swap3A_498 = vector.shape_cast %swap3A_497 : vector<1x1x16xf32> to vector<16xf32>
      %swap3A_499 = vector.shape_cast %mul3A_492 : vector<16xf32> to vector<1x1x16xf32>
      tpu.vector_store %arg13[%swap3A_494, %swap3A_495, %swap3A_496], %swap3A_499 {strides = array<i32>} : memref<2x128x128xf32, #tpu.memory_space<vmem>>, vector<1x1x16xf32>,
      %scan3A_500 = arith.constant 0 : i32
      scf.yield %scan3A_500 : i32
    }
    %scan3A_100 = arith.constant 128 : i32
    %dma_start3A_101 = arith.constant 0 : i32
    %dma_start3A_102 = arith.constant 0 : i32
    %dma_start3A_103 = arith.constant 0 : i32
    %dma_start3A_104 = tpu.memref_slice %arg13[%dma_start3A_101, %dma_start3A_102, %dma_start3A_103] : memref<2x128x128xf32, #tpu.memory_space<vmem>> -> memref<1x128x128xf32, #tpu.memory_space<vmem>>
    %dma_start3A_105 = tpu.memref_squeeze %dma_start3A_104 : memref<1x128x128xf32, #tpu.memory_space<vmem>> -> memref<128x128xf32, #tpu.memory_space<vmem>>
    %dma_start3A_106 = arith.constant 0 : i32
    %dma_start3A_107 = tpu.memref_slice %arg8[%mul3A_2, %dma_start3A_106] : memref<8192x128xf32, #tpu.memory_space<hbm>> -> memref<128x128xf32, #tpu.memory_space<hbm>>
    %dma_start3A_108 = arith.constant 0 : i32
    %dma_start3A_109 = tpu.memref_slice %arg8[%mul3A_2, %dma_start3A_108] : memref<8192x128xf32, #tpu.memory_space<hbm>> -> memref<128x128xf32, #tpu.memory_space<hbm>>
    %dma_start3A_110 = arith.constant 0 : i32
    %dma_start3A_111 = arith.constant 0 : i32
    %dma_start3A_112 = tpu.memref_slice %arg13[%dma_start3A_101, %dma_start3A_110, %dma_start3A_111] : memref<2x128x128xf32, #tpu.memory_space<vmem>> -> memref<1x128x128xf32, #tpu.memory_space<vmem>>
    %dma_start3A_113 = tpu.memref_squeeze %dma_start3A_112 : memref<1x128x128xf32, #tpu.memory_space<vmem>> -> memref<128x128xf32, #tpu.memory_space<vmem>>
    tpu.enqueue_dma source(%dma_start3A_113 : memref<128x128xf32, #tpu.memory_space<vmem>>) target(%dma_start3A_109 : memref<128x128xf32, #tpu.memory_space<hbm>>) target_semaphore(%arg23 : memref<!tpu.dma_semaphore, #tpu.memory_space<semaphore_mem>>)
    %dma_start3A_114 = arith.constant 0 : i32
    %dma_start3A_115 = arith.constant 0 : i32
    %dma_start3A_116 = arith.constant 0 : i32
    %dma_start3A_117 = tpu.memref_slice %arg14[%dma_start3A_114, %dma_start3A_115, %dma_start3A_116] : memref<2x128x128xf32, #tpu.memory_space<vmem>> -> memref<1x128x128xf32, #tpu.memory_space<vmem>>
    %dma_start3A_118 = tpu.memref_squeeze %dma_start3A_117 : memref<1x128x128xf32, #tpu.memory_space<vmem>> -> memref<128x128xf32, #tpu.memory_space<vmem>>
    %dma_start3A_119 = arith.constant 128 : i32
    %dma_start3A_120 = tpu.memref_slice %arg12[%dma_start3A_119] : memref<256xi32, #tpu.memory_space<vmem>> -> memref<128xi32, #tpu.memory_space<vmem>>
    %dma_start3A_121 = arith.constant 0 : i32
    %dma_start3A_122 = arith.constant 0 : i32
    %dma_start3A_123 = tpu.memref_slice %arg7[%dma_start3A_121, %dma_start3A_122] : memref<100000x128xf32, #tpu.memory_space<hbm>> -> memref<100000x128xf32, #tpu.memory_space<hbm>>
    tpu.enqueue_indirect_dma source(%dma_start3A_123 : memref<100000x128xf32, #tpu.memory_space<hbm>>) target(%dma_start3A_118 : memref<128x128xf32, #tpu.memory_space<vmem>>) offsets(%dma_start3A_120 : memref<128xi32, #tpu.memory_space<vmem>>) semaphore(%arg24 : memref<!tpu.dma_semaphore, #tpu.memory_space<semaphore_mem>>)
    %dma_wait3A_124 = arith.constant 0 : i32
    %dma_wait3A_125 = arith.constant 0 : i32
    %dma_wait3A_126 = arith.constant 0 : i32
    %dma_wait3A_127 = tpu.memref_slice %arg15[%dma_wait3A_124, %dma_wait3A_125, %dma_wait3A_126] : memref<3x128x128xf32, #tpu.memory_space<vmem>> -> memref<1x128x128xf32, #tpu.memory_space<vmem>>
    %dma_wait3A_128 = tpu.memref_squeeze %dma_wait3A_127 : memref<1x128x128xf32, #tpu.memory_space<vmem>> -> memref<128x128xf32, #tpu.memory_space<vmem>>
    %dma_wait3A_129 = arith.constant 0 : i32
    %dma_wait3A_130 = tpu.memref_slice %arg11[%dma_wait3A_129] : memref<256xi32, #tpu.memory_space<vmem>> -> memref<128xi32, #tpu.memory_space<vmem>>
    %dma_wait3A_131 = arith.constant 0 : i32
    %dma_wait3A_132 = arith.constant 0 : i32
    %dma_wait3A_133 = tpu.memref_slice %arg6[%dma_wait3A_131, %dma_wait3A_132] : memref<100000x128xf32, #tpu.memory_space<hbm>> -> memref<100000x128xf32, #tpu.memory_space<hbm>>
    tpu.wait_indirect_dma semaphore(%arg20 : memref<!tpu.dma_semaphore, #tpu.memory_space<semaphore_mem>>) src(%dma_wait3A_133 : memref<100000x128xf32, #tpu.memory_space<hbm>>) dst(%dma_wait3A_128 : memref<128x128xf32, #tpu.memory_space<vmem>>)
    %dma_start3A_134 = arith.constant 0 : i32
    %dma_start3A_135 = arith.constant 0 : i32
    %dma_start3A_136 = arith.constant 0 : i32
    %dma_start3A_137 = tpu.memref_slice %arg15[%dma_start3A_134, %dma_start3A_135, %dma_start3A_136] : memref<3x128x128xf32, #tpu.memory_space<vmem>> -> memref<1x128x128xf32, #tpu.memory_space<vmem>>
    %dma_start3A_138 = tpu.memref_squeeze %dma_start3A_137 : memref<1x128x128xf32, #tpu.memory_space<vmem>> -> memref<128x128xf32, #tpu.memory_space<vmem>>
    %dma_start3A_139 = arith.constant 0 : i32
    %dma_start3A_140 = tpu.memref_slice %arg9[%mul3A_2, %dma_start3A_139] : memref<8192x128xf32, #tpu.memory_space<hbm>> -> memref<128x128xf32, #tpu.memory_space<hbm>>
    %dma_start3A_141 = arith.constant 0 : i32
    %dma_start3A_142 = tpu.memref_slice %arg9[%mul3A_2, %dma_start3A_141] : memref<8192x128xf32, #tpu.memory_space<hbm>> -> memref<128x128xf32, #tpu.memory_space<hbm>>
    %dma_start3A_143 = arith.constant 0 : i32
    %dma_start3A_144 = arith.constant 0 : i32
    %dma_start3A_145 = tpu.memref_slice %arg15[%dma_start3A_134, %dma_start3A_143, %dma_start3A_144] : memref<3x128x128xf32, #tpu.memory_space<vmem>> -> memref<1x128x128xf32, #tpu.memory_space<vmem>>
    %dma_start3A_146 = tpu.memref_squeeze %dma_start3A_145 : memref<1x128x128xf32, #tpu.memory_space<vmem>> -> memref<128x128xf32, #tpu.memory_space<vmem>>
    tpu.enqueue_dma source(%dma_start3A_146 : memref<128x128xf32, #tpu.memory_space<vmem>>) target(%dma_start3A_142 : memref<128x128xf32, #tpu.memory_space<hbm>>) target_semaphore(%arg25 : memref<!tpu.dma_semaphore, #tpu.memory_space<semaphore_mem>>)
    %dma_wait3A_147 = arith.constant 1 : i32
    %dma_wait3A_148 = arith.constant 0 : i32
    %dma_wait3A_149 = arith.constant 0 : i32
    %dma_wait3A_150 = tpu.memref_slice %arg13[%dma_wait3A_147, %dma_wait3A_148, %dma_wait3A_149] : memref<2x128x128xf32, #tpu.memory_space<vmem>> -> memref<1x128x128xf32, #tpu.memory_space<vmem>>
    %dma_wait3A_151 = tpu.memref_squeeze %dma_wait3A_150 : memref<1x128x128xf32, #tpu.memory_space<vmem>> -> memref<128x128xf32, #tpu.memory_space<vmem>>
    %dma_wait3A_152 = arith.constant 128 : i32
    %dma_wait3A_153 = tpu.memref_slice %arg11[%dma_wait3A_152] : memref<256xi32, #tpu.memory_space<vmem>> -> memref<128xi32, #tpu.memory_space<vmem>>
    %dma_wait3A_154 = arith.constant 0 : i32
    %dma_wait3A_155 = arith.constant 0 : i32
    %dma_wait3A_156 = tpu.memref_slice %arg4[%dma_wait3A_154, %dma_wait3A_155] : memref<100000x128xf32, #tpu.memory_space<hbm>> -> memref<100000x128xf32, #tpu.memory_space<hbm>>
    tpu.wait_indirect_dma semaphore(%arg18 : memref<!tpu.dma_semaphore, #tpu.memory_space<semaphore_mem>>) src(%dma_wait3A_156 : memref<100000x128xf32, #tpu.memory_space<hbm>>) dst(%dma_wait3A_151 : memref<128x128xf32, #tpu.memory_space<vmem>>)
    %dma_wait3A_157 = arith.constant 1 : i32
    %dma_wait3A_158 = arith.constant 0 : i32
    %dma_wait3A_159 = arith.constant 0 : i32
    %dma_wait3A_160 = tpu.memref_slice %arg14[%dma_wait3A_157, %dma_wait3A_158, %dma_wait3A_159] : memref<2x128x128xf32, #tpu.memory_space<vmem>> -> memref<1x128x128xf32, #tpu.memory_space<vmem>>
    %dma_wait3A_161 = tpu.memref_squeeze %dma_wait3A_160 : memref<1x128x128xf32, #tpu.memory_space<vmem>> -> memref<128x128xf32, #tpu.memory_space<vmem>>
    %dma_wait3A_162 = arith.constant 128 : i32
    %dma_wait3A_163 = tpu.memref_slice %arg12[%dma_wait3A_162] : memref<256xi32, #tpu.memory_space<vmem>> -> memref<128xi32, #tpu.memory_space<vmem>>
    %dma_wait3A_164 = arith.constant 0 : i32
    %dma_wait3A_165 = arith.constant 0 : i32
    %dma_wait3A_166 = tpu.memref_slice %arg5[%dma_wait3A_164, %dma_wait3A_165] : memref<100000x128xf32, #tpu.memory_space<hbm>> -> memref<100000x128xf32, #tpu.memory_space<hbm>>
    tpu.wait_indirect_dma semaphore(%arg19 : memref<!tpu.dma_semaphore, #tpu.memory_space<semaphore_mem>>) src(%dma_wait3A_166 : memref<100000x128xf32, #tpu.memory_space<hbm>>) dst(%dma_wait3A_161 : memref<128x128xf32, #tpu.memory_space<vmem>>)
    %scan3A_167 = arith.constant 0 : i32
    %scan3A_168 = arith.constant 0 : i32
    %scan3A_169 = arith.constant 128 : i32
    %scan3A_170 = arith.addi %scan3A_168, %scan3A_169 : i32
    %scan3A_171 = arith.constant 1 : i32
    %scan3A_172 = scf.for %scan3A_340 = %scan3A_168 to %scan3A_170 step %scan3A_171 iter_args(%scan3A_341 = %scan3A_167) -> (i32)  : i32 {
      %get3A = arith.constant 1 : i32
      %get3A_342 = arith.index_cast %get3A : i32 to index
      %get3A_343 = arith.index_cast %scan3A_340 : i32 to index
      %get3A_344 = arith.constant 0 : index
      %get3A_345 = tpu.vector_load %arg13[%get3A_342, %get3A_343, %get3A_344] {strides = array<i32>} : memref<2x128x128xf32, #tpu.memory_space<vmem>>, vector<1x1x16xf32>,
      %get3A_346 = vector.shape_cast %get3A_345 : vector<1x1x16xf32> to vector<16xf32>
      %get3A_347 = arith.constant 1 : i32
      %get3A_348 = arith.index_cast %get3A_347 : i32 to index
      %get3A_349 = arith.index_cast %scan3A_340 : i32 to index
      %get3A_350 = arith.constant 0 : index
      %get3A_351 = tpu.vector_load %arg14[%get3A_348, %get3A_349, %get3A_350] {strides = array<i32>} : memref<2x128x128xf32, #tpu.memory_space<vmem>>, vector<1x1x16xf32>,
      %get3A_352 = vector.shape_cast %get3A_351 : vector<1x1x16xf32> to vector<16xf32>
      %mul3A_353 = arith.mulf %get3A_346, %get3A_352 : vector<16xf32>
      %swap3A = arith.constant 1 : i32
      %swap3A_354 = arith.index_cast %swap3A : i32 to index
      %swap3A_355 = arith.index_cast %scan3A_340 : i32 to index
      %swap3A_356 = arith.constant 0 : index
      %swap3A_357 = tpu.vector_load %arg13[%swap3A_354, %swap3A_355, %swap3A_356] {strides = array<i32>} : memref<2x128x128xf32, #tpu.memory_space<vmem>>, vector<1x1x16xf32>,
      %swap3A_358 = vector.shape_cast %swap3A_357 : vector<1x1x16xf32> to vector<16xf32>
      %swap3A_359 = vector.shape_cast %mul3A_353 : vector<16xf32> to vector<1x1x16xf32>
      tpu.vector_store %arg13[%swap3A_354, %swap3A_355, %swap3A_356], %swap3A_359 {strides = array<i32>} : memref<2x128x128xf32, #tpu.memory_space<vmem>>, vector<1x1x16xf32>,
      %get3A_360 = arith.constant 1 : i32
      %get3A_361 = arith.index_cast %get3A_360 : i32 to index
      %get3A_362 = arith.index_cast %scan3A_340 : i32 to index
      %get3A_363 = arith.constant 16 : index
      %get3A_364 = tpu.vector_load %arg13[%get3A_361, %get3A_362, %get3A_363] {strides = array<i32>} : memref<2x128x128xf32, #tpu.memory_space<vmem>>, vector<1x1x16xf32>,
      %get3A_365 = vector.shape_cast %get3A_364 : vector<1x1x16xf32> to vector<16xf32>
      %get3A_366 = arith.constant 1 : i32
      %get3A_367 = arith.index_cast %get3A_366 : i32 to index
      %get3A_368 = arith.index_cast %scan3A_340 : i32 to index
      %get3A_369 = arith.constant 16 : index
      %get3A_370 = tpu.vector_load %arg14[%get3A_367, %get3A_368, %get3A_369] {strides = array<i32>} : memref<2x128x128xf32, #tpu.memory_space<vmem>>, vector<1x1x16xf32>,
      %get3A_371 = vector.shape_cast %get3A_370 : vector<1x1x16xf32> to vector<16xf32>
      %mul3A_372 = arith.mulf %get3A_365, %get3A_371 : vector<16xf32>
      %swap3A_373 = arith.constant 1 : i32
      %swap3A_374 = arith.index_cast %swap3A_373 : i32 to index
      %swap3A_375 = arith.index_cast %scan3A_340 : i32 to index
      %swap3A_376 = arith.constant 16 : index
      %swap3A_377 = tpu.vector_load %arg13[%swap3A_374, %swap3A_375, %swap3A_376] {strides = array<i32>} : memref<2x128x128xf32, #tpu.memory_space<vmem>>, vector<1x1x16xf32>,
      %swap3A_378 = vector.shape_cast %swap3A_377 : vector<1x1x16xf32> to vector<16xf32>
      %swap3A_379 = vector.shape_cast %mul3A_372 : vector<16xf32> to vector<1x1x16xf32>
      tpu.vector_store %arg13[%swap3A_374, %swap3A_375, %swap3A_376], %swap3A_379 {strides = array<i32>} : memref<2x128x128xf32, #tpu.memory_space<vmem>>, vector<1x1x16xf32>,
      %get3A_380 = arith.constant 1 : i32
      %get3A_381 = arith.index_cast %get3A_380 : i32 to index
      %get3A_382 = arith.index_cast %scan3A_340 : i32 to index
      %get3A_383 = arith.constant 32 : index
      %get3A_384 = tpu.vector_load %arg13[%get3A_381, %get3A_382, %get3A_383] {strides = array<i32>} : memref<2x128x128xf32, #tpu.memory_space<vmem>>, vector<1x1x16xf32>,
      %get3A_385 = vector.shape_cast %get3A_384 : vector<1x1x16xf32> to vector<16xf32>
      %get3A_386 = arith.constant 1 : i32
      %get3A_387 = arith.index_cast %get3A_386 : i32 to index
      %get3A_388 = arith.index_cast %scan3A_340 : i32 to index
      %get3A_389 = arith.constant 32 : index
      %get3A_390 = tpu.vector_load %arg14[%get3A_387, %get3A_388, %get3A_389] {strides = array<i32>} : memref<2x128x128xf32, #tpu.memory_space<vmem>>, vector<1x1x16xf32>,
      %get3A_391 = vector.shape_cast %get3A_390 : vector<1x1x16xf32> to vector<16xf32>
      %mul3A_392 = arith.mulf %get3A_385, %get3A_391 : vector<16xf32>
      %swap3A_393 = arith.constant 1 : i32
      %swap3A_394 = arith.index_cast %swap3A_393 : i32 to index
      %swap3A_395 = arith.index_cast %scan3A_340 : i32 to index
      %swap3A_396 = arith.constant 32 : index
      %swap3A_397 = tpu.vector_load %arg13[%swap3A_394, %swap3A_395, %swap3A_396] {strides = array<i32>} : memref<2x128x128xf32, #tpu.memory_space<vmem>>, vector<1x1x16xf32>,
      %swap3A_398 = vector.shape_cast %swap3A_397 : vector<1x1x16xf32> to vector<16xf32>
      %swap3A_399 = vector.shape_cast %mul3A_392 : vector<16xf32> to vector<1x1x16xf32>
      tpu.vector_store %arg13[%swap3A_394, %swap3A_395, %swap3A_396], %swap3A_399 {strides = array<i32>} : memref<2x128x128xf32, #tpu.memory_space<vmem>>, vector<1x1x16xf32>,
      %get3A_400 = arith.constant 1 : i32
      %get3A_401 = arith.index_cast %get3A_400 : i32 to index
      %get3A_402 = arith.index_cast %scan3A_340 : i32 to index
      %get3A_403 = arith.constant 48 : index
      %get3A_404 = tpu.vector_load %arg13[%get3A_401, %get3A_402, %get3A_403] {strides = array<i32>} : memref<2x128x128xf32, #tpu.memory_space<vmem>>, vector<1x1x16xf32>,
      %get3A_405 = vector.shape_cast %get3A_404 : vector<1x1x16xf32> to vector<16xf32>
      %get3A_406 = arith.constant 1 : i32
      %get3A_407 = arith.index_cast %get3A_406 : i32 to index
      %get3A_408 = arith.index_cast %scan3A_340 : i32 to index
      %get3A_409 = arith.constant 48 : index
      %get3A_410 = tpu.vector_load %arg14[%get3A_407, %get3A_408, %get3A_409] {strides = array<i32>} : memref<2x128x128xf32, #tpu.memory_space<vmem>>, vector<1x1x16xf32>,
      %get3A_411 = vector.shape_cast %get3A_410 : vector<1x1x16xf32> to vector<16xf32>
      %mul3A_412 = arith.mulf %get3A_405, %get3A_411 : vector<16xf32>
      %swap3A_413 = arith.constant 1 : i32
      %swap3A_414 = arith.index_cast %swap3A_413 : i32 to index
      %swap3A_415 = arith.index_cast %scan3A_340 : i32 to index
      %swap3A_416 = arith.constant 48 : index
      %swap3A_417 = tpu.vector_load %arg13[%swap3A_414, %swap3A_415, %swap3A_416] {strides = array<i32>} : memref<2x128x128xf32, #tpu.memory_space<vmem>>, vector<1x1x16xf32>,
      %swap3A_418 = vector.shape_cast %swap3A_417 : vector<1x1x16xf32> to vector<16xf32>
      %swap3A_419 = vector.shape_cast %mul3A_412 : vector<16xf32> to vector<1x1x16xf32>
      tpu.vector_store %arg13[%swap3A_414, %swap3A_415, %swap3A_416], %swap3A_419 {strides = array<i32>} : memref<2x128x128xf32, #tpu.memory_space<vmem>>, vector<1x1x16xf32>,
      %get3A_420 = arith.constant 1 : i32
      %get3A_421 = arith.index_cast %get3A_420 : i32 to index
      %get3A_422 = arith.index_cast %scan3A_340 : i32 to index
      %get3A_423 = arith.constant 64 : index
      %get3A_424 = tpu.vector_load %arg13[%get3A_421, %get3A_422, %get3A_423] {strides = array<i32>} : memref<2x128x128xf32, #tpu.memory_space<vmem>>, vector<1x1x16xf32>,
      %get3A_425 = vector.shape_cast %get3A_424 : vector<1x1x16xf32> to vector<16xf32>
      %get3A_426 = arith.constant 1 : i32
      %get3A_427 = arith.index_cast %get3A_426 : i32 to index
      %get3A_428 = arith.index_cast %scan3A_340 : i32 to index
      %get3A_429 = arith.constant 64 : index
      %get3A_430 = tpu.vector_load %arg14[%get3A_427, %get3A_428, %get3A_429] {strides = array<i32>} : memref<2x128x128xf32, #tpu.memory_space<vmem>>, vector<1x1x16xf32>,
      %get3A_431 = vector.shape_cast %get3A_430 : vector<1x1x16xf32> to vector<16xf32>
      %mul3A_432 = arith.mulf %get3A_425, %get3A_431 : vector<16xf32>
      %swap3A_433 = arith.constant 1 : i32
      %swap3A_434 = arith.index_cast %swap3A_433 : i32 to index
      %swap3A_435 = arith.index_cast %scan3A_340 : i32 to index
      %swap3A_436 = arith.constant 64 : index
      %swap3A_437 = tpu.vector_load %arg13[%swap3A_434, %swap3A_435, %swap3A_436] {strides = array<i32>} : memref<2x128x128xf32, #tpu.memory_space<vmem>>, vector<1x1x16xf32>,
      %swap3A_438 = vector.shape_cast %swap3A_437 : vector<1x1x16xf32> to vector<16xf32>
      %swap3A_439 = vector.shape_cast %mul3A_432 : vector<16xf32> to vector<1x1x16xf32>
      tpu.vector_store %arg13[%swap3A_434, %swap3A_435, %swap3A_436], %swap3A_439 {strides = array<i32>} : memref<2x128x128xf32, #tpu.memory_space<vmem>>, vector<1x1x16xf32>,
      %get3A_440 = arith.constant 1 : i32
      %get3A_441 = arith.index_cast %get3A_440 : i32 to index
      %get3A_442 = arith.index_cast %scan3A_340 : i32 to index
      %get3A_443 = arith.constant 80 : index
      %get3A_444 = tpu.vector_load %arg13[%get3A_441, %get3A_442, %get3A_443] {strides = array<i32>} : memref<2x128x128xf32, #tpu.memory_space<vmem>>, vector<1x1x16xf32>,
      %get3A_445 = vector.shape_cast %get3A_444 : vector<1x1x16xf32> to vector<16xf32>
      %get3A_446 = arith.constant 1 : i32
      %get3A_447 = arith.index_cast %get3A_446 : i32 to index
      %get3A_448 = arith.index_cast %scan3A_340 : i32 to index
      %get3A_449 = arith.constant 80 : index
      %get3A_450 = tpu.vector_load %arg14[%get3A_447, %get3A_448, %get3A_449] {strides = array<i32>} : memref<2x128x128xf32, #tpu.memory_space<vmem>>, vector<1x1x16xf32>,
      %get3A_451 = vector.shape_cast %get3A_450 : vector<1x1x16xf32> to vector<16xf32>
      %mul3A_452 = arith.mulf %get3A_445, %get3A_451 : vector<16xf32>
      %swap3A_453 = arith.constant 1 : i32
      %swap3A_454 = arith.index_cast %swap3A_453 : i32 to index
      %swap3A_455 = arith.index_cast %scan3A_340 : i32 to index
      %swap3A_456 = arith.constant 80 : index
      %swap3A_457 = tpu.vector_load %arg13[%swap3A_454, %swap3A_455, %swap3A_456] {strides = array<i32>} : memref<2x128x128xf32, #tpu.memory_space<vmem>>, vector<1x1x16xf32>,
      %swap3A_458 = vector.shape_cast %swap3A_457 : vector<1x1x16xf32> to vector<16xf32>
      %swap3A_459 = vector.shape_cast %mul3A_452 : vector<16xf32> to vector<1x1x16xf32>
      tpu.vector_store %arg13[%swap3A_454, %swap3A_455, %swap3A_456], %swap3A_459 {strides = array<i32>} : memref<2x128x128xf32, #tpu.memory_space<vmem>>, vector<1x1x16xf32>,
      %get3A_460 = arith.constant 1 : i32
      %get3A_461 = arith.index_cast %get3A_460 : i32 to index
      %get3A_462 = arith.index_cast %scan3A_340 : i32 to index
      %get3A_463 = arith.constant 96 : index
      %get3A_464 = tpu.vector_load %arg13[%get3A_461, %get3A_462, %get3A_463] {strides = array<i32>} : memref<2x128x128xf32, #tpu.memory_space<vmem>>, vector<1x1x16xf32>,
      %get3A_465 = vector.shape_cast %get3A_464 : vector<1x1x16xf32> to vector<16xf32>
      %get3A_466 = arith.constant 1 : i32
      %get3A_467 = arith.index_cast %get3A_466 : i32 to index
      %get3A_468 = arith.index_cast %scan3A_340 : i32 to index
      %get3A_469 = arith.constant 96 : index
      %get3A_470 = tpu.vector_load %arg14[%get3A_467, %get3A_468, %get3A_469] {strides = array<i32>} : memref<2x128x128xf32, #tpu.memory_space<vmem>>, vector<1x1x16xf32>,
      %get3A_471 = vector.shape_cast %get3A_470 : vector<1x1x16xf32> to vector<16xf32>
      %mul3A_472 = arith.mulf %get3A_465, %get3A_471 : vector<16xf32>
      %swap3A_473 = arith.constant 1 : i32
      %swap3A_474 = arith.index_cast %swap3A_473 : i32 to index
      %swap3A_475 = arith.index_cast %scan3A_340 : i32 to index
      %swap3A_476 = arith.constant 96 : index
      %swap3A_477 = tpu.vector_load %arg13[%swap3A_474, %swap3A_475, %swap3A_476] {strides = array<i32>} : memref<2x128x128xf32, #tpu.memory_space<vmem>>, vector<1x1x16xf32>,
      %swap3A_478 = vector.shape_cast %swap3A_477 : vector<1x1x16xf32> to vector<16xf32>
      %swap3A_479 = vector.shape_cast %mul3A_472 : vector<16xf32> to vector<1x1x16xf32>
      tpu.vector_store %arg13[%swap3A_474, %swap3A_475, %swap3A_476], %swap3A_479 {strides = array<i32>} : memref<2x128x128xf32, #tpu.memory_space<vmem>>, vector<1x1x16xf32>,
      %get3A_480 = arith.constant 1 : i32
      %get3A_481 = arith.index_cast %get3A_480 : i32 to index
      %get3A_482 = arith.index_cast %scan3A_340 : i32 to index
      %get3A_483 = arith.constant 112 : index
      %get3A_484 = tpu.vector_load %arg13[%get3A_481, %get3A_482, %get3A_483] {strides = array<i32>} : memref<2x128x128xf32, #tpu.memory_space<vmem>>, vector<1x1x16xf32>,
      %get3A_485 = vector.shape_cast %get3A_484 : vector<1x1x16xf32> to vector<16xf32>
      %get3A_486 = arith.constant 1 : i32
      %get3A_487 = arith.index_cast %get3A_486 : i32 to index
      %get3A_488 = arith.index_cast %scan3A_340 : i32 to index
      %get3A_489 = arith.constant 112 : index
      %get3A_490 = tpu.vector_load %arg14[%get3A_487, %get3A_488, %get3A_489] {strides = array<i32>} : memref<2x128x128xf32, #tpu.memory_space<vmem>>, vector<1x1x16xf32>,
      %get3A_491 = vector.shape_cast %get3A_490 : vector<1x1x16xf32> to vector<16xf32>
      %mul3A_492 = arith.mulf %get3A_485, %get3A_491 : vector<16xf32>
      %swap3A_493 = arith.constant 1 : i32
      %swap3A_494 = arith.index_cast %swap3A_493 : i32 to index
      %swap3A_495 = arith.index_cast %scan3A_340 : i32 to index
      %swap3A_496 = arith.constant 112 : index
      %swap3A_497 = tpu.vector_load %arg13[%swap3A_494, %swap3A_495, %swap3A_496] {strides = array<i32>} : memref<2x128x128xf32, #tpu.memory_space<vmem>>, vector<1x1x16xf32>,
      %swap3A_498 = vector.shape_cast %swap3A_497 : vector<1x1x16xf32> to vector<16xf32>
      %swap3A_499 = vector.shape_cast %mul3A_492 : vector<16xf32> to vector<1x1x16xf32>
      tpu.vector_store %arg13[%swap3A_494, %swap3A_495, %swap3A_496], %swap3A_499 {strides = array<i32>} : memref<2x128x128xf32, #tpu.memory_space<vmem>>, vector<1x1x16xf32>,
      %scan3A_500 = arith.constant 0 : i32
      scf.yield %scan3A_500 : i32
    }
    %scan3A_173 = arith.constant 128 : i32
    %add3A_174 = arith.constant 128 : i32
    %add3A_175 = arith.addi %mul3A_2, %add3A_174 : i32
    %dma_start3A_176 = arith.constant 1 : i32
    %dma_start3A_177 = arith.constant 0 : i32
    %dma_start3A_178 = arith.constant 0 : i32
    %dma_start3A_179 = tpu.memref_slice %arg13[%dma_start3A_176, %dma_start3A_177, %dma_start3A_178] : memref<2x128x128xf32, #tpu.memory_space<vmem>> -> memref<1x128x128xf32, #tpu.memory_space<vmem>>
    %dma_start3A_180 = tpu.memref_squeeze %dma_start3A_179 : memref<1x128x128xf32, #tpu.memory_space<vmem>> -> memref<128x128xf32, #tpu.memory_space<vmem>>
    %dma_start3A_181 = arith.constant 0 : i32
    %dma_start3A_182 = tpu.memref_slice %arg8[%add3A_175, %dma_start3A_181] : memref<8192x128xf32, #tpu.memory_space<hbm>> -> memref<128x128xf32, #tpu.memory_space<hbm>>
    %dma_start3A_183 = arith.constant 0 : i32
    %dma_start3A_184 = tpu.memref_slice %arg8[%add3A_175, %dma_start3A_183] : memref<8192x128xf32, #tpu.memory_space<hbm>> -> memref<128x128xf32, #tpu.memory_space<hbm>>
    %dma_start3A_185 = arith.constant 0 : i32
    %dma_start3A_186 = arith.constant 0 : i32
    %dma_start3A_187 = tpu.memref_slice %arg13[%dma_start3A_176, %dma_start3A_185, %dma_start3A_186] : memref<2x128x128xf32, #tpu.memory_space<vmem>> -> memref<1x128x128xf32, #tpu.memory_space<vmem>>
    %dma_start3A_188 = tpu.memref_squeeze %dma_start3A_187 : memref<1x128x128xf32, #tpu.memory_space<vmem>> -> memref<128x128xf32, #tpu.memory_space<vmem>>
    tpu.enqueue_dma source(%dma_start3A_188 : memref<128x128xf32, #tpu.memory_space<vmem>>) target(%dma_start3A_184 : memref<128x128xf32, #tpu.memory_space<hbm>>) target_semaphore(%arg26 : memref<!tpu.dma_semaphore, #tpu.memory_space<semaphore_mem>>)
    %dma_wait3A_189 = arith.constant 1 : i32
    %dma_wait3A_190 = arith.constant 0 : i32
    %dma_wait3A_191 = arith.constant 0 : i32
    %dma_wait3A_192 = tpu.memref_slice %arg15[%dma_wait3A_189, %dma_wait3A_190, %dma_wait3A_191] : memref<3x128x128xf32, #tpu.memory_space<vmem>> -> memref<1x128x128xf32, #tpu.memory_space<vmem>>
    %dma_wait3A_193 = tpu.memref_squeeze %dma_wait3A_192 : memref<1x128x128xf32, #tpu.memory_space<vmem>> -> memref<128x128xf32, #tpu.memory_space<vmem>>
    %dma_wait3A_194 = arith.constant 0 : i32
    %dma_wait3A_195 = tpu.memref_slice %arg12[%dma_wait3A_194] : memref<256xi32, #tpu.memory_space<vmem>> -> memref<128xi32, #tpu.memory_space<vmem>>
    %dma_wait3A_196 = arith.constant 0 : i32
    %dma_wait3A_197 = arith.constant 0 : i32
    %dma_wait3A_198 = tpu.memref_slice %arg7[%dma_wait3A_196, %dma_wait3A_197] : memref<100000x128xf32, #tpu.memory_space<hbm>> -> memref<100000x128xf32, #tpu.memory_space<hbm>>
    tpu.wait_indirect_dma semaphore(%arg21 : memref<!tpu.dma_semaphore, #tpu.memory_space<semaphore_mem>>) src(%dma_wait3A_198 : memref<100000x128xf32, #tpu.memory_space<hbm>>) dst(%dma_wait3A_193 : memref<128x128xf32, #tpu.memory_space<vmem>>)
    %dma_start3A_199 = arith.constant 1 : i32
    %dma_start3A_200 = arith.constant 0 : i32
    %dma_start3A_201 = arith.constant 0 : i32
    %dma_start3A_202 = tpu.memref_slice %arg15[%dma_start3A_199, %dma_start3A_200, %dma_start3A_201] : memref<3x128x128xf32, #tpu.memory_space<vmem>> -> memref<1x128x128xf32, #tpu.memory_space<vmem>>
    %dma_start3A_203 = tpu.memref_squeeze %dma_start3A_202 : memref<1x128x128xf32, #tpu.memory_space<vmem>> -> memref<128x128xf32, #tpu.memory_space<vmem>>
    %dma_start3A_204 = arith.constant 0 : i32
    %dma_start3A_205 = tpu.memref_slice %arg10[%mul3A_2, %dma_start3A_204] : memref<8192x128xf32, #tpu.memory_space<hbm>> -> memref<128x128xf32, #tpu.memory_space<hbm>>
    %dma_start3A_206 = arith.constant 0 : i32
    %dma_start3A_207 = tpu.memref_slice %arg10[%mul3A_2, %dma_start3A_206] : memref<8192x128xf32, #tpu.memory_space<hbm>> -> memref<128x128xf32, #tpu.memory_space<hbm>>
    %dma_start3A_208 = arith.constant 0 : i32
    %dma_start3A_209 = arith.constant 0 : i32
    %dma_start3A_210 = tpu.memref_slice %arg15[%dma_start3A_199, %dma_start3A_208, %dma_start3A_209] : memref<3x128x128xf32, #tpu.memory_space<vmem>> -> memref<1x128x128xf32, #tpu.memory_space<vmem>>
    %dma_start3A_211 = tpu.memref_squeeze %dma_start3A_210 : memref<1x128x128xf32, #tpu.memory_space<vmem>> -> memref<128x128xf32, #tpu.memory_space<vmem>>
    tpu.enqueue_dma source(%dma_start3A_211 : memref<128x128xf32, #tpu.memory_space<vmem>>) target(%dma_start3A_207 : memref<128x128xf32, #tpu.memory_space<hbm>>) target_semaphore(%arg27 : memref<!tpu.dma_semaphore, #tpu.memory_space<semaphore_mem>>)
    %dma_wait3A_212 = arith.constant 2 : i32
    %dma_wait3A_213 = arith.constant 0 : i32
    %dma_wait3A_214 = arith.constant 0 : i32
    %dma_wait3A_215 = tpu.memref_slice %arg15[%dma_wait3A_212, %dma_wait3A_213, %dma_wait3A_214] : memref<3x128x128xf32, #tpu.memory_space<vmem>> -> memref<1x128x128xf32, #tpu.memory_space<vmem>>
    %dma_wait3A_216 = tpu.memref_squeeze %dma_wait3A_215 : memref<1x128x128xf32, #tpu.memory_space<vmem>> -> memref<128x128xf32, #tpu.memory_space<vmem>>
    %dma_wait3A_217 = arith.constant 128 : i32
    %dma_wait3A_218 = tpu.memref_slice %arg11[%dma_wait3A_217] : memref<256xi32, #tpu.memory_space<vmem>> -> memref<128xi32, #tpu.memory_space<vmem>>
    %dma_wait3A_219 = arith.constant 0 : i32
    %dma_wait3A_220 = arith.constant 0 : i32
    %dma_wait3A_221 = tpu.memref_slice %arg6[%dma_wait3A_219, %dma_wait3A_220] : memref<100000x128xf32, #tpu.memory_space<hbm>> -> memref<100000x128xf32, #tpu.memory_space<hbm>>
    tpu.wait_indirect_dma semaphore(%arg22 : memref<!tpu.dma_semaphore, #tpu.memory_space<semaphore_mem>>) src(%dma_wait3A_221 : memref<100000x128xf32, #tpu.memory_space<hbm>>) dst(%dma_wait3A_216 : memref<128x128xf32, #tpu.memory_space<vmem>>)
    %add3A_222 = arith.constant 128 : i32
    %add3A_223 = arith.addi %mul3A_2, %add3A_222 : i32
    %dma_start3A_224 = arith.constant 2 : i32
    %dma_start3A_225 = arith.constant 0 : i32
    %dma_start3A_226 = arith.constant 0 : i32
    %dma_start3A_227 = tpu.memref_slice %arg15[%dma_start3A_224, %dma_start3A_225, %dma_start3A_226] : memref<3x128x128xf32, #tpu.memory_space<vmem>> -> memref<1x128x128xf32, #tpu.memory_space<vmem>>
    %dma_start3A_228 = tpu.memref_squeeze %dma_start3A_227 : memref<1x128x128xf32, #tpu.memory_space<vmem>> -> memref<128x128xf32, #tpu.memory_space<vmem>>
    %dma_start3A_229 = arith.constant 0 : i32
    %dma_start3A_230 = tpu.memref_slice %arg9[%add3A_223, %dma_start3A_229] : memref<8192x128xf32, #tpu.memory_space<hbm>> -> memref<128x128xf32, #tpu.memory_space<hbm>>
    %dma_start3A_231 = arith.constant 0 : i32
    %dma_start3A_232 = tpu.memref_slice %arg9[%add3A_223, %dma_start3A_231] : memref<8192x128xf32, #tpu.memory_space<hbm>> -> memref<128x128xf32, #tpu.memory_space<hbm>>
    %dma_start3A_233 = arith.constant 0 : i32
    %dma_start3A_234 = arith.constant 0 : i32
    %dma_start3A_235 = tpu.memref_slice %arg15[%dma_start3A_224, %dma_start3A_233, %dma_start3A_234] : memref<3x128x128xf32, #tpu.memory_space<vmem>> -> memref<1x128x128xf32, #tpu.memory_space<vmem>>
    %dma_start3A_236 = tpu.memref_squeeze %dma_start3A_235 : memref<1x128x128xf32, #tpu.memory_space<vmem>> -> memref<128x128xf32, #tpu.memory_space<vmem>>
    tpu.enqueue_dma source(%dma_start3A_236 : memref<128x128xf32, #tpu.memory_space<vmem>>) target(%dma_start3A_232 : memref<128x128xf32, #tpu.memory_space<hbm>>) target_semaphore(%arg28 : memref<!tpu.dma_semaphore, #tpu.memory_space<semaphore_mem>>)
    %dma_wait3A_237 = arith.constant 0 : i32
    %dma_wait3A_238 = arith.constant 0 : i32
    %dma_wait3A_239 = arith.constant 0 : i32
    %dma_wait3A_240 = tpu.memref_slice %arg14[%dma_wait3A_237, %dma_wait3A_238, %dma_wait3A_239] : memref<2x128x128xf32, #tpu.memory_space<vmem>> -> memref<1x128x128xf32, #tpu.memory_space<vmem>>
    %dma_wait3A_241 = tpu.memref_squeeze %dma_wait3A_240 : memref<1x128x128xf32, #tpu.memory_space<vmem>> -> memref<128x128xf32, #tpu.memory_space<vmem>>
    %dma_wait3A_242 = arith.constant 128 : i32
    %dma_wait3A_243 = tpu.memref_slice %arg12[%dma_wait3A_242] : memref<256xi32, #tpu.memory_space<vmem>> -> memref<128xi32, #tpu.memory_space<vmem>>
    %dma_wait3A_244 = arith.constant 0 : i32
    %dma_wait3A_245 = arith.constant 0 : i32
    %dma_wait3A_246 = tpu.memref_slice %arg7[%dma_wait3A_244, %dma_wait3A_245] : memref<100000x128xf32, #tpu.memory_space<hbm>> -> memref<100000x128xf32, #tpu.memory_space<hbm>>
    tpu.wait_indirect_dma semaphore(%arg24 : memref<!tpu.dma_semaphore, #tpu.memory_space<semaphore_mem>>) src(%dma_wait3A_246 : memref<100000x128xf32, #tpu.memory_space<hbm>>) dst(%dma_wait3A_241 : memref<128x128xf32, #tpu.memory_space<vmem>>)
    %add3A_247 = arith.constant 128 : i32
    %add3A_248 = arith.addi %mul3A_2, %add3A_247 : i32
    %dma_start3A_249 = arith.constant 0 : i32
    %dma_start3A_250 = arith.constant 0 : i32
    %dma_start3A_251 = arith.constant 0 : i32
    %dma_start3A_252 = tpu.memref_slice %arg14[%dma_start3A_249, %dma_start3A_250, %dma_start3A_251] : memref<2x128x128xf32, #tpu.memory_space<vmem>> -> memref<1x128x128xf32, #tpu.memory_space<vmem>>
    %dma_start3A_253 = tpu.memref_squeeze %dma_start3A_252 : memref<1x128x128xf32, #tpu.memory_space<vmem>> -> memref<128x128xf32, #tpu.memory_space<vmem>>
    %dma_start3A_254 = arith.constant 0 : i32
    %dma_start3A_255 = tpu.memref_slice %arg10[%add3A_248, %dma_start3A_254] : memref<8192x128xf32, #tpu.memory_space<hbm>> -> memref<128x128xf32, #tpu.memory_space<hbm>>
    %dma_start3A_256 = arith.constant 0 : i32
    %dma_start3A_257 = tpu.memref_slice %arg10[%add3A_248, %dma_start3A_256] : memref<8192x128xf32, #tpu.memory_space<hbm>> -> memref<128x128xf32, #tpu.memory_space<hbm>>
    %dma_start3A_258 = arith.constant 0 : i32
    %dma_start3A_259 = arith.constant 0 : i32
    %dma_start3A_260 = tpu.memref_slice %arg14[%dma_start3A_249, %dma_start3A_258, %dma_start3A_259] : memref<2x128x128xf32, #tpu.memory_space<vmem>> -> memref<1x128x128xf32, #tpu.memory_space<vmem>>
    %dma_start3A_261 = tpu.memref_squeeze %dma_start3A_260 : memref<1x128x128xf32, #tpu.memory_space<vmem>> -> memref<128x128xf32, #tpu.memory_space<vmem>>
    tpu.enqueue_dma source(%dma_start3A_261 : memref<128x128xf32, #tpu.memory_space<vmem>>) target(%dma_start3A_257 : memref<128x128xf32, #tpu.memory_space<hbm>>) target_semaphore(%arg29 : memref<!tpu.dma_semaphore, #tpu.memory_space<semaphore_mem>>)
    %dma_wait3A_262 = arith.constant 0 : i32
    %dma_wait3A_263 = arith.constant 0 : i32
    %dma_wait3A_264 = arith.constant 0 : i32
    %dma_wait3A_265 = tpu.memref_slice %arg13[%dma_wait3A_262, %dma_wait3A_263, %dma_wait3A_264] : memref<2x128x128xf32, #tpu.memory_space<vmem>> -> memref<1x128x128xf32, #tpu.memory_space<vmem>>
    %dma_wait3A_266 = tpu.memref_squeeze %dma_wait3A_265 : memref<1x128x128xf32, #tpu.memory_space<vmem>> -> memref<128x128xf32, #tpu.memory_space<vmem>>
    %dma_wait3A_267 = arith.constant 0 : i32
    %dma_wait3A_268 = tpu.memref_slice %arg8[%mul3A_2, %dma_wait3A_267] : memref<8192x128xf32, #tpu.memory_space<hbm>> -> memref<128x128xf32, #tpu.memory_space<hbm>>
    %dma_wait3A_269 = arith.constant 0 : i32
    %dma_wait3A_270 = tpu.memref_slice %arg8[%mul3A_2, %dma_wait3A_269] : memref<8192x128xf32, #tpu.memory_space<hbm>> -> memref<128x128xf32, #tpu.memory_space<hbm>>
    %dma_wait3A_271 = arith.constant 0 : i32
    %dma_wait3A_272 = arith.constant 0 : i32
    %dma_wait3A_273 = tpu.memref_slice %arg13[%dma_wait3A_262, %dma_wait3A_271, %dma_wait3A_272] : memref<2x128x128xf32, #tpu.memory_space<vmem>> -> memref<1x128x128xf32, #tpu.memory_space<vmem>>
    %dma_wait3A_274 = tpu.memref_squeeze %dma_wait3A_273 : memref<1x128x128xf32, #tpu.memory_space<vmem>> -> memref<128x128xf32, #tpu.memory_space<vmem>>
    tpu.wait_dma2 semaphore(%arg23 : memref<!tpu.dma_semaphore, #tpu.memory_space<semaphore_mem>>) src(%dma_wait3A_274 : memref<128x128xf32, #tpu.memory_space<vmem>>) dst(%dma_wait3A_270 : memref<128x128xf32, #tpu.memory_space<hbm>>)
    %dma_wait3A_275 = arith.constant 0 : i32
    %dma_wait3A_276 = arith.constant 0 : i32
    %dma_wait3A_277 = arith.constant 0 : i32
    %dma_wait3A_278 = tpu.memref_slice %arg15[%dma_wait3A_275, %dma_wait3A_276, %dma_wait3A_277] : memref<3x128x128xf32, #tpu.memory_space<vmem>> -> memref<1x128x128xf32, #tpu.memory_space<vmem>>
    %dma_wait3A_279 = tpu.memref_squeeze %dma_wait3A_278 : memref<1x128x128xf32, #tpu.memory_space<vmem>> -> memref<128x128xf32, #tpu.memory_space<vmem>>
    %dma_wait3A_280 = arith.constant 0 : i32
    %dma_wait3A_281 = tpu.memref_slice %arg9[%mul3A_2, %dma_wait3A_280] : memref<8192x128xf32, #tpu.memory_space<hbm>> -> memref<128x128xf32, #tpu.memory_space<hbm>>
    %dma_wait3A_282 = arith.constant 0 : i32
    %dma_wait3A_283 = tpu.memref_slice %arg9[%mul3A_2, %dma_wait3A_282] : memref<8192x128xf32, #tpu.memory_space<hbm>> -> memref<128x128xf32, #tpu.memory_space<hbm>>
    %dma_wait3A_284 = arith.constant 0 : i32
    %dma_wait3A_285 = arith.constant 0 : i32
    %dma_wait3A_286 = tpu.memref_slice %arg15[%dma_wait3A_275, %dma_wait3A_284, %dma_wait3A_285] : memref<3x128x128xf32, #tpu.memory_space<vmem>> -> memref<1x128x128xf32, #tpu.memory_space<vmem>>
    %dma_wait3A_287 = tpu.memref_squeeze %dma_wait3A_286 : memref<1x128x128xf32, #tpu.memory_space<vmem>> -> memref<128x128xf32, #tpu.memory_space<vmem>>
    tpu.wait_dma2 semaphore(%arg25 : memref<!tpu.dma_semaphore, #tpu.memory_space<semaphore_mem>>) src(%dma_wait3A_287 : memref<128x128xf32, #tpu.memory_space<vmem>>) dst(%dma_wait3A_283 : memref<128x128xf32, #tpu.memory_space<hbm>>)
    %dma_wait3A_288 = arith.constant 1 : i32
    %dma_wait3A_289 = arith.constant 0 : i32
    %dma_wait3A_290 = arith.constant 0 : i32
    %dma_wait3A_291 = tpu.memref_slice %arg13[%dma_wait3A_288, %dma_wait3A_289, %dma_wait3A_290] : memref<2x128x128xf32, #tpu.memory_space<vmem>> -> memref<1x128x128xf32, #tpu.memory_space<vmem>>
    %dma_wait3A_292 = tpu.memref_squeeze %dma_wait3A_291 : memref<1x128x128xf32, #tpu.memory_space<vmem>> -> memref<128x128xf32, #tpu.memory_space<vmem>>
    %dma_wait3A_293 = arith.constant 0 : i32
    %dma_wait3A_294 = tpu.memref_slice %arg8[%add3A_175, %dma_wait3A_293] : memref<8192x128xf32, #tpu.memory_space<hbm>> -> memref<128x128xf32, #tpu.memory_space<hbm>>
    %dma_wait3A_295 = arith.constant 0 : i32
    %dma_wait3A_296 = tpu.memref_slice %arg8[%add3A_175, %dma_wait3A_295] : memref<8192x128xf32, #tpu.memory_space<hbm>> -> memref<128x128xf32, #tpu.memory_space<hbm>>
    %dma_wait3A_297 = arith.constant 0 : i32
    %dma_wait3A_298 = arith.constant 0 : i32
    %dma_wait3A_299 = tpu.memref_slice %arg13[%dma_wait3A_288, %dma_wait3A_297, %dma_wait3A_298] : memref<2x128x128xf32, #tpu.memory_space<vmem>> -> memref<1x128x128xf32, #tpu.memory_space<vmem>>
    %dma_wait3A_300 = tpu.memref_squeeze %dma_wait3A_299 : memref<1x128x128xf32, #tpu.memory_space<vmem>> -> memref<128x128xf32, #tpu.memory_space<vmem>>
    tpu.wait_dma2 semaphore(%arg26 : memref<!tpu.dma_semaphore, #tpu.memory_space<semaphore_mem>>) src(%dma_wait3A_300 : memref<128x128xf32, #tpu.memory_space<vmem>>) dst(%dma_wait3A_296 : memref<128x128xf32, #tpu.memory_space<hbm>>)
    %dma_wait3A_301 = arith.constant 1 : i32
    %dma_wait3A_302 = arith.constant 0 : i32
    %dma_wait3A_303 = arith.constant 0 : i32
    %dma_wait3A_304 = tpu.memref_slice %arg15[%dma_wait3A_301, %dma_wait3A_302, %dma_wait3A_303] : memref<3x128x128xf32, #tpu.memory_space<vmem>> -> memref<1x128x128xf32, #tpu.memory_space<vmem>>
    %dma_wait3A_305 = tpu.memref_squeeze %dma_wait3A_304 : memref<1x128x128xf32, #tpu.memory_space<vmem>> -> memref<128x128xf32, #tpu.memory_space<vmem>>
    %dma_wait3A_306 = arith.constant 0 : i32
    %dma_wait3A_307 = tpu.memref_slice %arg10[%mul3A_2, %dma_wait3A_306] : memref<8192x128xf32, #tpu.memory_space<hbm>> -> memref<128x128xf32, #tpu.memory_space<hbm>>
    %dma_wait3A_308 = arith.constant 0 : i32
    %dma_wait3A_309 = tpu.memref_slice %arg10[%mul3A_2, %dma_wait3A_308] : memref<8192x128xf32, #tpu.memory_space<hbm>> -> memref<128x128xf32, #tpu.memory_space<hbm>>
    %dma_wait3A_310 = arith.constant 0 : i32
    %dma_wait3A_311 = arith.constant 0 : i32
    %dma_wait3A_312 = tpu.memref_slice %arg15[%dma_wait3A_301, %dma_wait3A_310, %dma_wait3A_311] : memref<3x128x128xf32, #tpu.memory_space<vmem>> -> memref<1x128x128xf32, #tpu.memory_space<vmem>>
    %dma_wait3A_313 = tpu.memref_squeeze %dma_wait3A_312 : memref<1x128x128xf32, #tpu.memory_space<vmem>> -> memref<128x128xf32, #tpu.memory_space<vmem>>
    tpu.wait_dma2 semaphore(%arg27 : memref<!tpu.dma_semaphore, #tpu.memory_space<semaphore_mem>>) src(%dma_wait3A_313 : memref<128x128xf32, #tpu.memory_space<vmem>>) dst(%dma_wait3A_309 : memref<128x128xf32, #tpu.memory_space<hbm>>)
    %dma_wait3A_314 = arith.constant 2 : i32
    %dma_wait3A_315 = arith.constant 0 : i32
    %dma_wait3A_316 = arith.constant 0 : i32
    %dma_wait3A_317 = tpu.memref_slice %arg15[%dma_wait3A_314, %dma_wait3A_315, %dma_wait3A_316] : memref<3x128x128xf32, #tpu.memory_space<vmem>> -> memref<1x128x128xf32, #tpu.memory_space<vmem>>
    %dma_wait3A_318 = tpu.memref_squeeze %dma_wait3A_317 : memref<1x128x128xf32, #tpu.memory_space<vmem>> -> memref<128x128xf32, #tpu.memory_space<vmem>>
    %dma_wait3A_319 = arith.constant 0 : i32
    %dma_wait3A_320 = tpu.memref_slice %arg9[%add3A_223, %dma_wait3A_319] : memref<8192x128xf32, #tpu.memory_space<hbm>> -> memref<128x128xf32, #tpu.memory_space<hbm>>
    %dma_wait3A_321 = arith.constant 0 : i32
    %dma_wait3A_322 = tpu.memref_slice %arg9[%add3A_223, %dma_wait3A_321] : memref<8192x128xf32, #tpu.memory_space<hbm>> -> memref<128x128xf32, #tpu.memory_space<hbm>>
    %dma_wait3A_323 = arith.constant 0 : i32
    %dma_wait3A_324 = arith.constant 0 : i32
    %dma_wait3A_325 = tpu.memref_slice %arg15[%dma_wait3A_314, %dma_wait3A_323, %dma_wait3A_324] : memref<3x128x128xf32, #tpu.memory_space<vmem>> -> memref<1x128x128xf32, #tpu.memory_space<vmem>>
    %dma_wait3A_326 = tpu.memref_squeeze %dma_wait3A_325 : memref<1x128x128xf32, #tpu.memory_space<vmem>> -> memref<128x128xf32, #tpu.memory_space<vmem>>
    tpu.wait_dma2 semaphore(%arg28 : memref<!tpu.dma_semaphore, #tpu.memory_space<semaphore_mem>>) src(%dma_wait3A_326 : memref<128x128xf32, #tpu.memory_space<vmem>>) dst(%dma_wait3A_322 : memref<128x128xf32, #tpu.memory_space<hbm>>)
    %dma_wait3A_327 = arith.constant 0 : i32
    %dma_wait3A_328 = arith.constant 0 : i32
    %dma_wait3A_329 = arith.constant 0 : i32
    %dma_wait3A_330 = tpu.memref_slice %arg14[%dma_wait3A_327, %dma_wait3A_328, %dma_wait3A_329] : memref<2x128x128xf32, #tpu.memory_space<vmem>> -> memref<1x128x128xf32, #tpu.memory_space<vmem>>
    %dma_wait3A_331 = tpu.memref_squeeze %dma_wait3A_330 : memref<1x128x128xf32, #tpu.memory_space<vmem>> -> memref<128x128xf32, #tpu.memory_space<vmem>>
    %dma_wait3A_332 = arith.constant 0 : i32
    %dma_wait3A_333 = tpu.memref_slice %arg10[%add3A_248, %dma_wait3A_332] : memref<8192x128xf32, #tpu.memory_space<hbm>> -> memref<128x128xf32, #tpu.memory_space<hbm>>
    %dma_wait3A_334 = arith.constant 0 : i32
    %dma_wait3A_335 = tpu.memref_slice %arg10[%add3A_248, %dma_wait3A_334] : memref<8192x128xf32, #tpu.memory_space<hbm>> -> memref<128x128xf32, #tpu.memory_space<hbm>>
    %dma_wait3A_336 = arith.constant 0 : i32
    %dma_wait3A_337 = arith.constant 0 : i32
    %dma_wait3A_338 = tpu.memref_slice %arg14[%dma_wait3A_327, %dma_wait3A_336, %dma_wait3A_337] : memref<2x128x128xf32, #tpu.memory_space<vmem>> -> memref<1x128x128xf32, #tpu.memory_space<vmem>>
    %dma_wait3A_339 = tpu.memref_squeeze %dma_wait3A_338 : memref<1x128x128xf32, #tpu.memory_space<vmem>> -> memref<128x128xf32, #tpu.memory_space<vmem>>
    tpu.wait_dma2 semaphore(%arg29 : memref<!tpu.dma_semaphore, #tpu.memory_space<semaphore_mem>>) src(%dma_wait3A_339 : memref<128x128xf32, #tpu.memory_space<vmem>>) dst(%dma_wait3A_335 : memref<128x128xf32, #tpu.memory_space<hbm>>)
    return
  }
}

module attributes {stable_mosaic.version = 14 : i64} {
  func.func @_dense_body(%arg0: i32, %arg1: memref<4096x128xf32, #tpu.memory_space<vmem>>, %arg2: memref<4096x128xf32, #tpu.memory_space<vmem>>, %arg3: memref<4096x128xf32, #tpu.memory_space<vmem>>, %arg4: memref<256x128xf32, #tpu.memory_space<vmem>>, %arg5: memref<1x128xf32, #tpu.memory_space<vmem>>, %arg6: memref<128x64xf32, #tpu.memory_space<vmem>>, %arg7: memref<1x64xf32, #tpu.memory_space<vmem>>, %arg8: memref<1x128xf32, #tpu.memory_space<vmem>>, %arg9: memref<1x64xf32, #tpu.memory_space<vmem>>, %arg10: memref<4096xf32, #tpu.memory_space<vmem>>) attributes {dimension_semantics = [#tpu.dimension_semantics<arbitrary>], iteration_bounds = array<i64: 2>, scalar_prefetch = 0 : i64, scratch_operands = 0 : i64, tpu.core_type = #tpu.core_type<tc>, window_params = [{transform_indices = @transform_0, window_bounds = array<i64: 4096, 128>}, {transform_indices = @transform_1, window_bounds = array<i64: 4096, 128>}, {transform_indices = @transform_2, window_bounds = array<i64: 4096, 128>}, {pipeline_mode = #tpu.pipeline_mode<synchronous>, transform_indices = @transform_3, window_bounds = array<i64: 256, 128>}, {pipeline_mode = #tpu.pipeline_mode<synchronous>, transform_indices = @transform_4, window_bounds = array<i64: 1, 128>}, {pipeline_mode = #tpu.pipeline_mode<synchronous>, transform_indices = @transform_5, window_bounds = array<i64: 128, 64>}, {pipeline_mode = #tpu.pipeline_mode<synchronous>, transform_indices = @transform_6, window_bounds = array<i64: 1, 64>}, {pipeline_mode = #tpu.pipeline_mode<synchronous>, transform_indices = @transform_7, window_bounds = array<i64: 1, 128>}, {pipeline_mode = #tpu.pipeline_mode<synchronous>, transform_indices = @transform_8, window_bounds = array<i64: 1, 64>}, {transform_indices = @transform_9, window_bounds = array<i64: 4096>}]} {
    %get3A = arith.constant 0 : index
    %get3A_0 = arith.constant 0 : index
    %get3A_1 = vector.load %arg2[%get3A, %get3A_0] : memref<4096x128xf32, #tpu.memory_space<vmem>>, vector<4096x128xf32>
    %get3A_2 = arith.constant 0 : index
    %get3A_3 = arith.constant 0 : index
    %get3A_4 = vector.load %arg4[%get3A_2, %get3A_3] : memref<256x128xf32, #tpu.memory_space<vmem>>, vector<128x128xf32>
    %dot_general3A = arith.constant dense<0.000000e+00> : vector<4096x128xf32>
    %dot_general3A_5 = tpu.matmul %get3A_1, %get3A_4, %dot_general3A {dimension_numbers = #tpu.dot_dimension_numbers<[1], [0], [0], [1], [0, 0, 1, 1], [], []>, transpose_lhs_hint = false} : vector<4096x128xf32>, vector<128x128xf32>, vector<4096x128xf32> -> vector<4096x128xf32>
    %get3A_6 = arith.constant 0 : index
    %get3A_7 = arith.constant 0 : index
    %get3A_8 = vector.load %arg3[%get3A_6, %get3A_7] : memref<4096x128xf32, #tpu.memory_space<vmem>>, vector<4096x128xf32>
    %get3A_9 = arith.constant 128 : index
    %get3A_10 = arith.constant 0 : index
    %get3A_11 = vector.load %arg4[%get3A_9, %get3A_10] : memref<256x128xf32, #tpu.memory_space<vmem>>, vector<128x128xf32>
    %dot_general3A_12 = arith.constant dense<0.000000e+00> : vector<4096x128xf32>
    %dot_general3A_13 = tpu.matmul %get3A_8, %get3A_11, %dot_general3A_12 {dimension_numbers = #tpu.dot_dimension_numbers<[1], [0], [0], [1], [0, 0, 1, 1], [], []>, transpose_lhs_hint = false} : vector<4096x128xf32>, vector<128x128xf32>, vector<4096x128xf32> -> vector<4096x128xf32>
    %add3A = arith.addf %dot_general3A_5, %dot_general3A_13 : vector<4096x128xf32>
    %get3A_14 = arith.constant 0 : index
    %get3A_15 = arith.constant 0 : index
    %get3A_16 = vector.load %arg5[%get3A_14, %get3A_15] : memref<1x128xf32, #tpu.memory_space<vmem>>, vector<1x128xf32>
    %add3A_17 = vector.broadcast %get3A_16 : vector<1x128xf32> to vector<4096x128xf32>
    %add3A_18 = arith.addf %add3A, %add3A_17 : vector<4096x128xf32>
    %max3A = arith.constant 0.000000e+00 : f32
    %max3A_19 = vector.broadcast %max3A : f32 to vector<4096x128xf32>
    %max3A_20 = arith.maximumf %add3A_18, %max3A_19 : vector<4096x128xf32>
    %get3A_21 = arith.constant 0 : index
    %get3A_22 = arith.constant 0 : index
    %get3A_23 = vector.load %arg6[%get3A_21, %get3A_22] : memref<128x64xf32, #tpu.memory_space<vmem>>, vector<128x64xf32>
    %dot_general3A_24 = arith.constant dense<0.000000e+00> : vector<4096x64xf32>
    %dot_general3A_25 = tpu.matmul %max3A_20, %get3A_23, %dot_general3A_24 {dimension_numbers = #tpu.dot_dimension_numbers<[1], [0], [0], [1], [0, 0, 1, 1], [], []>, transpose_lhs_hint = false} : vector<4096x128xf32>, vector<128x64xf32>, vector<4096x64xf32> -> vector<4096x64xf32>
    %get3A_26 = arith.constant 0 : index
    %get3A_27 = arith.constant 0 : index
    %get3A_28 = vector.load %arg7[%get3A_26, %get3A_27] : memref<1x64xf32, #tpu.memory_space<vmem>>, vector<1x64xf32>
    %add3A_29 = vector.broadcast %get3A_28 : vector<1x64xf32> to vector<4096x64xf32>
    %add3A_30 = arith.addf %dot_general3A_25, %add3A_29 : vector<4096x64xf32>
    %max3A_31 = arith.constant 0.000000e+00 : f32
    %max3A_32 = vector.broadcast %max3A_31 : f32 to vector<4096x64xf32>
    %max3A_33 = arith.maximumf %add3A_30, %max3A_32 : vector<4096x64xf32>
    %get3A_34 = arith.constant 0 : index
    %get3A_35 = arith.constant 0 : index
    %get3A_36 = vector.load %arg1[%get3A_34, %get3A_35] : memref<4096x128xf32, #tpu.memory_space<vmem>>, vector<4096x128xf32>
    %get3A_37 = arith.constant 0 : index
    %get3A_38 = arith.constant 0 : index
    %get3A_39 = vector.load %arg8[%get3A_37, %get3A_38] : memref<1x128xf32, #tpu.memory_space<vmem>>, vector<1x128xf32>
    %mul3A = vector.broadcast %get3A_39 : vector<1x128xf32> to vector<4096x128xf32>
    %mul3A_40 = arith.mulf %get3A_36, %mul3A : vector<4096x128xf32>
    %reduce_sum3A = arith.constant dense<0.000000e+00> : vector<4096xf32>
    %reduce_sum3A_41 = vector.multi_reduction <add>, %mul3A_40, %reduce_sum3A [1] : vector<4096x128xf32> to vector<4096xf32>
    %get3A_42 = arith.constant 0 : index
    %get3A_43 = arith.constant 0 : index
    %get3A_44 = vector.load %arg9[%get3A_42, %get3A_43] : memref<1x64xf32, #tpu.memory_space<vmem>>, vector<1x64xf32>
    %mul3A_45 = vector.broadcast %get3A_44 : vector<1x64xf32> to vector<4096x64xf32>
    %mul3A_46 = arith.mulf %max3A_33, %mul3A_45 : vector<4096x64xf32>
    %reduce_sum3A_47 = arith.constant dense<0.000000e+00> : vector<4096xf32>
    %reduce_sum3A_48 = vector.multi_reduction <add>, %mul3A_46, %reduce_sum3A_47 [1] : vector<4096x64xf32> to vector<4096xf32>
    %add3A_49 = arith.addf %reduce_sum3A_41, %reduce_sum3A_48 : vector<4096xf32>
    %swap3A = arith.constant 0 : index
    %swap3A_50 = vector.load %arg10[%swap3A] : memref<4096xf32, #tpu.memory_space<vmem>>, vector<4096xf32>
    tpu.vector_store %arg10[%swap3A], %add3A_49 {strides = array<i32>} : memref<4096xf32, #tpu.memory_space<vmem>>, vector<4096xf32>,
    return
  }
  func.func @transform_0(%arg0: i32) -> (i32, i32) {
    %c0_i32 = arith.constant 0 : i32
    %c0_i32_0 = arith.constant 0 : i32
    return %arg0, %c0_i32 : i32, i32
  }
  func.func @transform_1(%arg0: i32) -> (i32, i32) {
    %c0_i32 = arith.constant 0 : i32
    %c0_i32_0 = arith.constant 0 : i32
    return %arg0, %c0_i32 : i32, i32
  }
  func.func @transform_2(%arg0: i32) -> (i32, i32) {
    %c0_i32 = arith.constant 0 : i32
    %c0_i32_0 = arith.constant 0 : i32
    return %arg0, %c0_i32 : i32, i32
  }
  func.func @transform_3(%arg0: i32) -> (i32, i32) {
    %c0_i32 = arith.constant 0 : i32
    %c0_i32_0 = arith.constant 0 : i32
    %c0_i32_1 = arith.constant 0 : i32
    return %c0_i32, %c0_i32_0 : i32, i32
  }
  func.func @transform_4(%arg0: i32) -> (i32, i32) {
    %c0_i32 = arith.constant 0 : i32
    %c0_i32_0 = arith.constant 0 : i32
    %c0_i32_1 = arith.constant 0 : i32
    return %c0_i32, %c0_i32_0 : i32, i32
  }
  func.func @transform_5(%arg0: i32) -> (i32, i32) {
    %c0_i32 = arith.constant 0 : i32
    %c0_i32_0 = arith.constant 0 : i32
    %c0_i32_1 = arith.constant 0 : i32
    return %c0_i32, %c0_i32_0 : i32, i32
  }
  func.func @transform_6(%arg0: i32) -> (i32, i32) {
    %c0_i32 = arith.constant 0 : i32
    %c0_i32_0 = arith.constant 0 : i32
    %c0_i32_1 = arith.constant 0 : i32
    return %c0_i32, %c0_i32_0 : i32, i32
  }
  func.func @transform_7(%arg0: i32) -> (i32, i32) {
    %c0_i32 = arith.constant 0 : i32
    %c0_i32_0 = arith.constant 0 : i32
    %c0_i32_1 = arith.constant 0 : i32
    return %c0_i32, %c0_i32_0 : i32, i32
  }
  func.func @transform_8(%arg0: i32) -> (i32, i32) {
    %c0_i32 = arith.constant 0 : i32
    %c0_i32_0 = arith.constant 0 : i32
    %c0_i32_1 = arith.constant 0 : i32
    return %c0_i32, %c0_i32_0 : i32, i32
  }
  func.func @transform_9(%arg0: i32) -> i32 {
    %c0_i32 = arith.constant 0 : i32
    return %arg0 : i32
  }
}

</mosaic_0001>

<sc_bundles>
// kernel: kernel.6.cloned.1.call-start
scs
__scs_entry_jumppad:
0x0: {  	(pc) =	sbr.rel $0x88, $3  }
0x1: {  	(tag) =	ssettag $0x0;
	lr =	simm.s32 $0x1  }
0x2: {  	[smem:$0x3F96] =	sst lr;
	_ =	strace $0xD0000000  }
0x3: {  	_ = 	snop  }
0x4: {  	_ = 	snop  }
0x5: {  	_ = 	snop  }
0x6: {  	_ = 	snop  }
0x7: {  	_ = 	snop  }
__scs_overlays_trampoline_lowered:
0x8: {  	[smem:$0x3FA5] =	sst s0  }
0x9: {  	[smem:$0x3FA6] =	sst s1  }
0xa: {  	[smem:$0x3FA7] =	sst s2  }
0xb: {  	[smem:$0x3FA8] =	sst s3  }
0xc: {  	[smem:$0x3FA9] =	sst s4  }
0xd: {  	[smem:$0x3FAA] =	sst s5  }
0xe: {  	[smem:$0x3FAB] =	sst s6  }
0xf: {  	[smem:$0x3FAC] =	sst s7  }
0x10: {  	[smem:$0x3FAD] =	sst s8  }
0x11: {  	[smem:$0x3FAE] =	sst s9;
	s0 =	simm.s32 @!p0 $0x0  }
0x12: {  	s1 =	sld [smem:$0x3F94];
	s0 =	simm.s32 @p0 $0x1  }
0x13: {  	[smem:$0x3FAF] =	sst s0;
	s0 =	simm.s32 @!p1 $0x0  }
0x14: {  	s2 =	sld [smem:$0x3F93];
	s0 =	simm.s32 @p1 $0x1  }
0x15: {  	[smem:$0x3FB0] =	sst s0;
	s0 =	simm.s32 @!p2 $0x0  }
0x16: {  	s3 =	sld [smem:$0x3FDB];
	s0 =	simm.s32 @p2 $0x1  }
0x17: {  	s4 =	simm.s32 $0x1BF5;
	[smem:$0x3FB2] =	sst s0  }
0x18: {  	s0 =	sld [smem:$0x3F95];
	_ =	swait.ge [sflag:s4], $0x0  }
0x19: {  	s7 =	sld [smem:$0x3F96]  }
0x1a: {  	s8 =	sadd.s32 $0xFFFFE003, lr  }
0x1b: {  	s9 =	sadd.s32 $0xFFFFFEF7, lr;
	s5 =	simm.s32 $0xFFFFFFFF;
	p2 =	slt.u32 s8, $0xFFFFF086  }
0x1c: {  	p1 =	slt.u32 s9, $0xF7A;
	s5 =	simm.s32 @!p2 $0x0  }
0x1d: {  	s5 =	simm.s32 @p1 $0x1;
	p0 =	seq.s32 s7, s2  }
0x1e: {  	s7 =	smul.u32 @!p0 $0xF7A, s2;
	p2 =	seq.s32 @!p0 s5, $0x0  }
0x1f: {  	s9 =	smul.u32 $0xF7A, s1;
	s8 =	simm.s32 @!p0 $0x1BF5;
	p2 =	por !p2, p0  }
0x20: {  	[sflag:s8] =	ssyncset.s32 @!p0 $0xFFFFF086;
	s6 =	sadd.s32 @!p0 s3, s7;
	s7 =	simm.s32 @!p0 $0x108  }
0x21: {  	s3 =	sadd.s32 s3, s9;
	s6 =	sadd.s32 @!p0 $0x88, s6;
	s7 =	simm.s32 @p2 $0x1082  }
0x22: {  	[simem:s7], [sflag:s8] =	dma.local @!p0 [hbm:s6], $0xF7A  }
0x23: {  	s9 =	sor.u32 $0xD0000000, s2;
	s6 =	simm.s32 $0x108;
	_ =	swait.ge @!p0 [sflag:s8], $0x0  }
0x24: {  	s3 =	sadd.s32 $0x88, s3;
	s6 =	simm.s32 @!p1 $0x1082;
	[sflag:s4] =	ssyncset.s32 $0xFFFFF086  }
0x25: {  	[simem:s6], [sflag:s4] =	dma.local [hbm:s3], $0xF7A  }
0x26: {  	[smem:$0x3F96] =	sst s1;
	(tag) =	ssettag s2;
	_ =	strace s9  }
0x27: {  	s1 =	sld [smem:$0x3FA6]  }
0x28: {  	s2 =	sld [smem:$0x3FA7]  }
0x29: {  	s4 =	sld [smem:$0x3FA9]  }
0x2a: {  	p0 =	seq.s32 s5, $0x0;
	s5 =	sld [smem:$0x3FAA]  }
0x2b: {  	s6 =	sld [smem:$0x3FAB]  }
0x2c: {  	s7 =	sld [smem:$0x3FAC]  }
0x2d: {  	s3 =	simm.s32 $0x108;
	s8 =	sld [smem:$0x3FAD]  }
0x2e: {  	s3 =	simm.s32 @!p0 $0x1082;
	s9 =	sld [smem:$0x3FAE]  }
0x2f: {  	lr =	sadd.s32 s0, s3;
	s0 =	sld [smem:$0x3FA5]  }
0x30: {  	s3 =	sld [smem:$0x3FA8]  }
0x31: {  	[smem:$0x3FB1] =	sst s10  }
0x32: {  	s10 =	sld [smem:$0x3FAF];
	_ =	sdelay $0x3  }
0x33: {  	p0 =	seq.s32 s10, $0x1;
	s10 =	sld [smem:$0x3FB1];
	_ =	sdelay $0x3  }
0x34: {  	[smem:$0x3FB1] =	sst s10  }
0x35: {  	s10 =	sld [smem:$0x3FB0];
	_ =	sdelay $0x3  }
0x36: {  	p1 =	seq.s32 s10, $0x1;
	s10 =	sld [smem:$0x3FB1];
	_ =	sdelay $0x3  }
0x37: {  	[smem:$0x3FB1] =	sst s10  }
0x38: {  	s10 =	sld [smem:$0x3FB2]  }
0x39: {  	_ = 	snop;
	(pc) =	sbr.ind lr, $3  }
0x3a: {  	_ = 	snop  }
0x3b: {  	_ = 	snop  }
0x3c: {  	p2 =	seq.s32 s10, $0x1;
	s10 =	sld [smem:$0x3FB1]  }
0x3d: {  	_ =	shalt  }
0x3e: {  	_ =	shalt  }
0x3f: {  	_ =	shalt  }
0x40: {  	_ =	shalt  }
0x41: {  	_ =	shalt  }
0x42: {  	_ =	shalt  }
0x43: {  	_ =	shalt  }
0x44: {  	_ =	shalt  }
0x45: {  	_ =	shalt  }
0x46: {  	_ =	shalt  }
0x47: {  	_ =	shalt  }
0x48: {  	_ =	shalt  }
0x49: {  	_ =	shalt  }
0x4a: {  	_ =	shalt  }
0x4b: {  	_ =	shalt  }
0x4c: {  	_ =	shalt  }
0x4d: {  	_ =	shalt  }
0x4e: {  	_ =	shalt  }
0x4f: {  	_ =	shalt  }
0x50: {  	_ =	shalt  }
0x51: {  	_ =	shalt  }
0x52: {  	_ =	shalt  }
0x53: {  	_ =	shalt  }
0x54: {  	_ =	shalt  }
0x55: {  	_ =	shalt  }
0x56: {  	_ =	shalt  }
0x57: {  	_ =	shalt  }
0x58: {  	_ =	shalt  }
0x59: {  	_ =	shalt  }
0x5a: {  	_ =	shalt  }
0x5b: {  	_ =	shalt  }
0x5c: {  	_ =	shalt  }
0x5d: {  	_ =	shalt  }
0x5e: {  	_ =	shalt  }
0x5f: {  	_ =	shalt  }
0x60: {  	_ =	shalt  }
0x61: {  	_ =	shalt  }
0x62: {  	_ =	shalt  }
0x63: {  	_ =	shalt  }
0x64: {  	_ =	shalt  }
0x65: {  	_ =	shalt  }
0x66: {  	_ =	shalt  }
0x67: {  	_ =	shalt  }
0x68: {  	_ =	shalt  }
0x69: {  	_ =	shalt  }
0x6a: {  	_ =	shalt  }
0x6b: {  	_ =	shalt  }
0x6c: {  	_ =	shalt  }
0x6d: {  	_ =	shalt  }
0x6e: {  	_ =	shalt  }
0x6f: {  	_ =	shalt  }
0x70: {  	_ =	shalt  }
0x71: {  	_ =	shalt  }
0x72: {  	_ =	shalt  }
0x73: {  	_ =	shalt  }
0x74: {  	_ =	shalt  }
0x75: {  	_ =	shalt  }
0x76: {  	_ =	shalt  }
0x77: {  	_ =	shalt  }
0x78: {  	_ =	shalt  }
0x79: {  	_ =	shalt  }
0x7a: {  	_ =	shalt  }
0x7b: {  	_ =	shalt  }
0x7c: {  	_ =	shalt  }
0x7d: {  	_ =	shalt  }
0x7e: {  	_ =	shalt  }
0x7f: {  	_ =	shalt  }
0x80: {  	_ =	shalt  }
0x81: {  	_ =	shalt  }
0x82: {  	_ =	shalt  }
0x83: {  	_ =	shalt  }
0x84: {  	_ =	shalt  }
0x85: {  	_ =	shalt  }
0x86: {  	_ =	shalt  }
0x87: {  	_ =	shalt  }
.Lfunc_end0:
.L_simem_size_0:
called_computation_lowered:
.L_overlay_start_0:
0x88: {  	s2 =	sld [smem:$0x3FD9]  }
0x89: {  	s3 =	sld [smem:$0x3FFE];
	_ =	sdelay $0x1  }
0x8a: {  	s1 =	srdreg.scid  }
0x8b: {  	s0 =	sand.u32 $0x1, s1  }
0x8c: {  	s17 =	sshll.u32 s0, $0xA;
	s2 =	sadd.s32 s3, s2  }
0x8d: {  	s2 =	sadd.s32 s2, s17  }
0x8e: {  	[smem:$0x3FBD] =	sst s2  }
0x8f: {  	_ = 	snop  }
0x90: {  	s18 =	sld [smem:$0x3FC9]  }
0x91: {  	s4 =	sld [smem:$0x3FC8]  }
0x92: {  	s5 =	sld [smem:$0x3FC7]  }
0x93: {  	s6 =	sld [smem:$0x3FC6]  }
0x94: {  	s7 =	sld [smem:$0x3FC5]  }
0x95: {  	s8 =	sld [smem:$0x3FC4];
	(tm) =	ssettm $0x1  }
0x96: {  	s19 =	sld [smem:$0x3FFB];
	_ =	sdelay $0x3  }
0x97: {  	_ =	strace s19  }
0x98: {  	s2 =	sld [smem:$0x3FFC];
	_ =	sdelay $0x3  }
0x99: {  	_ =	strace s2  }
0x9a: {  	s2 =	sld [smem:$0x3FFD];
	_ =	sdelay $0x3  }
0x9b: {  	_ =	strace s2  }
0x9c: {  	_ =	strace $0x8FFFFFFF  }
0x9d: {  	s20 =	sld [smem:$0x3FDB];
	_ =	sdelay $0x1  }
0x9e: {  	s9 =	simm.s32 $_scs_section_size  }
0x9f: {  	s10 =	simm.s32 $_size__tile_overlayer_lowered;
	s11 =	simm.s32 $_tile_overlayer_lowered  }
0xa0: {  	s12 =	simm.s32 $0x1BFF;
	s21 =	sshll.u32 s11, $0x1;
	s9 =	sadd.s32 s9, s20  }
0xa1: {  	s22 =	simm.s32 $0x0;
	s10 =	sshll.u32 s10, $0x1;
	s11 =	sadd.s32 s21, s9  }
0xa2: {  	[timem:s22], [sflag:s12] =	dma.local [hbm:s11], s10  }
0xa3: {  	_ =	swait.ge [sflag:s12], s10  }
0xa4: {  	s10 =	ssub.s32 $0x0, s10;
	[sflag:s12] =	ssyncset.done $0x0  }
0xa5: {  	[sflag:s12] =	ssyncadd.s32 s10;
	_ =	sdelay $0x1  }
0xa6: {  	s23 =	simm.s32 $0x1B8B  }
0xa7: {  	_ =	swait.ge [sflag:s23], $0x1  }
0xa8: {  	[sflag:s23] =	ssyncset.done $0x0  }
0xa9: {  	[sflag:s23] =	ssyncadd.s32 $0xFFFFFFFF  }
0xaa: {  	s10 =	sld [smem:$0x0]  }
0xab: {  	s11 =	sand.u32 $0xFFFFFFFE, s1  }
0xac: {  	p0 =	sne.s32 s1, s11  }
0xad: {  	s11 =	sshll.u32 @p0 s11, $0xE  }
0xae: {  	s11 =	sadd.s32 @p0 $0x11B8D, s11;
	s12 =	sshll.u32 @p0 s10, $0x11  }
0xaf: {  	s11 =	sor.u32 @p0 s12, s11  }
0xb0: {  	[sflag:s11] =	ssyncadd.remote.s32 @p0 $0x1;
	_ =	sdelay $0x1  }
0xb1: {  	s11 =	simm.s32 @p0 $0x1B8D  }
0xb2: {  	_ =	swait.eq @p0 [sflag:s11], $0x1  }
0xb3: {  	[sflag:s11] =	ssyncadd.s32 @p0 $0xFFFFFFFF  }
0xb4: {  	s12 =	sshll.u32 @!p0 s1, $0xE  }
0xb5: {  	s12 =	sor.u32 @!p0 $0x4000, s12;
	s11 =	simm.s32 @!p0 $0x1B8D  }
0xb6: {  	s10 =	sshll.u32 @!p0 s10, $0x11;
	s12 =	sadd.s32 @!p0 $0x11B8D, s12;
	_ =	swait.eq @!p0 [sflag:s11], $0x1  }
0xb7: {  	s10 =	sor.u32 @!p0 s10, s12;
	[sflag:s11] =	ssyncadd.s32 @!p0 $0xFFFFFFFF  }
0xb8: {  	s25 =	simm.s32 $0x1B8E;
	s24 =	sld [smem:$0x3FFE];
	[sflag:s10] =	ssyncadd.remote.s32 @!p0 $0x1  }
0xb9: {  	s26 =	simm.s32 $execute0_lowered;
	[smem:$0x3FD2] =	sst s25  }
0xba: {  	s11 =	sshll.u32 s26, $0x1;
	_ =	strace $0x80000049;
	[dreg:$0x1] =	wrdreg $0xFFFFFFFF  }
0xbb: {  	s28 =	simm.s32 $_size_execute0_lowered;
	s9 =	sadd.s32 s9, s11;
	[dreg:$0x0] =	wrdreg $0x0  }
0xbc: {  	s11 =	sshll.u32 s28, $0x1;
	[dreg:$0x2] =	wrdreg s9  }
0xbd: {  	[dreg:$0x3] =	wrdreg s11  }
0xbe: {  	[dreg:$0x4] =	wrdreg $0xC0  }
0xbf: {  	_ =	task [dreg:s22], $0x5FFFF  }
0xc0: {  	[dreg:$0x1] =	wrdreg $0xFFFFFFFF  }
0xc1: {  	[dreg:$0x0] =	wrdreg $0x60  }
0xc2: {  	[dreg:$0x2] =	wrdreg s18  }
0xc3: {  	[dreg:$0x3] =	wrdreg s4  }
0xc4: {  	[dreg:$0x4] =	wrdreg s5  }
0xc5: {  	[dreg:$0x5] =	wrdreg s6  }
0xc6: {  	[dreg:$0x6] =	wrdreg s7  }
0xc7: {  	[dreg:$0x7] =	wrdreg s8  }
0xc8: {  	[dreg:$0x8] =	wrdreg s24  }
0xc9: {  	[dreg:$0x9] =	wrdreg $0x9  }
0xca: {  	_ =	task.clear_ibuf [dreg:s22], $0xAFFFF;
	_ =	strace $0x90000049  }
0xcb: {  	s29 =	simm.s32 $0x9;
	_ =	strace $0x8000004B  }
0xcc: {  	_ =	swait.ge [sflag:s29], $0x1  }
0xcd: {  	[sflag:s29] =	ssyncadd.s32 $0xFFFFFFFF  }
0xce: {  	_ =	strace $0x9000004B  }
0xcf: {  	_ =	sfence  }
0xd0: {  	s30 =	sld [smem:$0x0];
	_ =	sdelay $0x2  }
0xd1: {  	s31 =	sshll.u32 s1, $0xD;
	s1 =	sshrl.u32 s1, $0x2  }
0xd2: {  	s4 =	sand.u32 $0x4000, s31;
	s1 =	sadd.s32 s1, s30  }
0xd3: {  	s0 =	sor.u32 s4, s0;
	s1 =	sshll.u32 s1, $0x11  }
0xd4: {  	s0 =	sor.u32 s1, s0  }
0xd5: {  	s0 =	sadd.s32 $0x8F2B, s0  }
0xd6: {  	[sflag:s0] =	ssyncadd.remote.s32 $0x1  }
0xd7: {  	_ =	sfence.sel $0xFFFF  }
0xd8: {  	[dreg:$0x0] =	wrdreg $0xFFFFFFFF;
	(pc) =	sbr.abs _section_cstart, $3  }
0xd9: {  	[dreg:$0x1] =	wrdreg $0xFFFFFFFF  }
0xda: {  	_ =	task.clear_ibuf [dreg:s22], $0x2FFFF;
	_ =	strace $0x9FFFFFFF  }
0xdb: {  	(tm) =	ssettm $0x7FFFFFFF  }
tec
execute0_lowered:
.L_overlay_start_1:
0x0: {  	(tag) =	ssettag $0x1  }
0x1: {  	s0 =	rddreg [dreg:$0x0]  }
0x2: {  	s1 =	rddreg [dreg:$0x1]  }
0x3: {  	s2 =	rddreg [dreg:$0x6];
	s5 =	simm.s32 $0x0;
	s4 =	srdreg.scid  }
0x4: {  	s8 =	stileid.u32;
	s16 =	simm.s32 $0xF;
	s17 =	simm.s32 $0x100  }
0x5: {  	s18 =	simm.s32 $0x80;
	s19 =	simm.s32 $0x200;
	s28 =	simm.s32 $0x1  }
0x6: {  	s29 =	simm.s32 $0x2;
	s30 =	simm.s32 $0x5;
	s31 =	simm.s32 $0x3  }
0x7: {  	s10 =	simm.s32 $0x0;
	[smem:$0x7FF] =	sst s5;
	s3 =	sadd.s32 $0x62600, s2  }
0x8: {  	s6 =	sadd.s32 $0x82600, s2;
	s4 =	sand.u32 $0x1, s4;
	s8 =	sshll.u32 s8, $0x9  }
0x9: {  	s2 =	sadd.s32 $0xA2600, s2;
	s7 =	ssub.s32 $0x2, s4;
	s4 =	sshll.u32 s4, $0x8  }
0xa: {  	_ =	strace $0x8000004A;
	s9 =	sshrl.u32 s7, $0x1;
	s4 =	sor.u32 s4, s8  }
0xb: {  	s7 =	ssub.s32 s7, s9;
	s8 =	sshrl.u32 s4, $0x3;
	s4 =	sshll.u32 s4, $0x4  }
0xc: {  	s9 =	simm.s32 $0xE;
	s0 =	sadd.s32 s0, s8;
	s20 =	sadd.s32 s1, s8  }
0xd: {  	s21 =	sor.u32 $0x800, s4;
	s22 =	sadd.s32 s3, s4;
	[dreg:$0x8] =	wrdreg s0  }
0xe: {  	s23 =	sadd.s32 s6, s4;
	s25 =	sadd.s32 s2, s4;
	[dreg:$0x9] =	wrdreg s20  }
0xf: {  	s15 =	smax.u32 s7, $0x1;
	s1 =	simm.s32 $0x9;
	[dreg:$0xa] =	wrdreg s22  }
0x10: {  	s4 =	simm.s32 $0xB;
	s7 =	simm.s32 $0xC;
	[dreg:$0xb] =	wrdreg s23  }
0x11: {  	s8 =	simm.s32 $0xD;
	s24 =	sadd.s32 s3, s21;
	[dreg:$0xd] =	wrdreg s25  }
0x12: {  	s26 =	sadd.s32 s6, s21;
	s14 =	sadd.s32 s2, s21;
	s20 =	simm.s32 $0x8200  }
0x13: {  	s21 =	simm.s32 $0x4200;
	s22 =	simm.s32 $0x180;
	s25 =	simm.s32 $0x14200  }
0x14: {  	s0 =	simm.s32 $0x4;
	s6 =	simm.s32 $0x6;
	s23 =	simm.s32 $0x7  }
0x15: {  	s2 =	simm.s32 $0x8;
	s3 =	simm.s32 $0xA;
	[dreg:$0xc] =	wrdreg s24  }
0x16: {  	[dreg:$0xe] =	wrdreg s26;
	s24 =	simm.s32 $0x10200;
	s26 =	simm.s32 $0x18200  }
.LBB2_1:
0x17: {  	s11 =	rddreg [dreg:$0x8]  }
0x18: {  	[tilespmem:s5], [sflag:$0xF] =	stream.linear.gather [hbm4b:s11+s5], $0x100, $0x38;
	[tilespmem:$0x1C200] =	vst v63  }
0x19: {  	_ =	swait.ge [sflag:s16], $0x100  }
0x1a: {  	[sflag:s16] =	ssyncset.done $0x0  }
0x1b: {  	s12 =	rddreg [dreg:$0x9];
	[sflag:s16] =	ssyncadd.s32 $0xFFFFFF00  }
0x1c: {  	[tilespmem:s17], [sflag:$0xF] =	stream.linear.gather [hbm4b:s12+s5], $0x100, $0x38;
	[tilespmem:$0x1C200] =	vst v63  }
0x1d: {  	_ =	swait.ge [sflag:s16], $0x100  }
0x1e: {  	[sflag:s16] =	ssyncset.done $0x0  }
0x1f: {  	[sflag:s16] =	ssyncadd.s32 $0xFFFFFF00  }
0x20: {  	s13 =	rddreg [dreg:$0x2]  }
0x21: {  	[tilespmem:s19], [sflag:$0x1] =	stream.indirect.gather [hbm4b:s13+s18], $0x80, s5, s18, $0xb8;
	[tilespmem:$0x1C200] =	vst v63  }
0x22: {  	s12 =	rddreg [dreg:$0x3]  }
0x23: {  	[tilespmem:s20], [sflag:$0x2] =	stream.indirect.gather [hbm4b:s12+s18], $0x80, s17, s18, $0xb8;
	[tilespmem:$0x1C200] =	vst v63  }
0x24: {  	_ = 	snop  }
0x25: {  	[tilespmem:s21], [sflag:$0x3] =	stream.indirect.gather [hbm4b:s13+s18], $0x80, s18, s18, $0xb8;
	[tilespmem:$0x1C200] =	vst v63  }
0x26: {  	s13 =	simm.s32 $0xC200  }
0x27: {  	[tilespmem:s13], [sflag:$0x4] =	stream.indirect.gather [hbm4b:s12+s18], $0x80, s22, s18, $0xb8;
	[tilespmem:$0x1C200] =	vst v63  }
0x28: {  	s11 =	rddreg [dreg:$0x4]  }
0x29: {  	[tilespmem:s24], [sflag:$0x5] =	stream.indirect.gather [hbm4b:s11+s18], $0x80, s5, s18, $0xb8;
	[tilespmem:$0x1C200] =	vst v63  }
0x2a: {  	s13 =	rddreg [dreg:$0x5]  }
0x2b: {  	[tilespmem:s25], [sflag:$0x6] =	stream.indirect.gather [hbm4b:s13+s18], $0x80, s17, s18, $0xb8;
	[tilespmem:$0x1C200] =	vst v63  }
0x2c: {  	_ = 	snop  }
0x2d: {  	[tilespmem:s26], [sflag:$0x7] =	stream.indirect.gather [hbm4b:s11+s18], $0x80, s18, s18, $0xb8;
	[tilespmem:$0x1C200] =	vst v63  }
0x2e: {  	_ =	swait.ge [sflag:s28], $0x4000  }
0x2f: {  	[sflag:s28] =	ssyncset.done $0x0  }
0x30: {  	[sflag:s28] =	ssyncadd.s32 $0xFFFFC000  }
0x31: {  	_ =	swait.ge [sflag:s29], $0x4000  }
0x32: {  	[sflag:s29] =	ssyncset.done $0x0  }
0x33: {  	s11 =	simm.s32 $0x0;
	[sflag:s29] =	ssyncadd.s32 $0xFFFFC000  }
0x34: {  	v7 =	vld [tilespmem:s11+$0x8200]  }
0x35: {  	v11 =	vld [tilespmem:s11+$0x8210]  }
0x36: {  	v5 =	vld [tilespmem:s11+$0x8220]  }
0x37: {  	v4 =	vld [tilespmem:s11+$0x8230]  }
0x38: {  	v3 =	vld [tilespmem:s11+$0x8240]  }
0x39: {  	v2 =	vld [tilespmem:s11+$0x8250]  }
0x3a: {  	v1 =	vld [tilespmem:s11+$0x8260]  }
0x3b: {  	v0 =	vld [tilespmem:s11+$0x8270]  }
0x3c: {  	v12 =	vld [tilespmem:s11+$0x200]  }
0x3d: {  	v13 =	vld [tilespmem:s11+$0x210]  }
0x3e: {  	v10 =	vld [tilespmem:s11+$0x220]  }
0x3f: {  	v9 =	vld [tilespmem:s11+$0x230]  }
0x40: {  	v8 =	vld [tilespmem:s11+$0x240]  }
0x41: {  	v6 =	vld [tilespmem:s11+$0x250];
	v12 =	vmul.f32 v7, v12  }
0x42: {  	s12 =	simm.s32 $0x200;
	v11 =	vmul.f32 v11, v13;
	v7 =	vld [tilespmem:s11+$0x260]  }
.LBB2_2:
0x43: {  	s13 =	sshra.s32 s12, $0x2;
	p0 =	sne.s32 s12, $0xFE00;
	[tilespmem:s11+$0x200] =	vst v12;
	v5 =	vmul.f32 v5, v10;
	v10 =	vld [tilespmem:s11+$0x270]  }
0x44: {  	v12 =	vld [tilespmem:s13+$0x8200];
	[tilespmem:s11+$0x210] =	vst v11;
	v4 =	vmul.f32 v4, v9  }
0x45: {  	v11 =	vld [tilespmem:s13+$0x8210];
	[tilespmem:s11+$0x220] =	vst v5;
	v3 =	vmul.f32 v3, v8  }
0x46: {  	v5 =	vld [tilespmem:s13+$0x8220];
	[tilespmem:s11+$0x230] =	vst v4;
	v2 =	vmul.f32 v2, v6  }
0x47: {  	v4 =	vld [tilespmem:s13+$0x8230];
	[tilespmem:s11+$0x240] =	vst v3;
	v1 =	vmul.f32 v1, v7  }
0x48: {  	v3 =	vld [tilespmem:s13+$0x8240];
	[tilespmem:s11+$0x250] =	vst v2;
	v0 =	vmul.f32 v0, v10  }
0x49: {  	v2 =	vld [tilespmem:s13+$0x8250];
	[tilespmem:s11+$0x260] =	vst v1  }
0x4a: {  	v1 =	vld [tilespmem:s13+$0x8260];
	[tilespmem:s11+$0x270] =	vst v0;
	s11 =	smov.u32 s13  }
0x4b: {  	v0 =	vld [tilespmem:s11+$0x8270]  }
0x4c: {  	v6 =	vld [tilespmem:s11+$0x200]  }
0x4d: {  	v7 =	vld [tilespmem:s11+$0x210]  }
.Ltmp0:
0x4e: {  	v10 =	vld [tilespmem:s11+$0x220];
	(pc) =	sbr.rel @p0 .LBB2_2-.Ltmp0, $4  }
0x4f: {  	v9 =	vld [tilespmem:s11+$0x230]  }
0x50: {  	v8 =	vld [tilespmem:s11+$0x240]  }
0x51: {  	v12 =	vmul.f32 v12, v6;
	v6 =	vld [tilespmem:s11+$0x250]  }
0x52: {  	s12 =	sadd.s32 $0x200, s12;
	v11 =	vmul.f32 v11, v7;
	v7 =	vld [tilespmem:s11+$0x260]  }
0x53: {  	[tilespmem:s11+$0x200] =	vst v12;
	v5 =	vmul.f32 v5, v10;
	v10 =	vld [tilespmem:s11+$0x270]  }
0x54: {  	[tilespmem:s11+$0x210] =	vst v11;
	v4 =	vmul.f32 v4, v9  }
0x55: {  	[tilespmem:s11+$0x220] =	vst v5;
	v3 =	vmul.f32 v3, v8  }
0x56: {  	[tilespmem:s11+$0x230] =	vst v4;
	v2 =	vmul.f32 v2, v6  }
0x57: {  	[tilespmem:s11+$0x240] =	vst v3;
	v1 =	vmul.f32 v1, v7  }
0x58: {  	[tilespmem:s11+$0x250] =	vst v2;
	v0 =	vmul.f32 v0, v10  }
0x59: {  	[tilespmem:s11+$0x260] =	vst v1  }
0x5a: {  	s12 =	rddreg [dreg:$0xa];
	[tilespmem:s11+$0x270] =	vst v0;
	s11 =	simm.s32 $0x0  }
0x5b: {  	[hbm4b:s12+s11] =	stream.linear.scatter [tilespmem:s19], [sflag:$0x8], $0x4000, $0x38;
	[tilespmem:$0x1C200] =	vst v63  }
0x5c: {  	s13 =	rddreg [dreg:$0x5]  }
0x5d: {  	[tilespmem:s20], [sflag:$0x9] =	stream.indirect.gather [hbm4b:s13+s18], $0x80, s22, s18, $0xb8;
	[tilespmem:$0x1C200] =	vst v63  }
0x5e: {  	_ =	swait.ge [sflag:s30], $0x4000  }
0x5f: {  	[sflag:s30] =	ssyncset.done $0x0  }
0x60: {  	s13 =	rddreg [dreg:$0xb];
	[sflag:s30] =	ssyncadd.s32 $0xFFFFC000  }
0x61: {  	[hbm4b:s13+s11] =	stream.linear.scatter [tilespmem:s24], [sflag:$0xA], $0x4000, $0x38;
	[tilespmem:$0x1C200] =	vst v63  }
0x62: {  	_ =	swait.ge [sflag:s31], $0x4000  }
0x63: {  	[sflag:s31] =	ssyncset.done $0x0  }
0x64: {  	[sflag:s31] =	ssyncadd.s32 $0xFFFFC000  }
0x65: {  	_ =	swait.ge [sflag:s0], $0x4000  }
0x66: {  	[sflag:s0] =	ssyncset.done $0x0  }
0x67: {  	s11 =	simm.s32 $0x0;
	[sflag:s0] =	ssyncadd.s32 $0xFFFFC000  }
0x68: {  	v7 =	vld [tilespmem:s11+$0xC200]  }
0x69: {  	v11 =	vld [tilespmem:s11+$0xC210]  }
0x6a: {  	v5 =	vld [tilespmem:s11+$0xC220]  }
0x6b: {  	v4 =	vld [tilespmem:s11+$0xC230]  }
0x6c: {  	v3 =	vld [tilespmem:s11+$0xC240]  }
0x6d: {  	v2 =	vld [tilespmem:s11+$0xC250]  }
0x6e: {  	v1 =	vld [tilespmem:s11+$0xC260]  }
0x6f: {  	v0 =	vld [tilespmem:s11+$0xC270]  }
0x70: {  	v12 =	vld [tilespmem:s11+$0x4200]  }
0x71: {  	v13 =	vld [tilespmem:s11+$0x4210]  }
0x72: {  	v10 =	vld [tilespmem:s11+$0x4220]  }
0x73: {  	v9 =	vld [tilespmem:s11+$0x4230]  }
0x74: {  	v8 =	vld [tilespmem:s11+$0x4240]  }
0x75: {  	v6 =	vld [tilespmem:s11+$0x4250];
	v12 =	vmul.f32 v7, v12  }
0x76: {  	s12 =	simm.s32 $0x200;
	v11 =	vmul.f32 v11, v13;
	v7 =	vld [tilespmem:s11+$0x4260]  }
.LBB2_4:
0x77: {  	s13 =	sshra.s32 s12, $0x2;
	p0 =	sne.s32 s12, $0xFE00;
	[tilespmem:s11+$0x4200] =	vst v12;
	v5 =	vmul.f32 v5, v10;
	v10 =	vld [tilespmem:s11+$0x4270]  }
0x78: {  	v12 =	vld [tilespmem:s13+$0xC200];
	[tilespmem:s11+$0x4210] =	vst v11;
	v4 =	vmul.f32 v4, v9  }
0x79: {  	v11 =	vld [tilespmem:s13+$0xC210];
	[tilespmem:s11+$0x4220] =	vst v5;
	v3 =	vmul.f32 v3, v8  }
0x7a: {  	v5 =	vld [tilespmem:s13+$0xC220];
	[tilespmem:s11+$0x4230] =	vst v4;
	v2 =	vmul.f32 v2, v6  }
0x7b: {  	v4 =	vld [tilespmem:s13+$0xC230];
	[tilespmem:s11+$0x4240] =	vst v3;
	v1 =	vmul.f32 v1, v7  }
0x7c: {  	v3 =	vld [tilespmem:s13+$0xC240];
	[tilespmem:s11+$0x4250] =	vst v2;
	v0 =	vmul.f32 v0, v10  }
0x7d: {  	v2 =	vld [tilespmem:s13+$0xC250];
	[tilespmem:s11+$0x4260] =	vst v1  }
0x7e: {  	v1 =	vld [tilespmem:s13+$0xC260];
	[tilespmem:s11+$0x4270] =	vst v0;
	s11 =	smov.u32 s13  }
0x7f: {  	v0 =	vld [tilespmem:s11+$0xC270]  }
0x80: {  	v6 =	vld [tilespmem:s11+$0x4200]  }
0x81: {  	v7 =	vld [tilespmem:s11+$0x4210]  }
.Ltmp1:
0x82: {  	v10 =	vld [tilespmem:s11+$0x4220];
	(pc) =	sbr.rel @p0 .LBB2_4-.Ltmp1, $4  }
0x83: {  	v9 =	vld [tilespmem:s11+$0x4230]  }
0x84: {  	v8 =	vld [tilespmem:s11+$0x4240]  }
0x85: {  	v12 =	vmul.f32 v12, v6;
	v6 =	vld [tilespmem:s11+$0x4250]  }
0x86: {  	s12 =	sadd.s32 $0x200, s12;
	v11 =	vmul.f32 v11, v7;
	v7 =	vld [tilespmem:s11+$0x4260]  }
0x87: {  	[tilespmem:s11+$0x4200] =	vst v12;
	v5 =	vmul.f32 v5, v10;
	v63 =	vld [tilespmem:s11+$0x4270]  }
0x88: {  	[tilespmem:s11+$0x4210] =	vst v11;
	v4 =	vmul.f32 v4, v9  }
0x89: {  	[tilespmem:s11+$0x4220] =	vst v5;
	v3 =	vmul.f32 v3, v8  }
0x8a: {  	[tilespmem:s11+$0x4230] =	vst v4;
	v2 =	vmul.f32 v2, v6  }
0x8b: {  	[tilespmem:s11+$0x4240] =	vst v3;
	v1 =	vmul.f32 v1, v7  }
0x8c: {  	[tilespmem:s11+$0x4250] =	vst v2;
	v0 =	vmul.f32 v0, v63  }
0x8d: {  	[tilespmem:s11+$0x4260] =	vst v1  }
0x8e: {  	s13 =	rddreg [dreg:$0xc];
	[tilespmem:s11+$0x4270] =	vst v0  }
0x8f: {  	[hbm4b:s13+s5] =	stream.linear.scatter [tilespmem:s21], [sflag:$0xB], $0x4000, $0x38;
	[tilespmem:$0x1C200] =	vst v63  }
0x90: {  	_ =	swait.ge [sflag:s6], $0x4000  }
0x91: {  	[sflag:s6] =	ssyncset.done $0x0  }
0x92: {  	s12 =	rddreg [dreg:$0xd];
	[sflag:s6] =	ssyncadd.s32 $0xFFFFC000  }
0x93: {  	[hbm4b:s12+s5] =	stream.linear.scatter [tilespmem:s25], [sflag:$0xC], $0x4000, $0x38;
	[tilespmem:$0x1C200] =	vst v63  }
0x94: {  	_ =	swait.ge [sflag:s23], $0x4000  }
0x95: {  	[sflag:s23] =	ssyncset.done $0x0  }
0x96: {  	s13 =	rddreg [dreg:$0xe];
	[sflag:s23] =	ssyncadd.s32 $0xFFFFC000  }
0x97: {  	[hbm4b:s13+s5] =	stream.linear.scatter [tilespmem:s26], [sflag:$0xD], $0x4000, $0x38;
	[tilespmem:$0x1C200] =	vst v63  }
0x98: {  	_ =	swait.ge [sflag:s1], $0x4000  }
0x99: {  	[sflag:s1] =	ssyncset.done $0x0  }
0x9a: {  	[sflag:s1] =	ssyncadd.s32 $0xFFFFC000  }
0x9b: {  	[hbm4b:s14+s5] =	stream.linear.scatter [tilespmem:s20], [sflag:$0xE], $0x4000, $0x38;
	[tilespmem:$0x1C200] =	vst v63  }
0x9c: {  	_ =	swait.ge [sflag:s2], $0x4000  }
0x9d: {  	[sflag:s2] =	ssyncset.done $0x0  }
0x9e: {  	[sflag:s2] =	ssyncadd.s32 $0xFFFFC000  }
0x9f: {  	_ =	swait.ge [sflag:s3], $0x4000  }
0xa0: {  	[sflag:s3] =	ssyncset.done $0x0  }
0xa1: {  	[sflag:s3] =	ssyncadd.s32 $0xFFFFC000  }
0xa2: {  	_ =	swait.ge [sflag:s4], $0x4000  }
0xa3: {  	[sflag:s4] =	ssyncset.done $0x0  }
0xa4: {  	[sflag:s4] =	ssyncadd.s32 $0xFFFFC000  }
0xa5: {  	_ =	swait.ge [sflag:s7], $0x4000  }
0xa6: {  	[sflag:s7] =	ssyncset.done $0x0  }
0xa7: {  	s10 =	sadd.s32 $0x1, s10;
	[sflag:s7] =	ssyncadd.s32 $0xFFFFC000  }
0xa8: {  	p0 =	sne.s32 s10, s15;
	_ =	swait.ge [sflag:s8], $0x4000  }
.Ltmp2:
0xa9: {  	[sflag:s8] =	ssyncset.done $0x0;
	(pc) =	sbr.rel @p0 .LBB2_1-.Ltmp2, $4  }
0xaa: {  	[sflag:s8] =	ssyncadd.s32 $0xFFFFC000  }
0xab: {  	_ =	swait.ge [sflag:s9], $0x4000  }
0xac: {  	[sflag:s9] =	ssyncset.done $0x0  }
0xad: {  	[sflag:s9] =	ssyncadd.s32 $0xFFFFC000  }
0xae: {  	_ =	sfence.sel $0x180000  }
0xaf: {  	[bflag:$0x0] =	sbarrier.arrive $0xFFFF  }
0xb0: {  	_ =	strace $0x9000004A  }
0xb1: {  	s0 =	stileid.u32;
	[bflag:$0x2] =	sbarrier.arrive $0xFFFF  }
0xb2: {  	p0 =	sne.s32 s0, $0x0;
	s0 =	rddreg [dreg:$0x7]  }
0xb3: {  	s0 =	sadd.s32 @!p0 $0x100000, s0  }
0xb4: {  	[sflag:s0] =	ssyncadd.tile.s32 @!p0 $0x1;
	_ =	shalt  }
.Lfunc_end2:
_tile_overlayer_lowered:
.L_overlay_start_2:
0xb5: {  	(tag) =	ssettag $0x2  }
0xb6: {  	s0 =	rddreg [dreg:$0x0];
	s2 =	stileid.u32  }
0xb7: {  	s1 =	rddreg [dreg:$0x1];
	p0 =	sne.s32 s2, $0x0  }
0xb8: {  	s3 =	rddreg [dreg:$0x2];
	[bflag:$0x3] =	sbarrier.arrive $0xFFFF;
	s2 =	simm.s32 @!p0 $0x1C0F  }
0xb9: {  	[timem:s3], [sflag:s2] =	dma.local @!p0 [hbm:s0], s1  }
0xba: {  	s0 =	simm.s32 @!p0 $0xF  }
0xbb: {  	_ =	swait.ge @!p0 [sflag:s0], s1  }
0xbc: {  	s1 =	ssub.s32 @!p0 $0x0, s1;
	[sflag:s0] =	ssyncset.done @!p0 $0x0  }
0xbd: {  	[sflag:s0] =	ssyncadd.s32 @!p0 s1  }
0xbe: {  	[bflag:$0x3] =	sbarrier.arrive $0xFFFF  }
0xbf: {  	_ =	shalt  }

// kernel: kernel.9.cloned.1.call-start
scs
__scs_entry_jumppad:
0x0: {  	(pc) =	sbr.rel $0x88, $3  }
0x1: {  	(tag) =	ssettag $0x0;
	lr =	simm.s32 $0x1  }
0x2: {  	[smem:$0x3F96] =	sst lr;
	_ =	strace $0xD0000000  }
0x3: {  	_ = 	snop  }
0x4: {  	_ = 	snop  }
0x5: {  	_ = 	snop  }
0x6: {  	_ = 	snop  }
0x7: {  	_ = 	snop  }
__scs_overlays_trampoline_lowered:
0x8: {  	[smem:$0x3FA5] =	sst s0  }
0x9: {  	[smem:$0x3FA6] =	sst s1  }
0xa: {  	[smem:$0x3FA7] =	sst s2  }
0xb: {  	[smem:$0x3FA8] =	sst s3  }
0xc: {  	[smem:$0x3FA9] =	sst s4  }
0xd: {  	[smem:$0x3FAA] =	sst s5  }
0xe: {  	[smem:$0x3FAB] =	sst s6  }
0xf: {  	[smem:$0x3FAC] =	sst s7  }
0x10: {  	[smem:$0x3FAD] =	sst s8  }
0x11: {  	[smem:$0x3FAE] =	sst s9;
	s0 =	simm.s32 @!p0 $0x0  }
0x12: {  	s1 =	sld [smem:$0x3F94];
	s0 =	simm.s32 @p0 $0x1  }
0x13: {  	[smem:$0x3FAF] =	sst s0;
	s0 =	simm.s32 @!p1 $0x0  }
0x14: {  	s2 =	sld [smem:$0x3F93];
	s0 =	simm.s32 @p1 $0x1  }
0x15: {  	[smem:$0x3FB0] =	sst s0;
	s0 =	simm.s32 @!p2 $0x0  }
0x16: {  	s3 =	sld [smem:$0x3FDB];
	s0 =	simm.s32 @p2 $0x1  }
0x17: {  	s4 =	simm.s32 $0x1BF5;
	[smem:$0x3FB2] =	sst s0  }
0x18: {  	s0 =	sld [smem:$0x3F95];
	_ =	swait.ge [sflag:s4], $0x0  }
0x19: {  	s7 =	sld [smem:$0x3F96]  }
0x1a: {  	s8 =	sadd.s32 $0xFFFFE003, lr  }
0x1b: {  	s9 =	sadd.s32 $0xFFFFFEF7, lr;
	s5 =	simm.s32 $0xFFFFFFFF;
	p2 =	slt.u32 s8, $0xFFFFF086  }
0x1c: {  	p1 =	slt.u32 s9, $0xF7A;
	s5 =	simm.s32 @!p2 $0x0  }
0x1d: {  	s5 =	simm.s32 @p1 $0x1;
	p0 =	seq.s32 s7, s2  }
0x1e: {  	s7 =	smul.u32 @!p0 $0xF7A, s2;
	p2 =	seq.s32 @!p0 s5, $0x0  }
0x1f: {  	s9 =	smul.u32 $0xF7A, s1;
	s8 =	simm.s32 @!p0 $0x1BF5;
	p2 =	por !p2, p0  }
0x20: {  	[sflag:s8] =	ssyncset.s32 @!p0 $0xFFFFF086;
	s6 =	sadd.s32 @!p0 s3, s7;
	s7 =	simm.s32 @!p0 $0x108  }
0x21: {  	s3 =	sadd.s32 s3, s9;
	s6 =	sadd.s32 @!p0 $0x88, s6;
	s7 =	simm.s32 @p2 $0x1082  }
0x22: {  	[simem:s7], [sflag:s8] =	dma.local @!p0 [hbm:s6], $0xF7A  }
0x23: {  	s9 =	sor.u32 $0xD0000000, s2;
	s6 =	simm.s32 $0x108;
	_ =	swait.ge @!p0 [sflag:s8], $0x0  }
0x24: {  	s3 =	sadd.s32 $0x88, s3;
	s6 =	simm.s32 @!p1 $0x1082;
	[sflag:s4] =	ssyncset.s32 $0xFFFFF086  }
0x25: {  	[simem:s6], [sflag:s4] =	dma.local [hbm:s3], $0xF7A  }
0x26: {  	[smem:$0x3F96] =	sst s1;
	(tag) =	ssettag s2;
	_ =	strace s9  }
0x27: {  	s1 =	sld [smem:$0x3FA6]  }
0x28: {  	s2 =	sld [smem:$0x3FA7]  }
0x29: {  	s4 =	sld [smem:$0x3FA9]  }
0x2a: {  	p0 =	seq.s32 s5, $0x0;
	s5 =	sld [smem:$0x3FAA]  }
0x2b: {  	s6 =	sld [smem:$0x3FAB]  }
0x2c: {  	s7 =	sld [smem:$0x3FAC]  }
0x2d: {  	s3 =	simm.s32 $0x108;
	s8 =	sld [smem:$0x3FAD]  }
0x2e: {  	s3 =	simm.s32 @!p0 $0x1082;
	s9 =	sld [smem:$0x3FAE]  }
0x2f: {  	lr =	sadd.s32 s0, s3;
	s0 =	sld [smem:$0x3FA5]  }
0x30: {  	s3 =	sld [smem:$0x3FA8]  }
0x31: {  	[smem:$0x3FB1] =	sst s10  }
0x32: {  	s10 =	sld [smem:$0x3FAF];
	_ =	sdelay $0x3  }
0x33: {  	p0 =	seq.s32 s10, $0x1;
	s10 =	sld [smem:$0x3FB1];
	_ =	sdelay $0x3  }
0x34: {  	[smem:$0x3FB1] =	sst s10  }
0x35: {  	s10 =	sld [smem:$0x3FB0];
	_ =	sdelay $0x3  }
0x36: {  	p1 =	seq.s32 s10, $0x1;
	s10 =	sld [smem:$0x3FB1];
	_ =	sdelay $0x3  }
0x37: {  	[smem:$0x3FB1] =	sst s10  }
0x38: {  	s10 =	sld [smem:$0x3FB2]  }
0x39: {  	_ = 	snop;
	(pc) =	sbr.ind lr, $3  }
0x3a: {  	_ = 	snop  }
0x3b: {  	_ = 	snop  }
0x3c: {  	p2 =	seq.s32 s10, $0x1;
	s10 =	sld [smem:$0x3FB1]  }
0x3d: {  	_ =	shalt  }
0x3e: {  	_ =	shalt  }
0x3f: {  	_ =	shalt  }
0x40: {  	_ =	shalt  }
0x41: {  	_ =	shalt  }
0x42: {  	_ =	shalt  }
0x43: {  	_ =	shalt  }
0x44: {  	_ =	shalt  }
0x45: {  	_ =	shalt  }
0x46: {  	_ =	shalt  }
0x47: {  	_ =	shalt  }
0x48: {  	_ =	shalt  }
0x49: {  	_ =	shalt  }
0x4a: {  	_ =	shalt  }
0x4b: {  	_ =	shalt  }
0x4c: {  	_ =	shalt  }
0x4d: {  	_ =	shalt  }
0x4e: {  	_ =	shalt  }
0x4f: {  	_ =	shalt  }
0x50: {  	_ =	shalt  }
0x51: {  	_ =	shalt  }
0x52: {  	_ =	shalt  }
0x53: {  	_ =	shalt  }
0x54: {  	_ =	shalt  }
0x55: {  	_ =	shalt  }
0x56: {  	_ =	shalt  }
0x57: {  	_ =	shalt  }
0x58: {  	_ =	shalt  }
0x59: {  	_ =	shalt  }
0x5a: {  	_ =	shalt  }
0x5b: {  	_ =	shalt  }
0x5c: {  	_ =	shalt  }
0x5d: {  	_ =	shalt  }
0x5e: {  	_ =	shalt  }
0x5f: {  	_ =	shalt  }
0x60: {  	_ =	shalt  }
0x61: {  	_ =	shalt  }
0x62: {  	_ =	shalt  }
0x63: {  	_ =	shalt  }
0x64: {  	_ =	shalt  }
0x65: {  	_ =	shalt  }
0x66: {  	_ =	shalt  }
0x67: {  	_ =	shalt  }
0x68: {  	_ =	shalt  }
0x69: {  	_ =	shalt  }
0x6a: {  	_ =	shalt  }
0x6b: {  	_ =	shalt  }
0x6c: {  	_ =	shalt  }
0x6d: {  	_ =	shalt  }
0x6e: {  	_ =	shalt  }
0x6f: {  	_ =	shalt  }
0x70: {  	_ =	shalt  }
0x71: {  	_ =	shalt  }
0x72: {  	_ =	shalt  }
0x73: {  	_ =	shalt  }
0x74: {  	_ =	shalt  }
0x75: {  	_ =	shalt  }
0x76: {  	_ =	shalt  }
0x77: {  	_ =	shalt  }
0x78: {  	_ =	shalt  }
0x79: {  	_ =	shalt  }
0x7a: {  	_ =	shalt  }
0x7b: {  	_ =	shalt  }
0x7c: {  	_ =	shalt  }
0x7d: {  	_ =	shalt  }
0x7e: {  	_ =	shalt  }
0x7f: {  	_ =	shalt  }
0x80: {  	_ =	shalt  }
0x81: {  	_ =	shalt  }
0x82: {  	_ =	shalt  }
0x83: {  	_ =	shalt  }
0x84: {  	_ =	shalt  }
0x85: {  	_ =	shalt  }
0x86: {  	_ =	shalt  }
0x87: {  	_ =	shalt  }
.Lfunc_end0:
.L_simem_size_0:
called_computation.1_lowered:
.L_overlay_start_0:
0x88: {  	s2 =	sld [smem:$0x3FD9]  }
0x89: {  	s3 =	sld [smem:$0x3FFE];
	_ =	sdelay $0x1  }
0x8a: {  	s1 =	srdreg.scid  }
0x8b: {  	s0 =	sand.u32 $0x1, s1  }
0x8c: {  	s17 =	sshll.u32 s0, $0xA;
	s2 =	sadd.s32 s3, s2  }
0x8d: {  	s2 =	sadd.s32 s2, s17  }
0x8e: {  	[smem:$0x3FBD] =	sst s2  }
0x8f: {  	_ = 	snop  }
0x90: {  	s2 =	sld [smem:$0x3FC9]  }
0x91: {  	s18 =	sld [smem:$0x3FC8]  }
0x92: {  	s4 =	sld [smem:$0x3FC7]  }
0x93: {  	s5 =	sld [smem:$0x3FC6]  }
0x94: {  	s6 =	sld [smem:$0x3FC5]  }
0x95: {  	s7 =	sld [smem:$0x3FC4];
	(tm) =	ssettm $0x1  }
0x96: {  	s8 =	sld [smem:$0x3FFB];
	_ =	sdelay $0x3  }
0x97: {  	_ =	strace s8  }
0x98: {  	s8 =	sld [smem:$0x3FFC];
	_ =	sdelay $0x3  }
0x99: {  	_ =	strace s8  }
0x9a: {  	s8 =	sld [smem:$0x3FFD];
	_ =	sdelay $0x3  }
0x9b: {  	_ =	strace s8  }
0x9c: {  	_ =	strace $0x8FFFFFFF  }
0x9d: {  	s19 =	sld [smem:$0x3FDB];
	_ =	sdelay $0x1  }
0x9e: {  	s9 =	simm.s32 $_scs_section_size  }
0x9f: {  	s10 =	simm.s32 $_size__tile_overlayer_lowered;
	s11 =	simm.s32 $_tile_overlayer_lowered  }
0xa0: {  	s22 =	simm.s32 $0x1BFF;
	s21 =	sshll.u32 s11, $0x1;
	s8 =	sadd.s32 s9, s19  }
0xa1: {  	s12 =	simm.s32 $0x0;
	s20 =	sshll.u32 s10, $0x1;
	s10 =	sadd.s32 s21, s8  }
0xa2: {  	[timem:s12], [sflag:s22] =	dma.local [hbm:s10], s20  }
0xa3: {  	_ =	swait.ge [sflag:s22], s20  }
0xa4: {  	s9 =	ssub.s32 $0x0, s20;
	[sflag:s22] =	ssyncset.done $0x0  }
0xa5: {  	[sflag:s22] =	ssyncadd.s32 s9;
	_ =	sdelay $0x1  }
0xa6: {  	s23 =	simm.s32 $0x1B8B  }
0xa7: {  	_ =	swait.ge [sflag:s23], $0x1  }
0xa8: {  	[sflag:s23] =	ssyncset.done $0x0  }
0xa9: {  	s25 =	simm.s32 $0x1B8E;
	s24 =	sld [smem:$0x3FFE];
	[sflag:s23] =	ssyncadd.s32 $0xFFFFFFFF  }
0xaa: {  	s26 =	simm.s32 $execute0_lowered;
	[smem:$0x3FD2] =	sst s25  }
0xab: {  	s10 =	sshll.u32 s26, $0x1;
	_ =	strace $0x80000046;
	[dreg:$0x1] =	wrdreg $0xFFFFFFFF  }
0xac: {  	s28 =	simm.s32 $_size_execute0_lowered;
	s8 =	sadd.s32 s8, s10;
	[dreg:$0x0] =	wrdreg $0x0  }
0xad: {  	s10 =	sshll.u32 s28, $0x1;
	[dreg:$0x2] =	wrdreg s8  }
0xae: {  	[dreg:$0x3] =	wrdreg s10  }
0xaf: {  	[dreg:$0x4] =	wrdreg $0xC0  }
0xb0: {  	_ =	task [dreg:s12], $0x5FFFF  }
0xb1: {  	[dreg:$0x1] =	wrdreg $0xFFFFFFFF  }
0xb2: {  	[dreg:$0x0] =	wrdreg $0x60  }
0xb3: {  	[dreg:$0x2] =	wrdreg s2  }
0xb4: {  	[dreg:$0x3] =	wrdreg s18  }
0xb5: {  	[dreg:$0x4] =	wrdreg s4  }
0xb6: {  	[dreg:$0x5] =	wrdreg s5  }
0xb7: {  	[dreg:$0x6] =	wrdreg s6  }
0xb8: {  	[dreg:$0x7] =	wrdreg s7  }
0xb9: {  	[dreg:$0x8] =	wrdreg s24  }
0xba: {  	[dreg:$0x9] =	wrdreg $0xA  }
0xbb: {  	_ =	task.clear_ibuf [dreg:s12], $0xAFFFF;
	_ =	strace $0x90000046  }
0xbc: {  	s29 =	simm.s32 $0xA;
	_ =	strace $0x80000048  }
0xbd: {  	_ =	swait.ge [sflag:s29], $0x1  }
0xbe: {  	[sflag:s29] =	ssyncadd.s32 $0xFFFFFFFF  }
0xbf: {  	_ =	strace $0x90000048  }
0xc0: {  	_ =	sfence  }
0xc1: {  	s30 =	sld [smem:$0x0];
	_ =	sdelay $0x2  }
0xc2: {  	s31 =	sshll.u32 s1, $0xD;
	s1 =	sshrl.u32 s1, $0x2  }
0xc3: {  	s3 =	sand.u32 $0x4000, s31;
	s1 =	sadd.s32 s1, s30  }
0xc4: {  	s0 =	sor.u32 s3, s0;
	s1 =	sshll.u32 s1, $0x11  }
0xc5: {  	s0 =	sor.u32 s1, s0  }
0xc6: {  	s0 =	sadd.s32 $0x8F2B, s0  }
0xc7: {  	[sflag:s0] =	ssyncadd.remote.s32 $0x1  }
0xc8: {  	_ =	sfence.sel $0xFFFF  }
0xc9: {  	[dreg:$0x0] =	wrdreg $0xFFFFFFFF;
	(pc) =	sbr.abs _section_cstart, $3  }
0xca: {  	[dreg:$0x1] =	wrdreg $0xFFFFFFFF  }
0xcb: {  	_ =	task.clear_ibuf [dreg:s12], $0x2FFFF;
	_ =	strace $0x9FFFFFFF  }
0xcc: {  	(tm) =	ssettm $0x7FFFFFFF  }
0xcd: {  	_ =	shalt  }
tec
execute0_lowered:
.L_overlay_start_1:
0x0: {  	(tag) =	ssettag $0x1  }
0x1: {  	s0 =	rddreg [dreg:$0x0]  }
0x2: {  	s1 =	rddreg [dreg:$0x1]  }
0x3: {  	s2 =	rddreg [dreg:$0x6]  }
0x4: {  	s6 =	simm.s32 $0x0;
	s3 =	srdreg.scid;
	s5 =	stileid.u32  }
0x5: {  	s16 =	simm.s32 $0xF;
	s17 =	simm.s32 $0x100;
	s28 =	simm.s32 $0x1  }
0x6: {  	s29 =	simm.s32 $0x2;
	s30 =	simm.s32 $0x5;
	s31 =	simm.s32 $0x3  }
0x7: {  	s10 =	simm.s32 $0x0;
	[smem:$0x7FF] =	sst s6;
	s3 =	sand.u32 $0x1, s3  }
0x8: {  	s4 =	sadd.s32 $0x2600, s2;
	s5 =	sshll.u32 s5, $0x9;
	s8 =	sadd.s32 $0x22600, s2  }
0x9: {  	s2 =	sadd.s32 $0x42600, s2;
	s7 =	sshll.u32 s3, $0x8;
	s3 =	ssub.s32 $0x2, s3  }
0xa: {  	_ =	strace $0x80000047;
	s5 =	sor.u32 s7, s5;
	s18 =	sshrl.u32 s3, $0x1  }
0xb: {  	s7 =	simm.s32 $0xC;
	s9 =	sshrl.u32 s5, $0x3;
	s3 =	ssub.s32 s3, s18  }
0xc: {  	s5 =	sshll.u32 s5, $0x4;
	s18 =	simm.s32 $0x80;
	s19 =	sor.u32 $0x400, s9  }
0xd: {  	s21 =	sor.u32 $0x800, s5;
	s22 =	sadd.s32 s4, s5;
	s23 =	sadd.s32 s8, s5  }
0xe: {  	s25 =	sadd.s32 s2, s5;
	s15 =	smax.u32 s3, $0x1;
	s5 =	simm.s32 $0x6  }
0xf: {  	s3 =	simm.s32 $0xA;
	s9 =	simm.s32 $0xE;
	[dreg:$0xa] =	wrdreg s22  }
0x10: {  	s0 =	sadd.s32 s0, s19;
	s20 =	sadd.s32 s1, s19;
	[dreg:$0xb] =	wrdreg s23  }
0x11: {  	s24 =	sadd.s32 s4, s21;
	[dreg:$0xd] =	wrdreg s25;
	s26 =	sadd.s32 s8, s21  }
0x12: {  	s14 =	sadd.s32 s2, s21;
	s19 =	simm.s32 $0x200;
	s21 =	simm.s32 $0x4200  }
0x13: {  	s22 =	simm.s32 $0x180;
	s25 =	simm.s32 $0x14200;
	[dreg:$0x8] =	wrdreg s0  }
0x14: {  	s23 =	simm.s32 $0x7;
	s1 =	simm.s32 $0x9;
	[dreg:$0x9] =	wrdreg s20  }
0x15: {  	s2 =	simm.s32 $0x8;
	s4 =	simm.s32 $0xB;
	[dreg:$0xc] =	wrdreg s24  }
0x16: {  	s8 =	simm.s32 $0xD;
	[dreg:$0xe] =	wrdreg s26;
	s20 =	simm.s32 $0x8200  }
0x17: {  	s24 =	simm.s32 $0x10200;
	s26 =	simm.s32 $0x18200;
	s0 =	simm.s32 $0x4  }
.LBB2_1:
0x18: {  	s11 =	rddreg [dreg:$0x8]  }
0x19: {  	[tilespmem:s6], [sflag:$0xF] =	stream.linear.gather [hbm4b:s11+s6], $0x100, $0x38;
	[tilespmem:$0x1C200] =	vst v63  }
0x1a: {  	_ =	swait.ge [sflag:s16], $0x100  }
0x1b: {  	[sflag:s16] =	ssyncset.done $0x0  }
0x1c: {  	s12 =	rddreg [dreg:$0x9];
	[sflag:s16] =	ssyncadd.s32 $0xFFFFFF00  }
0x1d: {  	[tilespmem:s17], [sflag:$0xF] =	stream.linear.gather [hbm4b:s12+s6], $0x100, $0x38;
	[tilespmem:$0x1C200] =	vst v63  }
0x1e: {  	_ =	swait.ge [sflag:s16], $0x100  }
0x1f: {  	[sflag:s16] =	ssyncset.done $0x0  }
0x20: {  	[sflag:s16] =	ssyncadd.s32 $0xFFFFFF00  }
0x21: {  	s13 =	rddreg [dreg:$0x2]  }
0x22: {  	[tilespmem:s19], [sflag:$0x1] =	stream.indirect.gather [hbm4b:s13+s18], $0x80, s6, s18, $0xb8;
	[tilespmem:$0x1C200] =	vst v63  }
0x23: {  	s12 =	rddreg [dreg:$0x3]  }
0x24: {  	[tilespmem:s20], [sflag:$0x2] =	stream.indirect.gather [hbm4b:s12+s18], $0x80, s17, s18, $0xb8;
	[tilespmem:$0x1C200] =	vst v63  }
0x25: {  	_ = 	snop  }
0x26: {  	[tilespmem:s21], [sflag:$0x3] =	stream.indirect.gather [hbm4b:s13+s18], $0x80, s18, s18, $0xb8;
	[tilespmem:$0x1C200] =	vst v63  }
0x27: {  	s13 =	simm.s32 $0xC200  }
0x28: {  	[tilespmem:s13], [sflag:$0x4] =	stream.indirect.gather [hbm4b:s12+s18], $0x80, s22, s18, $0xb8;
	[tilespmem:$0x1C200] =	vst v63  }
0x29: {  	s11 =	rddreg [dreg:$0x4]  }
0x2a: {  	[tilespmem:s24], [sflag:$0x5] =	stream.indirect.gather [hbm4b:s11+s18], $0x80, s6, s18, $0xb8;
	[tilespmem:$0x1C200] =	vst v63  }
0x2b: {  	s13 =	rddreg [dreg:$0x5]  }
0x2c: {  	[tilespmem:s25], [sflag:$0x6] =	stream.indirect.gather [hbm4b:s13+s18], $0x80, s17, s18, $0xb8;
	[tilespmem:$0x1C200] =	vst v63  }
0x2d: {  	_ = 	snop  }
0x2e: {  	[tilespmem:s26], [sflag:$0x7] =	stream.indirect.gather [hbm4b:s11+s18], $0x80, s18, s18, $0xb8;
	[tilespmem:$0x1C200] =	vst v63  }
0x2f: {  	_ =	swait.ge [sflag:s28], $0x4000  }
0x30: {  	[sflag:s28] =	ssyncset.done $0x0  }
0x31: {  	[sflag:s28] =	ssyncadd.s32 $0xFFFFC000  }
0x32: {  	_ =	swait.ge [sflag:s29], $0x4000  }
0x33: {  	[sflag:s29] =	ssyncset.done $0x0  }
0x34: {  	s11 =	simm.s32 $0x0;
	[sflag:s29] =	ssyncadd.s32 $0xFFFFC000  }
0x35: {  	v7 =	vld [tilespmem:s11+$0x8200]  }
0x36: {  	v11 =	vld [tilespmem:s11+$0x8210]  }
0x37: {  	v5 =	vld [tilespmem:s11+$0x8220]  }
0x38: {  	v4 =	vld [tilespmem:s11+$0x8230]  }
0x39: {  	v3 =	vld [tilespmem:s11+$0x8240]  }
0x3a: {  	v2 =	vld [tilespmem:s11+$0x8250]  }
0x3b: {  	v1 =	vld [tilespmem:s11+$0x8260]  }
0x3c: {  	v0 =	vld [tilespmem:s11+$0x8270]  }
0x3d: {  	v12 =	vld [tilespmem:s11+$0x200]  }
0x3e: {  	v13 =	vld [tilespmem:s11+$0x210]  }
0x3f: {  	v10 =	vld [tilespmem:s11+$0x220]  }
0x40: {  	v9 =	vld [tilespmem:s11+$0x230]  }
0x41: {  	v8 =	vld [tilespmem:s11+$0x240]  }
0x42: {  	v6 =	vld [tilespmem:s11+$0x250];
	v12 =	vmul.f32 v7, v12  }
0x43: {  	s12 =	simm.s32 $0x200;
	v11 =	vmul.f32 v11, v13;
	v7 =	vld [tilespmem:s11+$0x260]  }
.LBB2_2:
0x44: {  	s13 =	sshra.s32 s12, $0x2;
	p0 =	sne.s32 s12, $0xFE00;
	[tilespmem:s11+$0x200] =	vst v12;
	v5 =	vmul.f32 v5, v10;
	v10 =	vld [tilespmem:s11+$0x270]  }
0x45: {  	v12 =	vld [tilespmem:s13+$0x8200];
	[tilespmem:s11+$0x210] =	vst v11;
	v4 =	vmul.f32 v4, v9  }
0x46: {  	v11 =	vld [tilespmem:s13+$0x8210];
	[tilespmem:s11+$0x220] =	vst v5;
	v3 =	vmul.f32 v3, v8  }
0x47: {  	v5 =	vld [tilespmem:s13+$0x8220];
	[tilespmem:s11+$0x230] =	vst v4;
	v2 =	vmul.f32 v2, v6  }
0x48: {  	v4 =	vld [tilespmem:s13+$0x8230];
	[tilespmem:s11+$0x240] =	vst v3;
	v1 =	vmul.f32 v1, v7  }
0x49: {  	v3 =	vld [tilespmem:s13+$0x8240];
	[tilespmem:s11+$0x250] =	vst v2;
	v0 =	vmul.f32 v0, v10  }
0x4a: {  	v2 =	vld [tilespmem:s13+$0x8250];
	[tilespmem:s11+$0x260] =	vst v1  }
0x4b: {  	v1 =	vld [tilespmem:s13+$0x8260];
	[tilespmem:s11+$0x270] =	vst v0;
	s11 =	smov.u32 s13  }
0x4c: {  	v0 =	vld [tilespmem:s11+$0x8270]  }
0x4d: {  	v6 =	vld [tilespmem:s11+$0x200]  }
0x4e: {  	v7 =	vld [tilespmem:s11+$0x210]  }
.Ltmp0:
0x4f: {  	v10 =	vld [tilespmem:s11+$0x220];
	(pc) =	sbr.rel @p0 .LBB2_2-.Ltmp0, $4  }
0x50: {  	v9 =	vld [tilespmem:s11+$0x230]  }
0x51: {  	v8 =	vld [tilespmem:s11+$0x240]  }
0x52: {  	v12 =	vmul.f32 v12, v6;
	v6 =	vld [tilespmem:s11+$0x250]  }
0x53: {  	s12 =	sadd.s32 $0x200, s12;
	v11 =	vmul.f32 v11, v7;
	v7 =	vld [tilespmem:s11+$0x260]  }
0x54: {  	[tilespmem:s11+$0x200] =	vst v12;
	v5 =	vmul.f32 v5, v10;
	v10 =	vld [tilespmem:s11+$0x270]  }
0x55: {  	[tilespmem:s11+$0x210] =	vst v11;
	v4 =	vmul.f32 v4, v9  }
0x56: {  	[tilespmem:s11+$0x220] =	vst v5;
	v3 =	vmul.f32 v3, v8  }
0x57: {  	[tilespmem:s11+$0x230] =	vst v4;
	v2 =	vmul.f32 v2, v6  }
0x58: {  	[tilespmem:s11+$0x240] =	vst v3;
	v1 =	vmul.f32 v1, v7  }
0x59: {  	[tilespmem:s11+$0x250] =	vst v2;
	v0 =	vmul.f32 v0, v10  }
0x5a: {  	[tilespmem:s11+$0x260] =	vst v1  }
0x5b: {  	s12 =	rddreg [dreg:$0xa];
	[tilespmem:s11+$0x270] =	vst v0;
	s11 =	simm.s32 $0x0  }
0x5c: {  	[hbm4b:s12+s11] =	stream.linear.scatter [tilespmem:s19], [sflag:$0x8], $0x4000, $0x38;
	[tilespmem:$0x1C200] =	vst v63  }
0x5d: {  	s13 =	rddreg [dreg:$0x5]  }
0x5e: {  	[tilespmem:s20], [sflag:$0x9] =	stream.indirect.gather [hbm4b:s13+s18], $0x80, s22, s18, $0xb8;
	[tilespmem:$0x1C200] =	vst v63  }
0x5f: {  	_ =	swait.ge [sflag:s30], $0x4000  }
0x60: {  	[sflag:s30] =	ssyncset.done $0x0  }
0x61: {  	s13 =	rddreg [dreg:$0xb];
	[sflag:s30] =	ssyncadd.s32 $0xFFFFC000  }
0x62: {  	[hbm4b:s13+s11] =	stream.linear.scatter [tilespmem:s24], [sflag:$0xA], $0x4000, $0x38;
	[tilespmem:$0x1C200] =	vst v63  }
0x63: {  	_ =	swait.ge [sflag:s31], $0x4000  }
0x64: {  	[sflag:s31] =	ssyncset.done $0x0  }
0x65: {  	[sflag:s31] =	ssyncadd.s32 $0xFFFFC000  }
0x66: {  	_ =	swait.ge [sflag:s0], $0x4000  }
0x67: {  	[sflag:s0] =	ssyncset.done $0x0  }
0x68: {  	s11 =	simm.s32 $0x0;
	[sflag:s0] =	ssyncadd.s32 $0xFFFFC000  }
0x69: {  	v7 =	vld [tilespmem:s11+$0xC200]  }
0x6a: {  	v11 =	vld [tilespmem:s11+$0xC210]  }
0x6b: {  	v5 =	vld [tilespmem:s11+$0xC220]  }
0x6c: {  	v4 =	vld [tilespmem:s11+$0xC230]  }
0x6d: {  	v3 =	vld [tilespmem:s11+$0xC240]  }
0x6e: {  	v2 =	vld [tilespmem:s11+$0xC250]  }
0x6f: {  	v1 =	vld [tilespmem:s11+$0xC260]  }
0x70: {  	v0 =	vld [tilespmem:s11+$0xC270]  }
0x71: {  	v12 =	vld [tilespmem:s11+$0x4200]  }
0x72: {  	v13 =	vld [tilespmem:s11+$0x4210]  }
0x73: {  	v10 =	vld [tilespmem:s11+$0x4220]  }
0x74: {  	v9 =	vld [tilespmem:s11+$0x4230]  }
0x75: {  	v8 =	vld [tilespmem:s11+$0x4240]  }
0x76: {  	v6 =	vld [tilespmem:s11+$0x4250];
	v12 =	vmul.f32 v7, v12  }
0x77: {  	s12 =	simm.s32 $0x200;
	v11 =	vmul.f32 v11, v13;
	v7 =	vld [tilespmem:s11+$0x4260]  }
.LBB2_4:
0x78: {  	s13 =	sshra.s32 s12, $0x2;
	p0 =	sne.s32 s12, $0xFE00;
	[tilespmem:s11+$0x4200] =	vst v12;
	v5 =	vmul.f32 v5, v10;
	v10 =	vld [tilespmem:s11+$0x4270]  }
0x79: {  	v12 =	vld [tilespmem:s13+$0xC200];
	[tilespmem:s11+$0x4210] =	vst v11;
	v4 =	vmul.f32 v4, v9  }
0x7a: {  	v11 =	vld [tilespmem:s13+$0xC210];
	[tilespmem:s11+$0x4220] =	vst v5;
	v3 =	vmul.f32 v3, v8  }
0x7b: {  	v5 =	vld [tilespmem:s13+$0xC220];
	[tilespmem:s11+$0x4230] =	vst v4;
	v2 =	vmul.f32 v2, v6  }
0x7c: {  	v4 =	vld [tilespmem:s13+$0xC230];
	[tilespmem:s11+$0x4240] =	vst v3;
	v1 =	vmul.f32 v1, v7  }
0x7d: {  	v3 =	vld [tilespmem:s13+$0xC240];
	[tilespmem:s11+$0x4250] =	vst v2;
	v0 =	vmul.f32 v0, v10  }
0x7e: {  	v2 =	vld [tilespmem:s13+$0xC250];
	[tilespmem:s11+$0x4260] =	vst v1  }
0x7f: {  	v1 =	vld [tilespmem:s13+$0xC260];
	[tilespmem:s11+$0x4270] =	vst v0;
	s11 =	smov.u32 s13  }
0x80: {  	v0 =	vld [tilespmem:s11+$0xC270]  }
0x81: {  	v6 =	vld [tilespmem:s11+$0x4200]  }
0x82: {  	v7 =	vld [tilespmem:s11+$0x4210]  }
.Ltmp1:
0x83: {  	v10 =	vld [tilespmem:s11+$0x4220];
	(pc) =	sbr.rel @p0 .LBB2_4-.Ltmp1, $4  }
0x84: {  	v9 =	vld [tilespmem:s11+$0x4230]  }
0x85: {  	v8 =	vld [tilespmem:s11+$0x4240]  }
0x86: {  	v12 =	vmul.f32 v12, v6;
	v6 =	vld [tilespmem:s11+$0x4250]  }
0x87: {  	s12 =	sadd.s32 $0x200, s12;
	v11 =	vmul.f32 v11, v7;
	v7 =	vld [tilespmem:s11+$0x4260]  }
0x88: {  	[tilespmem:s11+$0x4200] =	vst v12;
	v5 =	vmul.f32 v5, v10;
	v63 =	vld [tilespmem:s11+$0x4270]  }
0x89: {  	[tilespmem:s11+$0x4210] =	vst v11;
	v4 =	vmul.f32 v4, v9  }
0x8a: {  	[tilespmem:s11+$0x4220] =	vst v5;
	v3 =	vmul.f32 v3, v8  }
0x8b: {  	[tilespmem:s11+$0x4230] =	vst v4;
	v2 =	vmul.f32 v2, v6  }
0x8c: {  	[tilespmem:s11+$0x4240] =	vst v3;
	v1 =	vmul.f32 v1, v7  }
0x8d: {  	[tilespmem:s11+$0x4250] =	vst v2;
	v0 =	vmul.f32 v0, v63  }
0x8e: {  	[tilespmem:s11+$0x4260] =	vst v1  }
0x8f: {  	s13 =	rddreg [dreg:$0xc];
	[tilespmem:s11+$0x4270] =	vst v0  }
0x90: {  	[hbm4b:s13+s6] =	stream.linear.scatter [tilespmem:s21], [sflag:$0xB], $0x4000, $0x38;
	[tilespmem:$0x1C200] =	vst v63  }
0x91: {  	_ =	swait.ge [sflag:s5], $0x4000  }
0x92: {  	[sflag:s5] =	ssyncset.done $0x0  }
0x93: {  	s12 =	rddreg [dreg:$0xd];
	[sflag:s5] =	ssyncadd.s32 $0xFFFFC000  }
0x94: {  	[hbm4b:s12+s6] =	stream.linear.scatter [tilespmem:s25], [sflag:$0xC], $0x4000, $0x38;
	[tilespmem:$0x1C200] =	vst v63  }
0x95: {  	_ =	swait.ge [sflag:s23], $0x4000  }
0x96: {  	[sflag:s23] =	ssyncset.done $0x0  }
0x97: {  	s13 =	rddreg [dreg:$0xe];
	[sflag:s23] =	ssyncadd.s32 $0xFFFFC000  }
0x98: {  	[hbm4b:s13+s6] =	stream.linear.scatter [tilespmem:s26], [sflag:$0xD], $0x4000, $0x38;
	[tilespmem:$0x1C200] =	vst v63  }
0x99: {  	_ =	swait.ge [sflag:s1], $0x4000  }
0x9a: {  	[sflag:s1] =	ssyncset.done $0x0  }
0x9b: {  	[sflag:s1] =	ssyncadd.s32 $0xFFFFC000  }
0x9c: {  	[hbm4b:s14+s6] =	stream.linear.scatter [tilespmem:s20], [sflag:$0xE], $0x4000, $0x38;
	[tilespmem:$0x1C200] =	vst v63  }
0x9d: {  	_ =	swait.ge [sflag:s2], $0x4000  }
0x9e: {  	[sflag:s2] =	ssyncset.done $0x0  }
0x9f: {  	[sflag:s2] =	ssyncadd.s32 $0xFFFFC000  }
0xa0: {  	_ =	swait.ge [sflag:s3], $0x4000  }
0xa1: {  	[sflag:s3] =	ssyncset.done $0x0  }
0xa2: {  	[sflag:s3] =	ssyncadd.s32 $0xFFFFC000  }
0xa3: {  	_ =	swait.ge [sflag:s4], $0x4000  }
0xa4: {  	[sflag:s4] =	ssyncset.done $0x0  }
0xa5: {  	[sflag:s4] =	ssyncadd.s32 $0xFFFFC000  }
0xa6: {  	_ =	swait.ge [sflag:s7], $0x4000  }
0xa7: {  	[sflag:s7] =	ssyncset.done $0x0  }
0xa8: {  	s10 =	sadd.s32 $0x1, s10;
	[sflag:s7] =	ssyncadd.s32 $0xFFFFC000  }
0xa9: {  	p0 =	sne.s32 s10, s15;
	_ =	swait.ge [sflag:s8], $0x4000  }
.Ltmp2:
0xaa: {  	[sflag:s8] =	ssyncset.done $0x0;
	(pc) =	sbr.rel @p0 .LBB2_1-.Ltmp2, $4  }
0xab: {  	[sflag:s8] =	ssyncadd.s32 $0xFFFFC000  }
0xac: {  	_ =	swait.ge [sflag:s9], $0x4000  }
0xad: {  	[sflag:s9] =	ssyncset.done $0x0  }
0xae: {  	[sflag:s9] =	ssyncadd.s32 $0xFFFFC000  }
0xaf: {  	_ =	sfence.sel $0x180000  }
0xb0: {  	[bflag:$0x0] =	sbarrier.arrive $0xFFFF  }
0xb1: {  	_ =	strace $0x90000047  }
0xb2: {  	s0 =	stileid.u32;
	[bflag:$0x2] =	sbarrier.arrive $0xFFFF  }
0xb3: {  	p0 =	sne.s32 s0, $0x0;
	s0 =	rddreg [dreg:$0x7]  }
0xb4: {  	s0 =	sadd.s32 @!p0 $0x100000, s0  }
0xb5: {  	[sflag:s0] =	ssyncadd.tile.s32 @!p0 $0x1;
	_ =	shalt  }
.Lfunc_end2:
_tile_overlayer_lowered:
.L_overlay_start_2:
0xb6: {  	(tag) =	ssettag $0x2  }
0xb7: {  	s0 =	rddreg [dreg:$0x0];
	s2 =	stileid.u32  }
0xb8: {  	s1 =	rddreg [dreg:$0x1];
	p0 =	sne.s32 s2, $0x0  }
0xb9: {  	s3 =	rddreg [dreg:$0x2];
	[bflag:$0x3] =	sbarrier.arrive $0xFFFF;
	s2 =	simm.s32 @!p0 $0x1C0F  }
0xba: {  	[timem:s3], [sflag:s2] =	dma.local @!p0 [hbm:s0], s1  }
0xbb: {  	s0 =	simm.s32 @!p0 $0xF  }
0xbc: {  	_ =	swait.ge @!p0 [sflag:s0], s1  }
0xbd: {  	s1 =	ssub.s32 @!p0 $0x0, s1;
	[sflag:s0] =	ssyncset.done @!p0 $0x0  }
0xbe: {  	[sflag:s0] =	ssyncadd.s32 @!p0 s1  }
0xbf: {  	[bflag:$0x3] =	sbarrier.arrive $0xFFFF  }
0xc0: {  	_ =	shalt  }

</sc_bundles>
